<compile_context>
chip_gen: v7x
topology: tpu7x:2x2x1
jax: 0.10.2.dev20260603
libtpu: 0.0.44.dev20260713+nightly
codegen_flags: <defaults>
</compile_context>

<pallas_src>
import functools

import jax
import jax.numpy as jnp
from jax import lax
from jax.experimental import pallas as pl
from jax.experimental.pallas import tpu as pltpu
from jax.experimental.pallas import tpu_sc as plsc

NC = 2
NS = 16
NW = NC * NS
LANES = 128


def _deg_body(col_hbm, ew_hbm, init_hbm, degp_hbm, deg_sh, colv, wv,
              *, npad, rpw, nchunk, ck, extra):
    cid = lax.axis_index("c")
    sid = lax.axis_index("s")
    wid = sid * NC + cid
    nps = npad // NS
    nsl = pl.ds(sid * nps, nps)
    pltpu.sync_copy(init_hbm.at[cid, nsl], deg_sh.at[nsl])
    plsc.subcore_barrier()

    def chunk(ci, carry):
        r0 = wid * rpw + ci * ck
        pltpu.sync_copy(col_hbm.at[pl.ds(r0, ck)], colv)
        pltpu.sync_copy(ew_hbm.at[pl.ds(r0 * LANES, ck * LANES)], wv)
        for j in range(ck):
            pltpu.sync_copy(wv.at[pl.ds(j * LANES, LANES)],
                            deg_sh.at[colv.at[j]], add=True)
        return carry

    lax.fori_loop(0, nchunk, chunk, 0)

    @pl.when(wid < extra)
    def _():
        r0 = rpw * NW + wid
        pltpu.sync_copy(col_hbm.at[pl.ds(r0, 1)], colv.at[pl.ds(0, 1)])
        pltpu.sync_copy(ew_hbm.at[pl.ds(r0 * LANES, LANES)],
                        wv.at[pl.ds(0, LANES)])
        pltpu.sync_copy(wv.at[pl.ds(0, LANES)], deg_sh.at[colv.at[0]],
                        add=True)

    plsc.subcore_barrier()
    pltpu.sync_copy(deg_sh.at[nsl], degp_hbm.at[cid, nsl])


def _agg_body(row_hbm, col_hbm, ew_hbm, y_hbm, zero_hbm, aggp_hbm,
              agg_sh, rowv, colv, wv, xg, ctr, sem,
              *, npad, p, rpw, nchunk, ck, extra):
    cid = lax.axis_index("c")
    sid = lax.axis_index("s")
    wid = sid * NC + cid
    nps = npad // NS
    nsl = pl.ds(sid * nps, nps)
    pltpu.sync_copy(zero_hbm.at[nsl], agg_sh.at[nsl])
    plsc.subcore_barrier()

    def process(r0, nrows):
        pltpu.sync_copy(row_hbm.at[pl.ds(r0, nrows)],
                        rowv.at[pl.ds(0, nrows)])
        pltpu.sync_copy(col_hbm.at[pl.ds(r0, nrows)],
                        colv.at[pl.ds(0, nrows)])
        pltpu.sync_copy(ew_hbm.at[pl.ds(r0 * LANES, nrows * LANES)],
                        wv.at[pl.ds(0, nrows * LANES)])
        for j in range(nrows):
            pltpu.async_copy(y_hbm.at[rowv.at[j]],
                             xg.at[pl.ds(j * LANES, LANES)], sem).wait()

        def egrp(k, carry):
            lin = k * 16 + lax.iota(jnp.int32, 16)
            e = lin >> 3
            t = lin & 7
            s16 = plsc.load_gather(wv, [e])
            xv = plsc.load_gather(xg, [e, t])
            plsc.store_scatter(ctr, [e, t], s16 * xv)
            return carry

        lax.fori_loop(0, nrows * LANES * p // 16, egrp, 0)

        for j in range(nrows):
            pltpu.sync_copy(ctr.at[pl.ds(j * LANES, LANES)],
                            agg_sh.at[colv.at[j]], add=True)

    def chunk(ci, carry):
        process(wid * rpw + ci * ck, ck)
        return carry

    lax.fori_loop(0, nchunk, chunk, 0)

    @pl.when(wid < extra)
    def _():
        process(rpw * NW + wid, 1)

    plsc.subcore_barrier()
    pltpu.sync_copy(agg_sh.at[nsl], aggp_hbm.at[cid, nsl])


def _dinv_body(degp_ref, xt3_ref, dinv_ref, yt3_ref):
    s = degp_ref[0] + degp_ref[1]
    r0 = lax.rsqrt(s)
    di = r0 * (1.5 - 0.5 * s * r0 * r0)
    dinv_ref[...] = di
    xb = xt3_ref[...].astype(jnp.bfloat16).astype(jnp.float32)
    yt3_ref[...] = xb * di[None, :, :]


def _dense_body(aggp_ref, x_ref, dinv_ref, s_ref, g2_ref, wz_ref, bz_ref,
                wh_ref, bh_ref, lz_ref, lh_ref, lzb_ref, lhb_ref, pr_ref,
                lw_ref, lb_ref, out_ref):
    hi = lax.Precision.HIGHEST
    di = dinv_ref[...]
    xb = x_ref[...].astype(jnp.bfloat16).astype(jnp.float32)
    a = (aggp_ref[0] + aggp_ref[1] + di * xb) * di
    a256 = jnp.dot(a, s_ref[...], preferred_element_type=jnp.float32,
                   precision=hi)
    cz = (a256 * wz_ref[...] + bz_ref[...]).astype(jnp.bfloat16)
    ch_ = (a256 * wh_ref[...] + bh_ref[...]).astype(jnp.bfloat16)
    u = jnp.dot(cz, lz_ref[...], preferred_element_type=jnp.float32) + lzb_ref[...]
    v = jnp.dot(ch_, lh_ref[...], preferred_element_type=jnp.float32) + lhb_ref[...]
    w = (1.0 - jax.nn.sigmoid(u)) * jnp.tanh(v) * pr_ref[...]
    hid = w.shape[1] // 8
    acc = w[:, 0:hid]
    for t in range(1, 8):
        acc = acc + w[:, t * hid:(t + 1) * hid]
    h = jnp.maximum(acc, 0.0).astype(jnp.bfloat16)
    out_ref[...] = (jnp.dot(h, lw_ref[...], preferred_element_type=jnp.float32)
                    + lb_ref[...])


def kernel(x, edge_index, edge_weight, attention, Wz, bz, Wr, br, Wh, bh,
           Lzw, Lzb, Lrw, Lrb, Lhw, Lhb, lin_w, lin_b):
    n, p = x.shape
    e = edge_index.shape[1]
    hid = Wz.shape[1]
    assert e % LANES == 0
    erows = e // LANES
    rpw = erows // NW
    extra = erows - rpw * NW
    ck = 1
    for cand in range(15, 0, -1):
        if rpw % cand == 0:
            ck = cand
            break
    nchunk = rpw // ck
    align = NS * LANES
    npad = ((n + align - 1) // align) * align

    row2 = edge_index[0].reshape(erows, LANES)
    col2 = edge_index[1].reshape(erows, LANES)
    xp = jnp.concatenate([x, jnp.zeros((npad - n, p), jnp.float32)], axis=0)
    init_deg = jnp.concatenate(
        [jnp.ones((1, npad), jnp.float32), jnp.zeros((1, npad), jnp.float32)],
        axis=0)
    zero8 = jnp.zeros((npad, p), jnp.float32)

    mesh = plsc.VectorSubcoreMesh(core_axis_name="c", subcore_axis_name="s")
    sc_params = pltpu.CompilerParams(use_tc_tiling_on_sc=False,
                                     needs_layout_passes=False)

    deg_fn = pl.kernel(
        functools.partial(_deg_body, npad=npad, rpw=rpw, nchunk=nchunk,
                          ck=ck, extra=extra),
        out_type=jax.ShapeDtypeStruct((NC, npad), jnp.float32),
        mesh=mesh,
        scratch_types=[
            pltpu.VMEM_SHARED((npad,), jnp.float32),
            pltpu.VMEM((ck, LANES), jnp.int32),
            pltpu.VMEM((ck * LANES,), jnp.float32),
        ],
        compiler_params=sc_params,
    )
    degp = deg_fn(col2, edge_weight, init_deg)

    dinv2, yt3 = pl.pallas_call(
        _dinv_body,
        out_shape=(
            jax.ShapeDtypeStruct((npad // LANES, LANES), jnp.float32),
            jax.ShapeDtypeStruct((p, npad // LANES, LANES), jnp.float32),
        ),
    )(degp.reshape(NC, npad // LANES, LANES),
      xp.T.reshape(p, npad // LANES, LANES))
    y = yt3.reshape(p, npad).T

    agg_fn = pl.kernel(
        functools.partial(_agg_body, npad=npad, p=p, rpw=rpw, nchunk=nchunk,
                          ck=ck, extra=extra),
        out_type=jax.ShapeDtypeStruct((NC, npad, p), jnp.float32),
        mesh=mesh,
        scratch_types=[
            pltpu.VMEM_SHARED((npad, p), jnp.float32),
            pltpu.VMEM((ck, LANES), jnp.int32),
            pltpu.VMEM((ck, LANES), jnp.int32),
            pltpu.VMEM((ck * LANES,), jnp.float32),
            pltpu.VMEM((ck * LANES, p), jnp.float32),
            pltpu.VMEM((ck * LANES, p), jnp.float32),
            pltpu.SemaphoreType.DMA,
        ],
        compiler_params=sc_params,
    )
    aggp = agg_fn(row2, col2, edge_weight, y, zero8)

    probs = jax.nn.softmax(attention)
    bf = jnp.bfloat16
    wz256 = jnp.tile(Wz[0].astype(bf).astype(jnp.float32), p)[None, :]
    bz256 = jnp.tile(bz, p)[None, :]
    wh256 = jnp.tile(Wh[0].astype(bf).astype(jnp.float32), p)[None, :]
    bh256 = jnp.tile(bh, p)[None, :]
    eye_p = jnp.eye(p, dtype=jnp.float32)
    lzblk = jnp.kron(eye_p, Lzw[:hid]).astype(bf)
    lhblk = jnp.kron(eye_p, Lhw[:hid]).astype(bf)
    lzb256 = jnp.tile(Lzb, p)[None, :]
    lhb256 = jnp.tile(Lhb, p)[None, :]
    pr = jnp.repeat(probs, hid)[None, :]
    sel = jnp.kron(eye_p, jnp.ones((1, hid), jnp.float32))
    g2 = jnp.kron(jnp.ones((p, 1), jnp.float32), jnp.eye(hid, dtype=jnp.float32))
    ph = p * hid

    br_rows = npad // 16
    grid = 16
    out_pad = pl.pallas_call(
        _dense_body,
        grid=(grid,),
        in_specs=[
            pl.BlockSpec((NC, br_rows, p), lambda i: (0, i, 0)),
            pl.BlockSpec((br_rows, p), lambda i: (i, 0)),
            pl.BlockSpec((br_rows, 1), lambda i: (i, 0)),
            pl.BlockSpec((p, ph), lambda i: (0, 0)),
            pl.BlockSpec((ph, hid), lambda i: (0, 0)),
            pl.BlockSpec((1, ph), lambda i: (0, 0)),
            pl.BlockSpec((1, ph), lambda i: (0, 0)),
            pl.BlockSpec((1, ph), lambda i: (0, 0)),
            pl.BlockSpec((1, ph), lambda i: (0, 0)),
            pl.BlockSpec((ph, ph), lambda i: (0, 0)),
            pl.BlockSpec((ph, ph), lambda i: (0, 0)),
            pl.BlockSpec((1, ph), lambda i: (0, 0)),
            pl.BlockSpec((1, ph), lambda i: (0, 0)),
            pl.BlockSpec((1, ph), lambda i: (0, 0)),
            pl.BlockSpec((hid, 1), lambda i: (0, 0)),
            pl.BlockSpec((1, 1), lambda i: (0, 0)),
        ],
        out_specs=pl.BlockSpec((br_rows, 1), lambda i: (i, 0)),
        out_shape=jax.ShapeDtypeStruct((npad, 1), jnp.float32),
    )(aggp, xp, dinv2.reshape(npad, 1), sel, g2, wz256, bz256, wh256, bh256,
      lzblk, lhblk, lzb256, lhb256, pr, lin_w.astype(bf), lin_b.reshape(1, 1))

    return out_pad[:n]

# --- scband reference (transcript-rebuilt; emitter-appended) ---
"""Pipeline reference for scband-recurrent-gcn-37769942401406 (READ-ONLY COPY).

The authoritative reference and input builder live on the scoring server;
editing this copy changes nothing except your own understanding.
"""

import jax, jax.numpy as jnp
import numpy as np

N = 50000
E = 1600000
P = 8
HID = 32


def _glorot(k, shape):
    lim = (6.0 / (shape[0] + shape[1])) ** 0.5
    return jax.random.uniform(k, shape, jnp.float32, -lim, lim)


def setup_inputs(seed: int = 0):
    key = jax.random.key(seed)
    ks = jax.random.split(key, 16)
    inp = {}
    inp["x"] = jax.random.normal(ks[0], (N, P), dtype=jnp.float32)
    inp["edge_index"] = jax.random.randint(ks[1], (2, E), 0, N, dtype=jnp.int32)
    inp["edge_weight"] = jax.random.uniform(ks[2], (E,), dtype=jnp.float32)
    inp["attention"] = jax.random.uniform(ks[3], (P,), dtype=jnp.float32)
    inp["Wz"] = _glorot(ks[4], (1, HID)); inp["bz"] = jnp.zeros((HID,), jnp.float32)
    inp["Wr"] = _glorot(ks[5], (1, HID)); inp["br"] = jnp.zeros((HID,), jnp.float32)
    inp["Wh"] = _glorot(ks[6], (1, HID)); inp["bh"] = jnp.zeros((HID,), jnp.float32)
    inp["Lzw"] = _glorot(ks[7], (2 * HID, HID)); inp["Lzb"] = jnp.ones((HID,), jnp.float32)
    inp["Lrw"] = _glorot(ks[8], (2 * HID, HID)); inp["Lrb"] = jnp.ones((HID,), jnp.float32)
    inp["Lhw"] = _glorot(ks[9], (2 * HID, HID)); inp["Lhb"] = jnp.zeros((HID,), jnp.float32)
    inp["lin_w"] = _glorot(ks[10], (HID, 1)); inp["lin_b"] = jnp.zeros((1,), jnp.float32)
    return inp


def reference(x, edge_index, edge_weight, attention, Wz, bz, Wr, br, Wh, bh,
              Lzw, Lzb, Lrw, Lrb, Lhw, Lhb, lin_w, lin_b):
    n = x.shape[0]
    loops = jnp.arange(n, dtype=edge_index.dtype)
    row = jnp.concatenate([edge_index[0], loops])
    col = jnp.concatenate([edge_index[1], loops])
    w = jnp.concatenate([edge_weight, jnp.ones((n,), edge_weight.dtype)])
    deg = jnp.zeros((n,), jnp.float32).at[col].add(w)
    dinv = jnp.where(deg > 0, deg ** -0.5, 0.0)
    norm = dinv[row] * w * dinv[col]

    def conv(xt, W, b):
        xw = xt @ W
        return jnp.zeros((n, W.shape[1]), jnp.float32).at[col].add(norm[:, None] * xw[row]) + b

    probs = jax.nn.softmax(attention)
    xv = x.reshape(n, 1, x.shape[1])
    H0 = jnp.zeros((n, HID), jnp.float32)
    H_accum = jnp.zeros((n, HID), jnp.float32)
    for t in range(P):
        Xt = xv[:, :, t]
        Z = jax.nn.sigmoid(jnp.concatenate([conv(Xt, Wz, bz), H0], axis=1) @ Lzw + Lzb)
        R = jax.nn.sigmoid(jnp.concatenate([conv(Xt, Wr, br), H0], axis=1) @ Lrw + Lrb)
        Ht = jnp.tanh(jnp.concatenate([conv(Xt, Wh, bh), H0 * R], axis=1) @ Lhw + Lhb)
        H = Z * H0 + (1.0 - Z) * Ht
        H_accum = H_accum + probs[t] * H
    h = jax.nn.relu(H_accum)
    return h @ lin_w + lin_b

if __name__ == "__main__":
    import jax
    _d = setup_inputs()
    print(jax.jit(kernel)(*tuple(_d.values())))

</pallas_src>

<mosaic_0001>
#map = affine_map<(d0, d1) -> (0, 0)>
#map1 = affine_map<(d0, d1) -> (0)>
module attributes {stable_mosaic.version = 14 : i64} {
  func.func @_deg_body(%arg0: i32, %arg1: i32, %arg2: memref<12500x128xi32, #tpu.memory_space<hbm>>, %arg3: memref<1600000xf32, #tpu.memory_space<hbm>>, %arg4: memref<2x51200xf32, #tpu.memory_space<hbm>>, %arg5: memref<2x51200xf32, #tpu.memory_space<hbm>>, %arg6: memref<51200xf32, #tpu.memory_space<vmem_shared>>, %arg7: memref<15x128xi32, #tpu.memory_space<vmem>>, %arg8: memref<1920xf32, #tpu.memory_space<vmem>>) attributes {dimension_semantics = [#tpu.dimension_semantics<core_parallel>, #tpu.dimension_semantics<subcore_parallel>], iteration_bounds = array<i64: 2, 16>, scalar_prefetch = 0 : i64, scratch_operands = 3 : i64, tpu.core_type = #tpu.core_type<sc_vector_subcore>, window_params = [{transform_indices = #map}, {transform_indices = #map1}, {transform_indices = #map}, {transform_indices = #map}]} {
    %mul3A = arith.constant 2 : i32
    %mul3A_0 = arith.muli %arg1, %mul3A : i32
    %add3A = arith.addi %mul3A_0, %arg0 : i32
    %mul3A_1 = arith.constant 3200 : i32
    %mul3A_2 = arith.muli %arg1, %mul3A_1 : i32
    "tpu.region"() ({
      %run_scoped3A = tpu.sem_alloc : memref<!tpu.dma_semaphore, #tpu.memory_space<semaphore_mem>>
      %dma_start3A = tpu.memref_slice %arg6[%mul3A_2] : memref<51200xf32, #tpu.memory_space<vmem_shared>> -> memref<3200xf32, #tpu.memory_space<vmem_shared>>
      %dma_start3A_11 = tpu.memref_slice %arg4[%arg0, %mul3A_2] : memref<2x51200xf32, #tpu.memory_space<hbm>> -> memref<1x3200xf32, #tpu.memory_space<hbm>>
      %dma_start3A_12 = tpu.memref_squeeze %dma_start3A_11 : memref<1x3200xf32, #tpu.memory_space<hbm>> -> memref<3200xf32, #tpu.memory_space<hbm>>
      tpu.enqueue_dma source(%dma_start3A_12 : memref<3200xf32, #tpu.memory_space<hbm>>) target(%dma_start3A : memref<3200xf32, #tpu.memory_space<vmem_shared>>) target_semaphore(%run_scoped3A : memref<!tpu.dma_semaphore, #tpu.memory_space<semaphore_mem>>)
      %dma_wait3A = tpu.memref_slice %arg6[%mul3A_2] : memref<51200xf32, #tpu.memory_space<vmem_shared>> -> memref<3200xf32, #tpu.memory_space<vmem_shared>>
      %dma_wait3A_13 = tpu.memref_slice %arg4[%arg0, %mul3A_2] : memref<2x51200xf32, #tpu.memory_space<hbm>> -> memref<1x3200xf32, #tpu.memory_space<hbm>>
      %dma_wait3A_14 = tpu.memref_squeeze %dma_wait3A_13 : memref<1x3200xf32, #tpu.memory_space<hbm>> -> memref<3200xf32, #tpu.memory_space<hbm>>
      tpu.wait_dma2 semaphore(%run_scoped3A : memref<!tpu.dma_semaphore, #tpu.memory_space<semaphore_mem>>) src(%dma_wait3A_14 : memref<3200xf32, #tpu.memory_space<hbm>>) dst(%dma_wait3A : memref<3200xf32, #tpu.memory_space<vmem_shared>>)
      tpu.yield
    }) : () -> ()
    %barrier3A = arith.constant 0 : index
    tpu.barrier barrier_id(%barrier3A)
    %scan3A = arith.constant 0 : i32
    %scan3A_3 = arith.constant 0 : i32
    %scan3A_4 = arith.constant 26 : i32
    %scan3A_5 = arith.addi %scan3A_3, %scan3A_4 : i32
    %scan3A_6 = arith.constant 1 : i32
    scf.for %scan3A_11 = %scan3A_3 to %scan3A_5 step %scan3A_6  : i32 {
      %mul3A_12 = arith.constant 390 : i32
      %mul3A_13 = arith.muli %add3A, %mul3A_12 : i32
      %mul3A_14 = arith.constant 15 : i32
      %mul3A_15 = arith.muli %scan3A_11, %mul3A_14 : i32
      %add3A_16 = arith.addi %mul3A_13, %mul3A_15 : i32
      "tpu.region"() ({
        %run_scoped3A_33 = tpu.sem_alloc : memref<!tpu.dma_semaphore, #tpu.memory_space<semaphore_mem>>
        %dma_start3A = arith.constant 0 : i32
        %dma_start3A_34 = tpu.memref_slice %arg2[%add3A_16, %dma_start3A] : memref<12500x128xi32, #tpu.memory_space<hbm>> -> memref<15x128xi32, #tpu.memory_space<hbm>>
        %dma_start3A_35 = arith.constant 0 : i32
        %dma_start3A_36 = tpu.memref_slice %arg2[%add3A_16, %dma_start3A_35] : memref<12500x128xi32, #tpu.memory_space<hbm>> -> memref<15x128xi32, #tpu.memory_space<hbm>>
        tpu.enqueue_dma source(%dma_start3A_36 : memref<15x128xi32, #tpu.memory_space<hbm>>) target(%arg7 : memref<15x128xi32, #tpu.memory_space<vmem>>) target_semaphore(%run_scoped3A_33 : memref<!tpu.dma_semaphore, #tpu.memory_space<semaphore_mem>>)
        %dma_wait3A = arith.constant 0 : i32
        %dma_wait3A_37 = tpu.memref_slice %arg2[%add3A_16, %dma_wait3A] : memref<12500x128xi32, #tpu.memory_space<hbm>> -> memref<15x128xi32, #tpu.memory_space<hbm>>
        %dma_wait3A_38 = arith.constant 0 : i32
        %dma_wait3A_39 = tpu.memref_slice %arg2[%add3A_16, %dma_wait3A_38] : memref<12500x128xi32, #tpu.memory_space<hbm>> -> memref<15x128xi32, #tpu.memory_space<hbm>>
        tpu.wait_dma2 semaphore(%run_scoped3A_33 : memref<!tpu.dma_semaphore, #tpu.memory_space<semaphore_mem>>) src(%dma_wait3A_39 : memref<15x128xi32, #tpu.memory_space<hbm>>) dst(%arg7 : memref<15x128xi32, #tpu.memory_space<vmem>>)
        tpu.yield
      }) : () -> ()
      %mul3A_17 = arith.constant 128 : i32
      %mul3A_18 = arith.muli %add3A_16, %mul3A_17 : i32
      "tpu.region"() ({
        %run_scoped3A_33 = tpu.sem_alloc : memref<!tpu.dma_semaphore, #tpu.memory_space<semaphore_mem>>
        %dma_start3A = tpu.memref_slice %arg3[%mul3A_18] : memref<1600000xf32, #tpu.memory_space<hbm>> -> memref<1920xf32, #tpu.memory_space<hbm>>
        %dma_start3A_34 = tpu.memref_slice %arg3[%mul3A_18] : memref<1600000xf32, #tpu.memory_space<hbm>> -> memref<1920xf32, #tpu.memory_space<hbm>>
        tpu.enqueue_dma source(%dma_start3A_34 : memref<1920xf32, #tpu.memory_space<hbm>>) target(%arg8 : memref<1920xf32, #tpu.memory_space<vmem>>) target_semaphore(%run_scoped3A_33 : memref<!tpu.dma_semaphore, #tpu.memory_space<semaphore_mem>>)
        %dma_wait3A = tpu.memref_slice %arg3[%mul3A_18] : memref<1600000xf32, #tpu.memory_space<hbm>> -> memref<1920xf32, #tpu.memory_space<hbm>>
        %dma_wait3A_35 = tpu.memref_slice %arg3[%mul3A_18] : memref<1600000xf32, #tpu.memory_space<hbm>> -> memref<1920xf32, #tpu.memory_space<hbm>>
        tpu.wait_dma2 semaphore(%run_scoped3A_33 : memref<!tpu.dma_semaphore, #tpu.memory_space<semaphore_mem>>) src(%dma_wait3A_35 : memref<1920xf32, #tpu.memory_space<hbm>>) dst(%arg8 : memref<1920xf32, #tpu.memory_space<vmem>>)
        tpu.yield
      }) : () -> ()
      %run_scoped3A = arith.constant 0 : i32
      "tpu.region"() ({
        %run_scoped3A_33 = tpu.sem_alloc : memref<!tpu.dma_semaphore, #tpu.memory_space<semaphore_mem>>
        %dma_start3A = arith.constant 0 : i32
        %dma_start3A_34 = tpu.memref_slice %arg8[%dma_start3A] : memref<1920xf32, #tpu.memory_space<vmem>> -> memref<128xf32, #tpu.memory_space<vmem>>
        %dma_start3A_35 = arith.constant 0 : i32
        %dma_start3A_36 = tpu.memref_slice %arg7[%run_scoped3A, %dma_start3A_35] : memref<15x128xi32, #tpu.memory_space<vmem>> -> memref<1x128xi32, #tpu.memory_space<vmem>>
        %dma_start3A_37 = tpu.memref_squeeze %dma_start3A_36 : memref<1x128xi32, #tpu.memory_space<vmem>> -> memref<128xi32, #tpu.memory_space<vmem>>
        %dma_start3A_38 = arith.constant 0 : i32
        %dma_start3A_39 = tpu.memref_slice %arg6[%dma_start3A_38] : memref<51200xf32, #tpu.memory_space<vmem_shared>> -> memref<51200xf32, #tpu.memory_space<vmem_shared>>
        tpu.enqueue_indirect_dma source(%dma_start3A_34 : memref<128xf32, #tpu.memory_space<vmem>>) target(%dma_start3A_39 : memref<51200xf32, #tpu.memory_space<vmem_shared>>) offsets(%dma_start3A_37 : memref<128xi32, #tpu.memory_space<vmem>>) semaphore(%run_scoped3A_33 : memref<!tpu.dma_semaphore, #tpu.memory_space<semaphore_mem>>) {add = true}
        %dma_wait3A = arith.constant 0 : i32
        %dma_wait3A_40 = tpu.memref_slice %arg8[%dma_wait3A] : memref<1920xf32, #tpu.memory_space<vmem>> -> memref<128xf32, #tpu.memory_space<vmem>>
        %dma_wait3A_41 = arith.constant 0 : i32
        %dma_wait3A_42 = tpu.memref_slice %arg7[%run_scoped3A, %dma_wait3A_41] : memref<15x128xi32, #tpu.memory_space<vmem>> -> memref<1x128xi32, #tpu.memory_space<vmem>>
        %dma_wait3A_43 = tpu.memref_squeeze %dma_wait3A_42 : memref<1x128xi32, #tpu.memory_space<vmem>> -> memref<128xi32, #tpu.memory_space<vmem>>
        %dma_wait3A_44 = arith.constant 0 : i32
        %dma_wait3A_45 = tpu.memref_slice %arg6[%dma_wait3A_44] : memref<51200xf32, #tpu.memory_space<vmem_shared>> -> memref<51200xf32, #tpu.memory_space<vmem_shared>>
        tpu.wait_indirect_dma semaphore(%run_scoped3A_33 : memref<!tpu.dma_semaphore, #tpu.memory_space<semaphore_mem>>) src(%dma_wait3A_40 : memref<128xf32, #tpu.memory_space<vmem>>) dst(%dma_wait3A_45 : memref<51200xf32, #tpu.memory_space<vmem_shared>>)
        tpu.yield
      }) : () -> ()
      %run_scoped3A_19 = arith.constant 1 : i32
      "tpu.region"() ({
        %run_scoped3A_33 = tpu.sem_alloc : memref<!tpu.dma_semaphore, #tpu.memory_space<semaphore_mem>>
        %dma_start3A = arith.constant 128 : i32
        %dma_start3A_34 = tpu.memref_slice %arg8[%dma_start3A] : memref<1920xf32, #tpu.memory_space<vmem>> -> memref<128xf32, #tpu.memory_space<vmem>>
        %dma_start3A_35 = arith.constant 0 : i32
        %dma_start3A_36 = tpu.memref_slice %arg7[%run_scoped3A_19, %dma_start3A_35] : memref<15x128xi32, #tpu.memory_space<vmem>> -> memref<1x128xi32, #tpu.memory_space<vmem>>
        %dma_start3A_37 = tpu.memref_squeeze %dma_start3A_36 : memref<1x128xi32, #tpu.memory_space<vmem>> -> memref<128xi32, #tpu.memory_space<vmem>>
        %dma_start3A_38 = arith.constant 0 : i32
        %dma_start3A_39 = tpu.memref_slice %arg6[%dma_start3A_38] : memref<51200xf32, #tpu.memory_space<vmem_shared>> -> memref<51200xf32, #tpu.memory_space<vmem_shared>>
        tpu.enqueue_indirect_dma source(%dma_start3A_34 : memref<128xf32, #tpu.memory_space<vmem>>) target(%dma_start3A_39 : memref<51200xf32, #tpu.memory_space<vmem_shared>>) offsets(%dma_start3A_37 : memref<128xi32, #tpu.memory_space<vmem>>) semaphore(%run_scoped3A_33 : memref<!tpu.dma_semaphore, #tpu.memory_space<semaphore_mem>>) {add = true}
        %dma_wait3A = arith.constant 128 : i32
        %dma_wait3A_40 = tpu.memref_slice %arg8[%dma_wait3A] : memref<1920xf32, #tpu.memory_space<vmem>> -> memref<128xf32, #tpu.memory_space<vmem>>
        %dma_wait3A_41 = arith.constant 0 : i32
        %dma_wait3A_42 = tpu.memref_slice %arg7[%run_scoped3A_19, %dma_wait3A_41] : memref<15x128xi32, #tpu.memory_space<vmem>> -> memref<1x128xi32, #tpu.memory_space<vmem>>
        %dma_wait3A_43 = tpu.memref_squeeze %dma_wait3A_42 : memref<1x128xi32, #tpu.memory_space<vmem>> -> memref<128xi32, #tpu.memory_space<vmem>>
        %dma_wait3A_44 = arith.constant 0 : i32
        %dma_wait3A_45 = tpu.memref_slice %arg6[%dma_wait3A_44] : memref<51200xf32, #tpu.memory_space<vmem_shared>> -> memref<51200xf32, #tpu.memory_space<vmem_shared>>
        tpu.wait_indirect_dma semaphore(%run_scoped3A_33 : memref<!tpu.dma_semaphore, #tpu.memory_space<semaphore_mem>>) src(%dma_wait3A_40 : memref<128xf32, #tpu.memory_space<vmem>>) dst(%dma_wait3A_45 : memref<51200xf32, #tpu.memory_space<vmem_shared>>)
        tpu.yield
      }) : () -> ()
      %run_scoped3A_20 = arith.constant 2 : i32
      "tpu.region"() ({
        %run_scoped3A_33 = tpu.sem_alloc : memref<!tpu.dma_semaphore, #tpu.memory_space<semaphore_mem>>
        %dma_start3A = arith.constant 256 : i32
        %dma_start3A_34 = tpu.memref_slice %arg8[%dma_start3A] : memref<1920xf32, #tpu.memory_space<vmem>> -> memref<128xf32, #tpu.memory_space<vmem>>
        %dma_start3A_35 = arith.constant 0 : i32
        %dma_start3A_36 = tpu.memref_slice %arg7[%run_scoped3A_20, %dma_start3A_35] : memref<15x128xi32, #tpu.memory_space<vmem>> -> memref<1x128xi32, #tpu.memory_space<vmem>>
        %dma_start3A_37 = tpu.memref_squeeze %dma_start3A_36 : memref<1x128xi32, #tpu.memory_space<vmem>> -> memref<128xi32, #tpu.memory_space<vmem>>
        %dma_start3A_38 = arith.constant 0 : i32
        %dma_start3A_39 = tpu.memref_slice %arg6[%dma_start3A_38] : memref<51200xf32, #tpu.memory_space<vmem_shared>> -> memref<51200xf32, #tpu.memory_space<vmem_shared>>
        tpu.enqueue_indirect_dma source(%dma_start3A_34 : memref<128xf32, #tpu.memory_space<vmem>>) target(%dma_start3A_39 : memref<51200xf32, #tpu.memory_space<vmem_shared>>) offsets(%dma_start3A_37 : memref<128xi32, #tpu.memory_space<vmem>>) semaphore(%run_scoped3A_33 : memref<!tpu.dma_semaphore, #tpu.memory_space<semaphore_mem>>) {add = true}
        %dma_wait3A = arith.constant 256 : i32
        %dma_wait3A_40 = tpu.memref_slice %arg8[%dma_wait3A] : memref<1920xf32, #tpu.memory_space<vmem>> -> memref<128xf32, #tpu.memory_space<vmem>>
        %dma_wait3A_41 = arith.constant 0 : i32
        %dma_wait3A_42 = tpu.memref_slice %arg7[%run_scoped3A_20, %dma_wait3A_41] : memref<15x128xi32, #tpu.memory_space<vmem>> -> memref<1x128xi32, #tpu.memory_space<vmem>>
        %dma_wait3A_43 = tpu.memref_squeeze %dma_wait3A_42 : memref<1x128xi32, #tpu.memory_space<vmem>> -> memref<128xi32, #tpu.memory_space<vmem>>
        %dma_wait3A_44 = arith.constant 0 : i32
        %dma_wait3A_45 = tpu.memref_slice %arg6[%dma_wait3A_44] : memref<51200xf32, #tpu.memory_space<vmem_shared>> -> memref<51200xf32, #tpu.memory_space<vmem_shared>>
        tpu.wait_indirect_dma semaphore(%run_scoped3A_33 : memref<!tpu.dma_semaphore, #tpu.memory_space<semaphore_mem>>) src(%dma_wait3A_40 : memref<128xf32, #tpu.memory_space<vmem>>) dst(%dma_wait3A_45 : memref<51200xf32, #tpu.memory_space<vmem_shared>>)
        tpu.yield
      }) : () -> ()
      %run_scoped3A_21 = arith.constant 3 : i32
      "tpu.region"() ({
        %run_scoped3A_33 = tpu.sem_alloc : memref<!tpu.dma_semaphore, #tpu.memory_space<semaphore_mem>>
        %dma_start3A = arith.constant 384 : i32
        %dma_start3A_34 = tpu.memref_slice %arg8[%dma_start3A] : memref<1920xf32, #tpu.memory_space<vmem>> -> memref<128xf32, #tpu.memory_space<vmem>>
        %dma_start3A_35 = arith.constant 0 : i32
        %dma_start3A_36 = tpu.memref_slice %arg7[%run_scoped3A_21, %dma_start3A_35] : memref<15x128xi32, #tpu.memory_space<vmem>> -> memref<1x128xi32, #tpu.memory_space<vmem>>
        %dma_start3A_37 = tpu.memref_squeeze %dma_start3A_36 : memref<1x128xi32, #tpu.memory_space<vmem>> -> memref<128xi32, #tpu.memory_space<vmem>>
        %dma_start3A_38 = arith.constant 0 : i32
        %dma_start3A_39 = tpu.memref_slice %arg6[%dma_start3A_38] : memref<51200xf32, #tpu.memory_space<vmem_shared>> -> memref<51200xf32, #tpu.memory_space<vmem_shared>>
        tpu.enqueue_indirect_dma source(%dma_start3A_34 : memref<128xf32, #tpu.memory_space<vmem>>) target(%dma_start3A_39 : memref<51200xf32, #tpu.memory_space<vmem_shared>>) offsets(%dma_start3A_37 : memref<128xi32, #tpu.memory_space<vmem>>) semaphore(%run_scoped3A_33 : memref<!tpu.dma_semaphore, #tpu.memory_space<semaphore_mem>>) {add = true}
        %dma_wait3A = arith.constant 384 : i32
        %dma_wait3A_40 = tpu.memref_slice %arg8[%dma_wait3A] : memref<1920xf32, #tpu.memory_space<vmem>> -> memref<128xf32, #tpu.memory_space<vmem>>
        %dma_wait3A_41 = arith.constant 0 : i32
        %dma_wait3A_42 = tpu.memref_slice %arg7[%run_scoped3A_21, %dma_wait3A_41] : memref<15x128xi32, #tpu.memory_space<vmem>> -> memref<1x128xi32, #tpu.memory_space<vmem>>
        %dma_wait3A_43 = tpu.memref_squeeze %dma_wait3A_42 : memref<1x128xi32, #tpu.memory_space<vmem>> -> memref<128xi32, #tpu.memory_space<vmem>>
        %dma_wait3A_44 = arith.constant 0 : i32
        %dma_wait3A_45 = tpu.memref_slice %arg6[%dma_wait3A_44] : memref<51200xf32, #tpu.memory_space<vmem_shared>> -> memref<51200xf32, #tpu.memory_space<vmem_shared>>
        tpu.wait_indirect_dma semaphore(%run_scoped3A_33 : memref<!tpu.dma_semaphore, #tpu.memory_space<semaphore_mem>>) src(%dma_wait3A_40 : memref<128xf32, #tpu.memory_space<vmem>>) dst(%dma_wait3A_45 : memref<51200xf32, #tpu.memory_space<vmem_shared>>)
        tpu.yield
      }) : () -> ()
      %run_scoped3A_22 = arith.constant 4 : i32
      "tpu.region"() ({
        %run_scoped3A_33 = tpu.sem_alloc : memref<!tpu.dma_semaphore, #tpu.memory_space<semaphore_mem>>
        %dma_start3A = arith.constant 512 : i32
        %dma_start3A_34 = tpu.memref_slice %arg8[%dma_start3A] : memref<1920xf32, #tpu.memory_space<vmem>> -> memref<128xf32, #tpu.memory_space<vmem>>
        %dma_start3A_35 = arith.constant 0 : i32
        %dma_start3A_36 = tpu.memref_slice %arg7[%run_scoped3A_22, %dma_start3A_35] : memref<15x128xi32, #tpu.memory_space<vmem>> -> memref<1x128xi32, #tpu.memory_space<vmem>>
        %dma_start3A_37 = tpu.memref_squeeze %dma_start3A_36 : memref<1x128xi32, #tpu.memory_space<vmem>> -> memref<128xi32, #tpu.memory_space<vmem>>
        %dma_start3A_38 = arith.constant 0 : i32
        %dma_start3A_39 = tpu.memref_slice %arg6[%dma_start3A_38] : memref<51200xf32, #tpu.memory_space<vmem_shared>> -> memref<51200xf32, #tpu.memory_space<vmem_shared>>
        tpu.enqueue_indirect_dma source(%dma_start3A_34 : memref<128xf32, #tpu.memory_space<vmem>>) target(%dma_start3A_39 : memref<51200xf32, #tpu.memory_space<vmem_shared>>) offsets(%dma_start3A_37 : memref<128xi32, #tpu.memory_space<vmem>>) semaphore(%run_scoped3A_33 : memref<!tpu.dma_semaphore, #tpu.memory_space<semaphore_mem>>) {add = true}
        %dma_wait3A = arith.constant 512 : i32
        %dma_wait3A_40 = tpu.memref_slice %arg8[%dma_wait3A] : memref<1920xf32, #tpu.memory_space<vmem>> -> memref<128xf32, #tpu.memory_space<vmem>>
        %dma_wait3A_41 = arith.constant 0 : i32
        %dma_wait3A_42 = tpu.memref_slice %arg7[%run_scoped3A_22, %dma_wait3A_41] : memref<15x128xi32, #tpu.memory_space<vmem>> -> memref<1x128xi32, #tpu.memory_space<vmem>>
        %dma_wait3A_43 = tpu.memref_squeeze %dma_wait3A_42 : memref<1x128xi32, #tpu.memory_space<vmem>> -> memref<128xi32, #tpu.memory_space<vmem>>
        %dma_wait3A_44 = arith.constant 0 : i32
        %dma_wait3A_45 = tpu.memref_slice %arg6[%dma_wait3A_44] : memref<51200xf32, #tpu.memory_space<vmem_shared>> -> memref<51200xf32, #tpu.memory_space<vmem_shared>>
        tpu.wait_indirect_dma semaphore(%run_scoped3A_33 : memref<!tpu.dma_semaphore, #tpu.memory_space<semaphore_mem>>) src(%dma_wait3A_40 : memref<128xf32, #tpu.memory_space<vmem>>) dst(%dma_wait3A_45 : memref<51200xf32, #tpu.memory_space<vmem_shared>>)
        tpu.yield
      }) : () -> ()
      %run_scoped3A_23 = arith.constant 5 : i32
      "tpu.region"() ({
        %run_scoped3A_33 = tpu.sem_alloc : memref<!tpu.dma_semaphore, #tpu.memory_space<semaphore_mem>>
        %dma_start3A = arith.constant 640 : i32
        %dma_start3A_34 = tpu.memref_slice %arg8[%dma_start3A] : memref<1920xf32, #tpu.memory_space<vmem>> -> memref<128xf32, #tpu.memory_space<vmem>>
        %dma_start3A_35 = arith.constant 0 : i32
        %dma_start3A_36 = tpu.memref_slice %arg7[%run_scoped3A_23, %dma_start3A_35] : memref<15x128xi32, #tpu.memory_space<vmem>> -> memref<1x128xi32, #tpu.memory_space<vmem>>
        %dma_start3A_37 = tpu.memref_squeeze %dma_start3A_36 : memref<1x128xi32, #tpu.memory_space<vmem>> -> memref<128xi32, #tpu.memory_space<vmem>>
        %dma_start3A_38 = arith.constant 0 : i32
        %dma_start3A_39 = tpu.memref_slice %arg6[%dma_start3A_38] : memref<51200xf32, #tpu.memory_space<vmem_shared>> -> memref<51200xf32, #tpu.memory_space<vmem_shared>>
        tpu.enqueue_indirect_dma source(%dma_start3A_34 : memref<128xf32, #tpu.memory_space<vmem>>) target(%dma_start3A_39 : memref<51200xf32, #tpu.memory_space<vmem_shared>>) offsets(%dma_start3A_37 : memref<128xi32, #tpu.memory_space<vmem>>) semaphore(%run_scoped3A_33 : memref<!tpu.dma_semaphore, #tpu.memory_space<semaphore_mem>>) {add = true}
        %dma_wait3A = arith.constant 640 : i32
        %dma_wait3A_40 = tpu.memref_slice %arg8[%dma_wait3A] : memref<1920xf32, #tpu.memory_space<vmem>> -> memref<128xf32, #tpu.memory_space<vmem>>
        %dma_wait3A_41 = arith.constant 0 : i32
        %dma_wait3A_42 = tpu.memref_slice %arg7[%run_scoped3A_23, %dma_wait3A_41] : memref<15x128xi32, #tpu.memory_space<vmem>> -> memref<1x128xi32, #tpu.memory_space<vmem>>
        %dma_wait3A_43 = tpu.memref_squeeze %dma_wait3A_42 : memref<1x128xi32, #tpu.memory_space<vmem>> -> memref<128xi32, #tpu.memory_space<vmem>>
        %dma_wait3A_44 = arith.constant 0 : i32
        %dma_wait3A_45 = tpu.memref_slice %arg6[%dma_wait3A_44] : memref<51200xf32, #tpu.memory_space<vmem_shared>> -> memref<51200xf32, #tpu.memory_space<vmem_shared>>
        tpu.wait_indirect_dma semaphore(%run_scoped3A_33 : memref<!tpu.dma_semaphore, #tpu.memory_space<semaphore_mem>>) src(%dma_wait3A_40 : memref<128xf32, #tpu.memory_space<vmem>>) dst(%dma_wait3A_45 : memref<51200xf32, #tpu.memory_space<vmem_shared>>)
        tpu.yield
      }) : () -> ()
      %run_scoped3A_24 = arith.constant 6 : i32
      "tpu.region"() ({
        %run_scoped3A_33 = tpu.sem_alloc : memref<!tpu.dma_semaphore, #tpu.memory_space<semaphore_mem>>
        %dma_start3A = arith.constant 768 : i32
        %dma_start3A_34 = tpu.memref_slice %arg8[%dma_start3A] : memref<1920xf32, #tpu.memory_space<vmem>> -> memref<128xf32, #tpu.memory_space<vmem>>
        %dma_start3A_35 = arith.constant 0 : i32
        %dma_start3A_36 = tpu.memref_slice %arg7[%run_scoped3A_24, %dma_start3A_35] : memref<15x128xi32, #tpu.memory_space<vmem>> -> memref<1x128xi32, #tpu.memory_space<vmem>>
        %dma_start3A_37 = tpu.memref_squeeze %dma_start3A_36 : memref<1x128xi32, #tpu.memory_space<vmem>> -> memref<128xi32, #tpu.memory_space<vmem>>
        %dma_start3A_38 = arith.constant 0 : i32
        %dma_start3A_39 = tpu.memref_slice %arg6[%dma_start3A_38] : memref<51200xf32, #tpu.memory_space<vmem_shared>> -> memref<51200xf32, #tpu.memory_space<vmem_shared>>
        tpu.enqueue_indirect_dma source(%dma_start3A_34 : memref<128xf32, #tpu.memory_space<vmem>>) target(%dma_start3A_39 : memref<51200xf32, #tpu.memory_space<vmem_shared>>) offsets(%dma_start3A_37 : memref<128xi32, #tpu.memory_space<vmem>>) semaphore(%run_scoped3A_33 : memref<!tpu.dma_semaphore, #tpu.memory_space<semaphore_mem>>) {add = true}
        %dma_wait3A = arith.constant 768 : i32
        %dma_wait3A_40 = tpu.memref_slice %arg8[%dma_wait3A] : memref<1920xf32, #tpu.memory_space<vmem>> -> memref<128xf32, #tpu.memory_space<vmem>>
        %dma_wait3A_41 = arith.constant 0 : i32
        %dma_wait3A_42 = tpu.memref_slice %arg7[%run_scoped3A_24, %dma_wait3A_41] : memref<15x128xi32, #tpu.memory_space<vmem>> -> memref<1x128xi32, #tpu.memory_space<vmem>>
        %dma_wait3A_43 = tpu.memref_squeeze %dma_wait3A_42 : memref<1x128xi32, #tpu.memory_space<vmem>> -> memref<128xi32, #tpu.memory_space<vmem>>
        %dma_wait3A_44 = arith.constant 0 : i32
        %dma_wait3A_45 = tpu.memref_slice %arg6[%dma_wait3A_44] : memref<51200xf32, #tpu.memory_space<vmem_shared>> -> memref<51200xf32, #tpu.memory_space<vmem_shared>>
        tpu.wait_indirect_dma semaphore(%run_scoped3A_33 : memref<!tpu.dma_semaphore, #tpu.memory_space<semaphore_mem>>) src(%dma_wait3A_40 : memref<128xf32, #tpu.memory_space<vmem>>) dst(%dma_wait3A_45 : memref<51200xf32, #tpu.memory_space<vmem_shared>>)
        tpu.yield
      }) : () -> ()
      %run_scoped3A_25 = arith.constant 7 : i32
      "tpu.region"() ({
        %run_scoped3A_33 = tpu.sem_alloc : memref<!tpu.dma_semaphore, #tpu.memory_space<semaphore_mem>>
        %dma_start3A = arith.constant 896 : i32
        %dma_start3A_34 = tpu.memref_slice %arg8[%dma_start3A] : memref<1920xf32, #tpu.memory_space<vmem>> -> memref<128xf32, #tpu.memory_space<vmem>>
        %dma_start3A_35 = arith.constant 0 : i32
        %dma_start3A_36 = tpu.memref_slice %arg7[%run_scoped3A_25, %dma_start3A_35] : memref<15x128xi32, #tpu.memory_space<vmem>> -> memref<1x128xi32, #tpu.memory_space<vmem>>
        %dma_start3A_37 = tpu.memref_squeeze %dma_start3A_36 : memref<1x128xi32, #tpu.memory_space<vmem>> -> memref<128xi32, #tpu.memory_space<vmem>>
        %dma_start3A_38 = arith.constant 0 : i32
        %dma_start3A_39 = tpu.memref_slice %arg6[%dma_start3A_38] : memref<51200xf32, #tpu.memory_space<vmem_shared>> -> memref<51200xf32, #tpu.memory_space<vmem_shared>>
        tpu.enqueue_indirect_dma source(%dma_start3A_34 : memref<128xf32, #tpu.memory_space<vmem>>) target(%dma_start3A_39 : memref<51200xf32, #tpu.memory_space<vmem_shared>>) offsets(%dma_start3A_37 : memref<128xi32, #tpu.memory_space<vmem>>) semaphore(%run_scoped3A_33 : memref<!tpu.dma_semaphore, #tpu.memory_space<semaphore_mem>>) {add = true}
        %dma_wait3A = arith.constant 896 : i32
        %dma_wait3A_40 = tpu.memref_slice %arg8[%dma_wait3A] : memref<1920xf32, #tpu.memory_space<vmem>> -> memref<128xf32, #tpu.memory_space<vmem>>
        %dma_wait3A_41 = arith.constant 0 : i32
        %dma_wait3A_42 = tpu.memref_slice %arg7[%run_scoped3A_25, %dma_wait3A_41] : memref<15x128xi32, #tpu.memory_space<vmem>> -> memref<1x128xi32, #tpu.memory_space<vmem>>
        %dma_wait3A_43 = tpu.memref_squeeze %dma_wait3A_42 : memref<1x128xi32, #tpu.memory_space<vmem>> -> memref<128xi32, #tpu.memory_space<vmem>>
        %dma_wait3A_44 = arith.constant 0 : i32
        %dma_wait3A_45 = tpu.memref_slice %arg6[%dma_wait3A_44] : memref<51200xf32, #tpu.memory_space<vmem_shared>> -> memref<51200xf32, #tpu.memory_space<vmem_shared>>
        tpu.wait_indirect_dma semaphore(%run_scoped3A_33 : memref<!tpu.dma_semaphore, #tpu.memory_space<semaphore_mem>>) src(%dma_wait3A_40 : memref<128xf32, #tpu.memory_space<vmem>>) dst(%dma_wait3A_45 : memref<51200xf32, #tpu.memory_space<vmem_shared>>)
        tpu.yield
      }) : () -> ()
      %run_scoped3A_26 = arith.constant 8 : i32
      "tpu.region"() ({
        %run_scoped3A_33 = tpu.sem_alloc : memref<!tpu.dma_semaphore, #tpu.memory_space<semaphore_mem>>
        %dma_start3A = arith.constant 1024 : i32
        %dma_start3A_34 = tpu.memref_slice %arg8[%dma_start3A] : memref<1920xf32, #tpu.memory_space<vmem>> -> memref<128xf32, #tpu.memory_space<vmem>>
        %dma_start3A_35 = arith.constant 0 : i32
        %dma_start3A_36 = tpu.memref_slice %arg7[%run_scoped3A_26, %dma_start3A_35] : memref<15x128xi32, #tpu.memory_space<vmem>> -> memref<1x128xi32, #tpu.memory_space<vmem>>
        %dma_start3A_37 = tpu.memref_squeeze %dma_start3A_36 : memref<1x128xi32, #tpu.memory_space<vmem>> -> memref<128xi32, #tpu.memory_space<vmem>>
        %dma_start3A_38 = arith.constant 0 : i32
        %dma_start3A_39 = tpu.memref_slice %arg6[%dma_start3A_38] : memref<51200xf32, #tpu.memory_space<vmem_shared>> -> memref<51200xf32, #tpu.memory_space<vmem_shared>>
        tpu.enqueue_indirect_dma source(%dma_start3A_34 : memref<128xf32, #tpu.memory_space<vmem>>) target(%dma_start3A_39 : memref<51200xf32, #tpu.memory_space<vmem_shared>>) offsets(%dma_start3A_37 : memref<128xi32, #tpu.memory_space<vmem>>) semaphore(%run_scoped3A_33 : memref<!tpu.dma_semaphore, #tpu.memory_space<semaphore_mem>>) {add = true}
        %dma_wait3A = arith.constant 1024 : i32
        %dma_wait3A_40 = tpu.memref_slice %arg8[%dma_wait3A] : memref<1920xf32, #tpu.memory_space<vmem>> -> memref<128xf32, #tpu.memory_space<vmem>>
        %dma_wait3A_41 = arith.constant 0 : i32
        %dma_wait3A_42 = tpu.memref_slice %arg7[%run_scoped3A_26, %dma_wait3A_41] : memref<15x128xi32, #tpu.memory_space<vmem>> -> memref<1x128xi32, #tpu.memory_space<vmem>>
        %dma_wait3A_43 = tpu.memref_squeeze %dma_wait3A_42 : memref<1x128xi32, #tpu.memory_space<vmem>> -> memref<128xi32, #tpu.memory_space<vmem>>
        %dma_wait3A_44 = arith.constant 0 : i32
        %dma_wait3A_45 = tpu.memref_slice %arg6[%dma_wait3A_44] : memref<51200xf32, #tpu.memory_space<vmem_shared>> -> memref<51200xf32, #tpu.memory_space<vmem_shared>>
        tpu.wait_indirect_dma semaphore(%run_scoped3A_33 : memref<!tpu.dma_semaphore, #tpu.memory_space<semaphore_mem>>) src(%dma_wait3A_40 : memref<128xf32, #tpu.memory_space<vmem>>) dst(%dma_wait3A_45 : memref<51200xf32, #tpu.memory_space<vmem_shared>>)
        tpu.yield
      }) : () -> ()
      %run_scoped3A_27 = arith.constant 9 : i32
      "tpu.region"() ({
        %run_scoped3A_33 = tpu.sem_alloc : memref<!tpu.dma_semaphore, #tpu.memory_space<semaphore_mem>>
        %dma_start3A = arith.constant 1152 : i32
        %dma_start3A_34 = tpu.memref_slice %arg8[%dma_start3A] : memref<1920xf32, #tpu.memory_space<vmem>> -> memref<128xf32, #tpu.memory_space<vmem>>
        %dma_start3A_35 = arith.constant 0 : i32
        %dma_start3A_36 = tpu.memref_slice %arg7[%run_scoped3A_27, %dma_start3A_35] : memref<15x128xi32, #tpu.memory_space<vmem>> -> memref<1x128xi32, #tpu.memory_space<vmem>>
        %dma_start3A_37 = tpu.memref_squeeze %dma_start3A_36 : memref<1x128xi32, #tpu.memory_space<vmem>> -> memref<128xi32, #tpu.memory_space<vmem>>
        %dma_start3A_38 = arith.constant 0 : i32
        %dma_start3A_39 = tpu.memref_slice %arg6[%dma_start3A_38] : memref<51200xf32, #tpu.memory_space<vmem_shared>> -> memref<51200xf32, #tpu.memory_space<vmem_shared>>
        tpu.enqueue_indirect_dma source(%dma_start3A_34 : memref<128xf32, #tpu.memory_space<vmem>>) target(%dma_start3A_39 : memref<51200xf32, #tpu.memory_space<vmem_shared>>) offsets(%dma_start3A_37 : memref<128xi32, #tpu.memory_space<vmem>>) semaphore(%run_scoped3A_33 : memref<!tpu.dma_semaphore, #tpu.memory_space<semaphore_mem>>) {add = true}
        %dma_wait3A = arith.constant 1152 : i32
        %dma_wait3A_40 = tpu.memref_slice %arg8[%dma_wait3A] : memref<1920xf32, #tpu.memory_space<vmem>> -> memref<128xf32, #tpu.memory_space<vmem>>
        %dma_wait3A_41 = arith.constant 0 : i32
        %dma_wait3A_42 = tpu.memref_slice %arg7[%run_scoped3A_27, %dma_wait3A_41] : memref<15x128xi32, #tpu.memory_space<vmem>> -> memref<1x128xi32, #tpu.memory_space<vmem>>
        %dma_wait3A_43 = tpu.memref_squeeze %dma_wait3A_42 : memref<1x128xi32, #tpu.memory_space<vmem>> -> memref<128xi32, #tpu.memory_space<vmem>>
        %dma_wait3A_44 = arith.constant 0 : i32
        %dma_wait3A_45 = tpu.memref_slice %arg6[%dma_wait3A_44] : memref<51200xf32, #tpu.memory_space<vmem_shared>> -> memref<51200xf32, #tpu.memory_space<vmem_shared>>
        tpu.wait_indirect_dma semaphore(%run_scoped3A_33 : memref<!tpu.dma_semaphore, #tpu.memory_space<semaphore_mem>>) src(%dma_wait3A_40 : memref<128xf32, #tpu.memory_space<vmem>>) dst(%dma_wait3A_45 : memref<51200xf32, #tpu.memory_space<vmem_shared>>)
        tpu.yield
      }) : () -> ()
      %run_scoped3A_28 = arith.constant 10 : i32
      "tpu.region"() ({
        %run_scoped3A_33 = tpu.sem_alloc : memref<!tpu.dma_semaphore, #tpu.memory_space<semaphore_mem>>
        %dma_start3A = arith.constant 1280 : i32
        %dma_start3A_34 = tpu.memref_slice %arg8[%dma_start3A] : memref<1920xf32, #tpu.memory_space<vmem>> -> memref<128xf32, #tpu.memory_space<vmem>>
        %dma_start3A_35 = arith.constant 0 : i32
        %dma_start3A_36 = tpu.memref_slice %arg7[%run_scoped3A_28, %dma_start3A_35] : memref<15x128xi32, #tpu.memory_space<vmem>> -> memref<1x128xi32, #tpu.memory_space<vmem>>
        %dma_start3A_37 = tpu.memref_squeeze %dma_start3A_36 : memref<1x128xi32, #tpu.memory_space<vmem>> -> memref<128xi32, #tpu.memory_space<vmem>>
        %dma_start3A_38 = arith.constant 0 : i32
        %dma_start3A_39 = tpu.memref_slice %arg6[%dma_start3A_38] : memref<51200xf32, #tpu.memory_space<vmem_shared>> -> memref<51200xf32, #tpu.memory_space<vmem_shared>>
        tpu.enqueue_indirect_dma source(%dma_start3A_34 : memref<128xf32, #tpu.memory_space<vmem>>) target(%dma_start3A_39 : memref<51200xf32, #tpu.memory_space<vmem_shared>>) offsets(%dma_start3A_37 : memref<128xi32, #tpu.memory_space<vmem>>) semaphore(%run_scoped3A_33 : memref<!tpu.dma_semaphore, #tpu.memory_space<semaphore_mem>>) {add = true}
        %dma_wait3A = arith.constant 1280 : i32
        %dma_wait3A_40 = tpu.memref_slice %arg8[%dma_wait3A] : memref<1920xf32, #tpu.memory_space<vmem>> -> memref<128xf32, #tpu.memory_space<vmem>>
        %dma_wait3A_41 = arith.constant 0 : i32
        %dma_wait3A_42 = tpu.memref_slice %arg7[%run_scoped3A_28, %dma_wait3A_41] : memref<15x128xi32, #tpu.memory_space<vmem>> -> memref<1x128xi32, #tpu.memory_space<vmem>>
        %dma_wait3A_43 = tpu.memref_squeeze %dma_wait3A_42 : memref<1x128xi32, #tpu.memory_space<vmem>> -> memref<128xi32, #tpu.memory_space<vmem>>
        %dma_wait3A_44 = arith.constant 0 : i32
        %dma_wait3A_45 = tpu.memref_slice %arg6[%dma_wait3A_44] : memref<51200xf32, #tpu.memory_space<vmem_shared>> -> memref<51200xf32, #tpu.memory_space<vmem_shared>>
        tpu.wait_indirect_dma semaphore(%run_scoped3A_33 : memref<!tpu.dma_semaphore, #tpu.memory_space<semaphore_mem>>) src(%dma_wait3A_40 : memref<128xf32, #tpu.memory_space<vmem>>) dst(%dma_wait3A_45 : memref<51200xf32, #tpu.memory_space<vmem_shared>>)
        tpu.yield
      }) : () -> ()
      %run_scoped3A_29 = arith.constant 11 : i32
      "tpu.region"() ({
        %run_scoped3A_33 = tpu.sem_alloc : memref<!tpu.dma_semaphore, #tpu.memory_space<semaphore_mem>>
        %dma_start3A = arith.constant 1408 : i32
        %dma_start3A_34 = tpu.memref_slice %arg8[%dma_start3A] : memref<1920xf32, #tpu.memory_space<vmem>> -> memref<128xf32, #tpu.memory_space<vmem>>
        %dma_start3A_35 = arith.constant 0 : i32
        %dma_start3A_36 = tpu.memref_slice %arg7[%run_scoped3A_29, %dma_start3A_35] : memref<15x128xi32, #tpu.memory_space<vmem>> -> memref<1x128xi32, #tpu.memory_space<vmem>>
        %dma_start3A_37 = tpu.memref_squeeze %dma_start3A_36 : memref<1x128xi32, #tpu.memory_space<vmem>> -> memref<128xi32, #tpu.memory_space<vmem>>
        %dma_start3A_38 = arith.constant 0 : i32
        %dma_start3A_39 = tpu.memref_slice %arg6[%dma_start3A_38] : memref<51200xf32, #tpu.memory_space<vmem_shared>> -> memref<51200xf32, #tpu.memory_space<vmem_shared>>
        tpu.enqueue_indirect_dma source(%dma_start3A_34 : memref<128xf32, #tpu.memory_space<vmem>>) target(%dma_start3A_39 : memref<51200xf32, #tpu.memory_space<vmem_shared>>) offsets(%dma_start3A_37 : memref<128xi32, #tpu.memory_space<vmem>>) semaphore(%run_scoped3A_33 : memref<!tpu.dma_semaphore, #tpu.memory_space<semaphore_mem>>) {add = true}
        %dma_wait3A = arith.constant 1408 : i32
        %dma_wait3A_40 = tpu.memref_slice %arg8[%dma_wait3A] : memref<1920xf32, #tpu.memory_space<vmem>> -> memref<128xf32, #tpu.memory_space<vmem>>
        %dma_wait3A_41 = arith.constant 0 : i32
        %dma_wait3A_42 = tpu.memref_slice %arg7[%run_scoped3A_29, %dma_wait3A_41] : memref<15x128xi32, #tpu.memory_space<vmem>> -> memref<1x128xi32, #tpu.memory_space<vmem>>
        %dma_wait3A_43 = tpu.memref_squeeze %dma_wait3A_42 : memref<1x128xi32, #tpu.memory_space<vmem>> -> memref<128xi32, #tpu.memory_space<vmem>>
        %dma_wait3A_44 = arith.constant 0 : i32
        %dma_wait3A_45 = tpu.memref_slice %arg6[%dma_wait3A_44] : memref<51200xf32, #tpu.memory_space<vmem_shared>> -> memref<51200xf32, #tpu.memory_space<vmem_shared>>
        tpu.wait_indirect_dma semaphore(%run_scoped3A_33 : memref<!tpu.dma_semaphore, #tpu.memory_space<semaphore_mem>>) src(%dma_wait3A_40 : memref<128xf32, #tpu.memory_space<vmem>>) dst(%dma_wait3A_45 : memref<51200xf32, #tpu.memory_space<vmem_shared>>)
        tpu.yield
      }) : () -> ()
      %run_scoped3A_30 = arith.constant 12 : i32
      "tpu.region"() ({
        %run_scoped3A_33 = tpu.sem_alloc : memref<!tpu.dma_semaphore, #tpu.memory_space<semaphore_mem>>
        %dma_start3A = arith.constant 1536 : i32
        %dma_start3A_34 = tpu.memref_slice %arg8[%dma_start3A] : memref<1920xf32, #tpu.memory_space<vmem>> -> memref<128xf32, #tpu.memory_space<vmem>>
        %dma_start3A_35 = arith.constant 0 : i32
        %dma_start3A_36 = tpu.memref_slice %arg7[%run_scoped3A_30, %dma_start3A_35] : memref<15x128xi32, #tpu.memory_space<vmem>> -> memref<1x128xi32, #tpu.memory_space<vmem>>
        %dma_start3A_37 = tpu.memref_squeeze %dma_start3A_36 : memref<1x128xi32, #tpu.memory_space<vmem>> -> memref<128xi32, #tpu.memory_space<vmem>>
        %dma_start3A_38 = arith.constant 0 : i32
        %dma_start3A_39 = tpu.memref_slice %arg6[%dma_start3A_38] : memref<51200xf32, #tpu.memory_space<vmem_shared>> -> memref<51200xf32, #tpu.memory_space<vmem_shared>>
        tpu.enqueue_indirect_dma source(%dma_start3A_34 : memref<128xf32, #tpu.memory_space<vmem>>) target(%dma_start3A_39 : memref<51200xf32, #tpu.memory_space<vmem_shared>>) offsets(%dma_start3A_37 : memref<128xi32, #tpu.memory_space<vmem>>) semaphore(%run_scoped3A_33 : memref<!tpu.dma_semaphore, #tpu.memory_space<semaphore_mem>>) {add = true}
        %dma_wait3A = arith.constant 1536 : i32
        %dma_wait3A_40 = tpu.memref_slice %arg8[%dma_wait3A] : memref<1920xf32, #tpu.memory_space<vmem>> -> memref<128xf32, #tpu.memory_space<vmem>>
        %dma_wait3A_41 = arith.constant 0 : i32
        %dma_wait3A_42 = tpu.memref_slice %arg7[%run_scoped3A_30, %dma_wait3A_41] : memref<15x128xi32, #tpu.memory_space<vmem>> -> memref<1x128xi32, #tpu.memory_space<vmem>>
        %dma_wait3A_43 = tpu.memref_squeeze %dma_wait3A_42 : memref<1x128xi32, #tpu.memory_space<vmem>> -> memref<128xi32, #tpu.memory_space<vmem>>
        %dma_wait3A_44 = arith.constant 0 : i32
        %dma_wait3A_45 = tpu.memref_slice %arg6[%dma_wait3A_44] : memref<51200xf32, #tpu.memory_space<vmem_shared>> -> memref<51200xf32, #tpu.memory_space<vmem_shared>>
        tpu.wait_indirect_dma semaphore(%run_scoped3A_33 : memref<!tpu.dma_semaphore, #tpu.memory_space<semaphore_mem>>) src(%dma_wait3A_40 : memref<128xf32, #tpu.memory_space<vmem>>) dst(%dma_wait3A_45 : memref<51200xf32, #tpu.memory_space<vmem_shared>>)
        tpu.yield
      }) : () -> ()
      %run_scoped3A_31 = arith.constant 13 : i32
      "tpu.region"() ({
        %run_scoped3A_33 = tpu.sem_alloc : memref<!tpu.dma_semaphore, #tpu.memory_space<semaphore_mem>>
        %dma_start3A = arith.constant 1664 : i32
        %dma_start3A_34 = tpu.memref_slice %arg8[%dma_start3A] : memref<1920xf32, #tpu.memory_space<vmem>> -> memref<128xf32, #tpu.memory_space<vmem>>
        %dma_start3A_35 = arith.constant 0 : i32
        %dma_start3A_36 = tpu.memref_slice %arg7[%run_scoped3A_31, %dma_start3A_35] : memref<15x128xi32, #tpu.memory_space<vmem>> -> memref<1x128xi32, #tpu.memory_space<vmem>>
        %dma_start3A_37 = tpu.memref_squeeze %dma_start3A_36 : memref<1x128xi32, #tpu.memory_space<vmem>> -> memref<128xi32, #tpu.memory_space<vmem>>
        %dma_start3A_38 = arith.constant 0 : i32
        %dma_start3A_39 = tpu.memref_slice %arg6[%dma_start3A_38] : memref<51200xf32, #tpu.memory_space<vmem_shared>> -> memref<51200xf32, #tpu.memory_space<vmem_shared>>
        tpu.enqueue_indirect_dma source(%dma_start3A_34 : memref<128xf32, #tpu.memory_space<vmem>>) target(%dma_start3A_39 : memref<51200xf32, #tpu.memory_space<vmem_shared>>) offsets(%dma_start3A_37 : memref<128xi32, #tpu.memory_space<vmem>>) semaphore(%run_scoped3A_33 : memref<!tpu.dma_semaphore, #tpu.memory_space<semaphore_mem>>) {add = true}
        %dma_wait3A = arith.constant 1664 : i32
        %dma_wait3A_40 = tpu.memref_slice %arg8[%dma_wait3A] : memref<1920xf32, #tpu.memory_space<vmem>> -> memref<128xf32, #tpu.memory_space<vmem>>
        %dma_wait3A_41 = arith.constant 0 : i32
        %dma_wait3A_42 = tpu.memref_slice %arg7[%run_scoped3A_31, %dma_wait3A_41] : memref<15x128xi32, #tpu.memory_space<vmem>> -> memref<1x128xi32, #tpu.memory_space<vmem>>
        %dma_wait3A_43 = tpu.memref_squeeze %dma_wait3A_42 : memref<1x128xi32, #tpu.memory_space<vmem>> -> memref<128xi32, #tpu.memory_space<vmem>>
        %dma_wait3A_44 = arith.constant 0 : i32
        %dma_wait3A_45 = tpu.memref_slice %arg6[%dma_wait3A_44] : memref<51200xf32, #tpu.memory_space<vmem_shared>> -> memref<51200xf32, #tpu.memory_space<vmem_shared>>
        tpu.wait_indirect_dma semaphore(%run_scoped3A_33 : memref<!tpu.dma_semaphore, #tpu.memory_space<semaphore_mem>>) src(%dma_wait3A_40 : memref<128xf32, #tpu.memory_space<vmem>>) dst(%dma_wait3A_45 : memref<51200xf32, #tpu.memory_space<vmem_shared>>)
        tpu.yield
      }) : () -> ()
      %run_scoped3A_32 = arith.constant 14 : i32
      "tpu.region"() ({
        %run_scoped3A_33 = tpu.sem_alloc : memref<!tpu.dma_semaphore, #tpu.memory_space<semaphore_mem>>
        %dma_start3A = arith.constant 1792 : i32
        %dma_start3A_34 = tpu.memref_slice %arg8[%dma_start3A] : memref<1920xf32, #tpu.memory_space<vmem>> -> memref<128xf32, #tpu.memory_space<vmem>>
        %dma_start3A_35 = arith.constant 0 : i32
        %dma_start3A_36 = tpu.memref_slice %arg7[%run_scoped3A_32, %dma_start3A_35] : memref<15x128xi32, #tpu.memory_space<vmem>> -> memref<1x128xi32, #tpu.memory_space<vmem>>
        %dma_start3A_37 = tpu.memref_squeeze %dma_start3A_36 : memref<1x128xi32, #tpu.memory_space<vmem>> -> memref<128xi32, #tpu.memory_space<vmem>>
        %dma_start3A_38 = arith.constant 0 : i32
        %dma_start3A_39 = tpu.memref_slice %arg6[%dma_start3A_38] : memref<51200xf32, #tpu.memory_space<vmem_shared>> -> memref<51200xf32, #tpu.memory_space<vmem_shared>>
        tpu.enqueue_indirect_dma source(%dma_start3A_34 : memref<128xf32, #tpu.memory_space<vmem>>) target(%dma_start3A_39 : memref<51200xf32, #tpu.memory_space<vmem_shared>>) offsets(%dma_start3A_37 : memref<128xi32, #tpu.memory_space<vmem>>) semaphore(%run_scoped3A_33 : memref<!tpu.dma_semaphore, #tpu.memory_space<semaphore_mem>>) {add = true}
        %dma_wait3A = arith.constant 1792 : i32
        %dma_wait3A_40 = tpu.memref_slice %arg8[%dma_wait3A] : memref<1920xf32, #tpu.memory_space<vmem>> -> memref<128xf32, #tpu.memory_space<vmem>>
        %dma_wait3A_41 = arith.constant 0 : i32
        %dma_wait3A_42 = tpu.memref_slice %arg7[%run_scoped3A_32, %dma_wait3A_41] : memref<15x128xi32, #tpu.memory_space<vmem>> -> memref<1x128xi32, #tpu.memory_space<vmem>>
        %dma_wait3A_43 = tpu.memref_squeeze %dma_wait3A_42 : memref<1x128xi32, #tpu.memory_space<vmem>> -> memref<128xi32, #tpu.memory_space<vmem>>
        %dma_wait3A_44 = arith.constant 0 : i32
        %dma_wait3A_45 = tpu.memref_slice %arg6[%dma_wait3A_44] : memref<51200xf32, #tpu.memory_space<vmem_shared>> -> memref<51200xf32, #tpu.memory_space<vmem_shared>>
        tpu.wait_indirect_dma semaphore(%run_scoped3A_33 : memref<!tpu.dma_semaphore, #tpu.memory_space<semaphore_mem>>) src(%dma_wait3A_40 : memref<128xf32, #tpu.memory_space<vmem>>) dst(%dma_wait3A_45 : memref<51200xf32, #tpu.memory_space<vmem_shared>>)
        tpu.yield
      }) : () -> ()
    }
    %scan3A_7 = arith.constant 26 : i32
    %lt3A = arith.constant 20 : i32
    %lt3A_8 = arith.cmpi slt, %add3A, %lt3A : i32
    %convert_element_type3A = arith.extui %lt3A_8 : i1 to i32
    %cond3A = arith.constant 0 : i32
    %cond3A_9 = arith.cmpi ne, %convert_element_type3A, %cond3A : i32
    scf.if %cond3A_9 {
      %add3A_11 = arith.constant 12480 : i32
      %add3A_12 = arith.addi %add3A_11, %add3A : i32
      "tpu.region"() ({
        %run_scoped3A_15 = tpu.sem_alloc : memref<!tpu.dma_semaphore, #tpu.memory_space<semaphore_mem>>
        %dma_start3A = arith.constant 0 : i32
        %dma_start3A_16 = arith.constant 0 : i32
        %dma_start3A_17 = tpu.memref_slice %arg7[%dma_start3A, %dma_start3A_16] : memref<15x128xi32, #tpu.memory_space<vmem>> -> memref<1x128xi32, #tpu.memory_space<vmem>>
        %dma_start3A_18 = arith.constant 0 : i32
        %dma_start3A_19 = tpu.memref_slice %arg2[%add3A_12, %dma_start3A_18] : memref<12500x128xi32, #tpu.memory_space<hbm>> -> memref<1x128xi32, #tpu.memory_space<hbm>>
        %dma_start3A_20 = arith.constant 0 : i32
        %dma_start3A_21 = arith.constant 0 : i32
        %dma_start3A_22 = tpu.memref_slice %arg7[%dma_start3A_20, %dma_start3A_21] : memref<15x128xi32, #tpu.memory_space<vmem>> -> memref<1x128xi32, #tpu.memory_space<vmem>>
        %dma_start3A_23 = arith.constant 0 : i32
        %dma_start3A_24 = tpu.memref_slice %arg2[%add3A_12, %dma_start3A_23] : memref<12500x128xi32, #tpu.memory_space<hbm>> -> memref<1x128xi32, #tpu.memory_space<hbm>>
        tpu.enqueue_dma source(%dma_start3A_24 : memref<1x128xi32, #tpu.memory_space<hbm>>) target(%dma_start3A_22 : memref<1x128xi32, #tpu.memory_space<vmem>>) target_semaphore(%run_scoped3A_15 : memref<!tpu.dma_semaphore, #tpu.memory_space<semaphore_mem>>)
        %dma_wait3A = arith.constant 0 : i32
        %dma_wait3A_25 = arith.constant 0 : i32
        %dma_wait3A_26 = tpu.memref_slice %arg7[%dma_wait3A, %dma_wait3A_25] : memref<15x128xi32, #tpu.memory_space<vmem>> -> memref<1x128xi32, #tpu.memory_space<vmem>>
        %dma_wait3A_27 = arith.constant 0 : i32
        %dma_wait3A_28 = tpu.memref_slice %arg2[%add3A_12, %dma_wait3A_27] : memref<12500x128xi32, #tpu.memory_space<hbm>> -> memref<1x128xi32, #tpu.memory_space<hbm>>
        %dma_wait3A_29 = arith.constant 0 : i32
        %dma_wait3A_30 = arith.constant 0 : i32
        %dma_wait3A_31 = tpu.memref_slice %arg7[%dma_wait3A_29, %dma_wait3A_30] : memref<15x128xi32, #tpu.memory_space<vmem>> -> memref<1x128xi32, #tpu.memory_space<vmem>>
        %dma_wait3A_32 = arith.constant 0 : i32
        %dma_wait3A_33 = tpu.memref_slice %arg2[%add3A_12, %dma_wait3A_32] : memref<12500x128xi32, #tpu.memory_space<hbm>> -> memref<1x128xi32, #tpu.memory_space<hbm>>
        tpu.wait_dma2 semaphore(%run_scoped3A_15 : memref<!tpu.dma_semaphore, #tpu.memory_space<semaphore_mem>>) src(%dma_wait3A_33 : memref<1x128xi32, #tpu.memory_space<hbm>>) dst(%dma_wait3A_31 : memref<1x128xi32, #tpu.memory_space<vmem>>)
        tpu.yield
      }) : () -> ()
      %mul3A_13 = arith.constant 128 : i32
      %mul3A_14 = arith.muli %add3A_12, %mul3A_13 : i32
      "tpu.region"() ({
        %run_scoped3A_15 = tpu.sem_alloc : memref<!tpu.dma_semaphore, #tpu.memory_space<semaphore_mem>>
        %dma_start3A = arith.constant 0 : i32
        %dma_start3A_16 = tpu.memref_slice %arg8[%dma_start3A] : memref<1920xf32, #tpu.memory_space<vmem>> -> memref<128xf32, #tpu.memory_space<vmem>>
        %dma_start3A_17 = tpu.memref_slice %arg3[%mul3A_14] : memref<1600000xf32, #tpu.memory_space<hbm>> -> memref<128xf32, #tpu.memory_space<hbm>>
        %dma_start3A_18 = arith.constant 0 : i32
        %dma_start3A_19 = tpu.memref_slice %arg8[%dma_start3A_18] : memref<1920xf32, #tpu.memory_space<vmem>> -> memref<128xf32, #tpu.memory_space<vmem>>
        %dma_start3A_20 = tpu.memref_slice %arg3[%mul3A_14] : memref<1600000xf32, #tpu.memory_space<hbm>> -> memref<128xf32, #tpu.memory_space<hbm>>
        tpu.enqueue_dma source(%dma_start3A_20 : memref<128xf32, #tpu.memory_space<hbm>>) target(%dma_start3A_19 : memref<128xf32, #tpu.memory_space<vmem>>) target_semaphore(%run_scoped3A_15 : memref<!tpu.dma_semaphore, #tpu.memory_space<semaphore_mem>>)
        %dma_wait3A = arith.constant 0 : i32
        %dma_wait3A_21 = tpu.memref_slice %arg8[%dma_wait3A] : memref<1920xf32, #tpu.memory_space<vmem>> -> memref<128xf32, #tpu.memory_space<vmem>>
        %dma_wait3A_22 = tpu.memref_slice %arg3[%mul3A_14] : memref<1600000xf32, #tpu.memory_space<hbm>> -> memref<128xf32, #tpu.memory_space<hbm>>
        %dma_wait3A_23 = arith.constant 0 : i32
        %dma_wait3A_24 = tpu.memref_slice %arg8[%dma_wait3A_23] : memref<1920xf32, #tpu.memory_space<vmem>> -> memref<128xf32, #tpu.memory_space<vmem>>
        %dma_wait3A_25 = tpu.memref_slice %arg3[%mul3A_14] : memref<1600000xf32, #tpu.memory_space<hbm>> -> memref<128xf32, #tpu.memory_space<hbm>>
        tpu.wait_dma2 semaphore(%run_scoped3A_15 : memref<!tpu.dma_semaphore, #tpu.memory_space<semaphore_mem>>) src(%dma_wait3A_25 : memref<128xf32, #tpu.memory_space<hbm>>) dst(%dma_wait3A_24 : memref<128xf32, #tpu.memory_space<vmem>>)
        tpu.yield
      }) : () -> ()
      %run_scoped3A = arith.constant 0 : i32
      "tpu.region"() ({
        %run_scoped3A_15 = tpu.sem_alloc : memref<!tpu.dma_semaphore, #tpu.memory_space<semaphore_mem>>
        %dma_start3A = arith.constant 0 : i32
        %dma_start3A_16 = tpu.memref_slice %arg8[%dma_start3A] : memref<1920xf32, #tpu.memory_space<vmem>> -> memref<128xf32, #tpu.memory_space<vmem>>
        %dma_start3A_17 = arith.constant 0 : i32
        %dma_start3A_18 = tpu.memref_slice %arg7[%run_scoped3A, %dma_start3A_17] : memref<15x128xi32, #tpu.memory_space<vmem>> -> memref<1x128xi32, #tpu.memory_space<vmem>>
        %dma_start3A_19 = tpu.memref_squeeze %dma_start3A_18 : memref<1x128xi32, #tpu.memory_space<vmem>> -> memref<128xi32, #tpu.memory_space<vmem>>
        %dma_start3A_20 = arith.constant 0 : i32
        %dma_start3A_21 = tpu.memref_slice %arg6[%dma_start3A_20] : memref<51200xf32, #tpu.memory_space<vmem_shared>> -> memref<51200xf32, #tpu.memory_space<vmem_shared>>
        tpu.enqueue_indirect_dma source(%dma_start3A_16 : memref<128xf32, #tpu.memory_space<vmem>>) target(%dma_start3A_21 : memref<51200xf32, #tpu.memory_space<vmem_shared>>) offsets(%dma_start3A_19 : memref<128xi32, #tpu.memory_space<vmem>>) semaphore(%run_scoped3A_15 : memref<!tpu.dma_semaphore, #tpu.memory_space<semaphore_mem>>) {add = true}
        %dma_wait3A = arith.constant 0 : i32
        %dma_wait3A_22 = tpu.memref_slice %arg8[%dma_wait3A] : memref<1920xf32, #tpu.memory_space<vmem>> -> memref<128xf32, #tpu.memory_space<vmem>>
        %dma_wait3A_23 = arith.constant 0 : i32
        %dma_wait3A_24 = tpu.memref_slice %arg7[%run_scoped3A, %dma_wait3A_23] : memref<15x128xi32, #tpu.memory_space<vmem>> -> memref<1x128xi32, #tpu.memory_space<vmem>>
        %dma_wait3A_25 = tpu.memref_squeeze %dma_wait3A_24 : memref<1x128xi32, #tpu.memory_space<vmem>> -> memref<128xi32, #tpu.memory_space<vmem>>
        %dma_wait3A_26 = arith.constant 0 : i32
        %dma_wait3A_27 = tpu.memref_slice %arg6[%dma_wait3A_26] : memref<51200xf32, #tpu.memory_space<vmem_shared>> -> memref<51200xf32, #tpu.memory_space<vmem_shared>>
        tpu.wait_indirect_dma semaphore(%run_scoped3A_15 : memref<!tpu.dma_semaphore, #tpu.memory_space<semaphore_mem>>) src(%dma_wait3A_22 : memref<128xf32, #tpu.memory_space<vmem>>) dst(%dma_wait3A_27 : memref<51200xf32, #tpu.memory_space<vmem_shared>>)
        tpu.yield
      }) : () -> ()
    } else {
    }
    %barrier3A_10 = arith.constant 0 : index
    tpu.barrier barrier_id(%barrier3A_10)
    "tpu.region"() ({
      %run_scoped3A = tpu.sem_alloc : memref<!tpu.dma_semaphore, #tpu.memory_space<semaphore_mem>>
      %dma_start3A = tpu.memref_slice %arg5[%arg0, %mul3A_2] : memref<2x51200xf32, #tpu.memory_space<hbm>> -> memref<1x3200xf32, #tpu.memory_space<hbm>>
      %dma_start3A_11 = tpu.memref_squeeze %dma_start3A : memref<1x3200xf32, #tpu.memory_space<hbm>> -> memref<3200xf32, #tpu.memory_space<hbm>>
      %dma_start3A_12 = tpu.memref_slice %arg6[%mul3A_2] : memref<51200xf32, #tpu.memory_space<vmem_shared>> -> memref<3200xf32, #tpu.memory_space<vmem_shared>>
      tpu.enqueue_dma source(%dma_start3A_12 : memref<3200xf32, #tpu.memory_space<vmem_shared>>) target(%dma_start3A_11 : memref<3200xf32, #tpu.memory_space<hbm>>) target_semaphore(%run_scoped3A : memref<!tpu.dma_semaphore, #tpu.memory_space<semaphore_mem>>)
      %dma_wait3A = tpu.memref_slice %arg5[%arg0, %mul3A_2] : memref<2x51200xf32, #tpu.memory_space<hbm>> -> memref<1x3200xf32, #tpu.memory_space<hbm>>
      %dma_wait3A_13 = tpu.memref_squeeze %dma_wait3A : memref<1x3200xf32, #tpu.memory_space<hbm>> -> memref<3200xf32, #tpu.memory_space<hbm>>
      %dma_wait3A_14 = tpu.memref_slice %arg6[%mul3A_2] : memref<51200xf32, #tpu.memory_space<vmem_shared>> -> memref<3200xf32, #tpu.memory_space<vmem_shared>>
      tpu.wait_dma2 semaphore(%run_scoped3A : memref<!tpu.dma_semaphore, #tpu.memory_space<semaphore_mem>>) src(%dma_wait3A_14 : memref<3200xf32, #tpu.memory_space<vmem_shared>>) dst(%dma_wait3A_13 : memref<3200xf32, #tpu.memory_space<hbm>>)
      tpu.yield
    }) : () -> ()
    return
  }
}

#map = affine_map<(d0, d1) -> (0, 0)>
#map1 = affine_map<(d0, d1) -> (0)>
#map2 = affine_map<(d0, d1) -> (0, 0, 0)>
module attributes {stable_mosaic.version = 14 : i64} {
  func.func @_agg_body(%arg0: i32, %arg1: i32, %arg2: memref<12500x128xi32, #tpu.memory_space<hbm>>, %arg3: memref<12500x128xi32, #tpu.memory_space<hbm>>, %arg4: memref<1600000xf32, #tpu.memory_space<hbm>>, %arg5: memref<51200x8xf32, #tpu.memory_space<hbm>>, %arg6: memref<51200x8xf32, #tpu.memory_space<hbm>>, %arg7: memref<2x51200x8xf32, #tpu.memory_space<hbm>>, %arg8: memref<51200x8xf32, #tpu.memory_space<vmem_shared>>, %arg9: memref<15x128xi32, #tpu.memory_space<vmem>>, %arg10: memref<15x128xi32, #tpu.memory_space<vmem>>, %arg11: memref<1920xf32, #tpu.memory_space<vmem>>, %arg12: memref<1920x8xf32, #tpu.memory_space<vmem>>, %arg13: memref<1920x8xf32, #tpu.memory_space<vmem>>, %arg14: memref<!tpu.dma_semaphore, #tpu.memory_space<semaphore_mem>>) attributes {dimension_semantics = [#tpu.dimension_semantics<core_parallel>, #tpu.dimension_semantics<subcore_parallel>], iteration_bounds = array<i64: 2, 16>, scalar_prefetch = 0 : i64, scratch_operands = 7 : i64, tpu.core_type = #tpu.core_type<sc_vector_subcore>, window_params = [{transform_indices = #map}, {transform_indices = #map}, {transform_indices = #map1}, {transform_indices = #map}, {transform_indices = #map}, {transform_indices = #map2}]} {
    %mul3A = arith.constant 2 : i32
    %mul3A_0 = arith.muli %arg1, %mul3A : i32
    %add3A = arith.addi %mul3A_0, %arg0 : i32
    %mul3A_1 = arith.constant 3200 : i32
    %mul3A_2 = arith.muli %arg1, %mul3A_1 : i32
    "tpu.region"() ({
      %run_scoped3A = tpu.sem_alloc : memref<!tpu.dma_semaphore, #tpu.memory_space<semaphore_mem>>
      %dma_start3A = arith.constant 0 : i32
      %dma_start3A_11 = tpu.memref_slice %arg8[%mul3A_2, %dma_start3A] : memref<51200x8xf32, #tpu.memory_space<vmem_shared>> -> memref<3200x8xf32, #tpu.memory_space<vmem_shared>>
      %dma_start3A_12 = arith.constant 0 : i32
      %dma_start3A_13 = tpu.memref_slice %arg6[%mul3A_2, %dma_start3A_12] : memref<51200x8xf32, #tpu.memory_space<hbm>> -> memref<3200x8xf32, #tpu.memory_space<hbm>>
      tpu.enqueue_dma source(%dma_start3A_13 : memref<3200x8xf32, #tpu.memory_space<hbm>>) target(%dma_start3A_11 : memref<3200x8xf32, #tpu.memory_space<vmem_shared>>) target_semaphore(%run_scoped3A : memref<!tpu.dma_semaphore, #tpu.memory_space<semaphore_mem>>)
      %dma_wait3A = arith.constant 0 : i32
      %dma_wait3A_14 = tpu.memref_slice %arg8[%mul3A_2, %dma_wait3A] : memref<51200x8xf32, #tpu.memory_space<vmem_shared>> -> memref<3200x8xf32, #tpu.memory_space<vmem_shared>>
      %dma_wait3A_15 = arith.constant 0 : i32
      %dma_wait3A_16 = tpu.memref_slice %arg6[%mul3A_2, %dma_wait3A_15] : memref<51200x8xf32, #tpu.memory_space<hbm>> -> memref<3200x8xf32, #tpu.memory_space<hbm>>
      tpu.wait_dma2 semaphore(%run_scoped3A : memref<!tpu.dma_semaphore, #tpu.memory_space<semaphore_mem>>) src(%dma_wait3A_16 : memref<3200x8xf32, #tpu.memory_space<hbm>>) dst(%dma_wait3A_14 : memref<3200x8xf32, #tpu.memory_space<vmem_shared>>)
      tpu.yield
    }) : () -> ()
    %barrier3A = arith.constant 0 : index
    tpu.barrier barrier_id(%barrier3A)
    %scan3A = arith.constant 0 : i32
    %scan3A_3 = arith.constant 0 : i32
    %scan3A_4 = arith.constant 26 : i32
    %scan3A_5 = arith.addi %scan3A_3, %scan3A_4 : i32
    %scan3A_6 = arith.constant 1 : i32
    scf.for %scan3A_11 = %scan3A_3 to %scan3A_5 step %scan3A_6  : i32 {
      %mul3A_12 = arith.constant 390 : i32
      %mul3A_13 = arith.muli %add3A, %mul3A_12 : i32
      %mul3A_14 = arith.constant 15 : i32
      %mul3A_15 = arith.muli %scan3A_11, %mul3A_14 : i32
      %add3A_16 = arith.addi %mul3A_13, %mul3A_15 : i32
      "tpu.region"() ({
        %run_scoped3A_337 = tpu.sem_alloc : memref<!tpu.dma_semaphore, #tpu.memory_space<semaphore_mem>>
        %dma_start3A_338 = arith.constant 0 : i32
        %dma_start3A_339 = arith.constant 0 : i32
        %dma_start3A_340 = tpu.memref_slice %arg9[%dma_start3A_338, %dma_start3A_339] : memref<15x128xi32, #tpu.memory_space<vmem>> -> memref<15x128xi32, #tpu.memory_space<vmem>>
        %dma_start3A_341 = arith.constant 0 : i32
        %dma_start3A_342 = tpu.memref_slice %arg2[%add3A_16, %dma_start3A_341] : memref<12500x128xi32, #tpu.memory_space<hbm>> -> memref<15x128xi32, #tpu.memory_space<hbm>>
        %dma_start3A_343 = arith.constant 0 : i32
        %dma_start3A_344 = arith.constant 0 : i32
        %dma_start3A_345 = tpu.memref_slice %arg9[%dma_start3A_343, %dma_start3A_344] : memref<15x128xi32, #tpu.memory_space<vmem>> -> memref<15x128xi32, #tpu.memory_space<vmem>>
        %dma_start3A_346 = arith.constant 0 : i32
        %dma_start3A_347 = tpu.memref_slice %arg2[%add3A_16, %dma_start3A_346] : memref<12500x128xi32, #tpu.memory_space<hbm>> -> memref<15x128xi32, #tpu.memory_space<hbm>>
        tpu.enqueue_dma source(%dma_start3A_347 : memref<15x128xi32, #tpu.memory_space<hbm>>) target(%dma_start3A_345 : memref<15x128xi32, #tpu.memory_space<vmem>>) target_semaphore(%run_scoped3A_337 : memref<!tpu.dma_semaphore, #tpu.memory_space<semaphore_mem>>)
        %dma_wait3A_348 = arith.constant 0 : i32
        %dma_wait3A_349 = arith.constant 0 : i32
        %dma_wait3A_350 = tpu.memref_slice %arg9[%dma_wait3A_348, %dma_wait3A_349] : memref<15x128xi32, #tpu.memory_space<vmem>> -> memref<15x128xi32, #tpu.memory_space<vmem>>
        %dma_wait3A_351 = arith.constant 0 : i32
        %dma_wait3A_352 = tpu.memref_slice %arg2[%add3A_16, %dma_wait3A_351] : memref<12500x128xi32, #tpu.memory_space<hbm>> -> memref<15x128xi32, #tpu.memory_space<hbm>>
        %dma_wait3A_353 = arith.constant 0 : i32
        %dma_wait3A_354 = arith.constant 0 : i32
        %dma_wait3A_355 = tpu.memref_slice %arg9[%dma_wait3A_353, %dma_wait3A_354] : memref<15x128xi32, #tpu.memory_space<vmem>> -> memref<15x128xi32, #tpu.memory_space<vmem>>
        %dma_wait3A_356 = arith.constant 0 : i32
        %dma_wait3A_357 = tpu.memref_slice %arg2[%add3A_16, %dma_wait3A_356] : memref<12500x128xi32, #tpu.memory_space<hbm>> -> memref<15x128xi32, #tpu.memory_space<hbm>>
        tpu.wait_dma2 semaphore(%run_scoped3A_337 : memref<!tpu.dma_semaphore, #tpu.memory_space<semaphore_mem>>) src(%dma_wait3A_357 : memref<15x128xi32, #tpu.memory_space<hbm>>) dst(%dma_wait3A_355 : memref<15x128xi32, #tpu.memory_space<vmem>>)
        tpu.yield
      }) : () -> ()
      "tpu.region"() ({
        %run_scoped3A_337 = tpu.sem_alloc : memref<!tpu.dma_semaphore, #tpu.memory_space<semaphore_mem>>
        %dma_start3A_338 = arith.constant 0 : i32
        %dma_start3A_339 = arith.constant 0 : i32
        %dma_start3A_340 = tpu.memref_slice %arg10[%dma_start3A_338, %dma_start3A_339] : memref<15x128xi32, #tpu.memory_space<vmem>> -> memref<15x128xi32, #tpu.memory_space<vmem>>
        %dma_start3A_341 = arith.constant 0 : i32
        %dma_start3A_342 = tpu.memref_slice %arg3[%add3A_16, %dma_start3A_341] : memref<12500x128xi32, #tpu.memory_space<hbm>> -> memref<15x128xi32, #tpu.memory_space<hbm>>
        %dma_start3A_343 = arith.constant 0 : i32
        %dma_start3A_344 = arith.constant 0 : i32
        %dma_start3A_345 = tpu.memref_slice %arg10[%dma_start3A_343, %dma_start3A_344] : memref<15x128xi32, #tpu.memory_space<vmem>> -> memref<15x128xi32, #tpu.memory_space<vmem>>
        %dma_start3A_346 = arith.constant 0 : i32
        %dma_start3A_347 = tpu.memref_slice %arg3[%add3A_16, %dma_start3A_346] : memref<12500x128xi32, #tpu.memory_space<hbm>> -> memref<15x128xi32, #tpu.memory_space<hbm>>
        tpu.enqueue_dma source(%dma_start3A_347 : memref<15x128xi32, #tpu.memory_space<hbm>>) target(%dma_start3A_345 : memref<15x128xi32, #tpu.memory_space<vmem>>) target_semaphore(%run_scoped3A_337 : memref<!tpu.dma_semaphore, #tpu.memory_space<semaphore_mem>>)
        %dma_wait3A_348 = arith.constant 0 : i32
        %dma_wait3A_349 = arith.constant 0 : i32
        %dma_wait3A_350 = tpu.memref_slice %arg10[%dma_wait3A_348, %dma_wait3A_349] : memref<15x128xi32, #tpu.memory_space<vmem>> -> memref<15x128xi32, #tpu.memory_space<vmem>>
        %dma_wait3A_351 = arith.constant 0 : i32
        %dma_wait3A_352 = tpu.memref_slice %arg3[%add3A_16, %dma_wait3A_351] : memref<12500x128xi32, #tpu.memory_space<hbm>> -> memref<15x128xi32, #tpu.memory_space<hbm>>
        %dma_wait3A_353 = arith.constant 0 : i32
        %dma_wait3A_354 = arith.constant 0 : i32
        %dma_wait3A_355 = tpu.memref_slice %arg10[%dma_wait3A_353, %dma_wait3A_354] : memref<15x128xi32, #tpu.memory_space<vmem>> -> memref<15x128xi32, #tpu.memory_space<vmem>>
        %dma_wait3A_356 = arith.constant 0 : i32
        %dma_wait3A_357 = tpu.memref_slice %arg3[%add3A_16, %dma_wait3A_356] : memref<12500x128xi32, #tpu.memory_space<hbm>> -> memref<15x128xi32, #tpu.memory_space<hbm>>
        tpu.wait_dma2 semaphore(%run_scoped3A_337 : memref<!tpu.dma_semaphore, #tpu.memory_space<semaphore_mem>>) src(%dma_wait3A_357 : memref<15x128xi32, #tpu.memory_space<hbm>>) dst(%dma_wait3A_355 : memref<15x128xi32, #tpu.memory_space<vmem>>)
        tpu.yield
      }) : () -> ()
      %mul3A_17 = arith.constant 128 : i32
      %mul3A_18 = arith.muli %add3A_16, %mul3A_17 : i32
      "tpu.region"() ({
        %run_scoped3A_337 = tpu.sem_alloc : memref<!tpu.dma_semaphore, #tpu.memory_space<semaphore_mem>>
        %dma_start3A_338 = arith.constant 0 : i32
        %dma_start3A_339 = tpu.memref_slice %arg11[%dma_start3A_338] : memref<1920xf32, #tpu.memory_space<vmem>> -> memref<1920xf32, #tpu.memory_space<vmem>>
        %dma_start3A_340 = tpu.memref_slice %arg4[%mul3A_18] : memref<1600000xf32, #tpu.memory_space<hbm>> -> memref<1920xf32, #tpu.memory_space<hbm>>
        %dma_start3A_341 = arith.constant 0 : i32
        %dma_start3A_342 = tpu.memref_slice %arg11[%dma_start3A_341] : memref<1920xf32, #tpu.memory_space<vmem>> -> memref<1920xf32, #tpu.memory_space<vmem>>
        %dma_start3A_343 = tpu.memref_slice %arg4[%mul3A_18] : memref<1600000xf32, #tpu.memory_space<hbm>> -> memref<1920xf32, #tpu.memory_space<hbm>>
        tpu.enqueue_dma source(%dma_start3A_343 : memref<1920xf32, #tpu.memory_space<hbm>>) target(%dma_start3A_342 : memref<1920xf32, #tpu.memory_space<vmem>>) target_semaphore(%run_scoped3A_337 : memref<!tpu.dma_semaphore, #tpu.memory_space<semaphore_mem>>)
        %dma_wait3A_344 = arith.constant 0 : i32
        %dma_wait3A_345 = tpu.memref_slice %arg11[%dma_wait3A_344] : memref<1920xf32, #tpu.memory_space<vmem>> -> memref<1920xf32, #tpu.memory_space<vmem>>
        %dma_wait3A_346 = tpu.memref_slice %arg4[%mul3A_18] : memref<1600000xf32, #tpu.memory_space<hbm>> -> memref<1920xf32, #tpu.memory_space<hbm>>
        %dma_wait3A_347 = arith.constant 0 : i32
        %dma_wait3A_348 = tpu.memref_slice %arg11[%dma_wait3A_347] : memref<1920xf32, #tpu.memory_space<vmem>> -> memref<1920xf32, #tpu.memory_space<vmem>>
        %dma_wait3A_349 = tpu.memref_slice %arg4[%mul3A_18] : memref<1600000xf32, #tpu.memory_space<hbm>> -> memref<1920xf32, #tpu.memory_space<hbm>>
        tpu.wait_dma2 semaphore(%run_scoped3A_337 : memref<!tpu.dma_semaphore, #tpu.memory_space<semaphore_mem>>) src(%dma_wait3A_349 : memref<1920xf32, #tpu.memory_space<hbm>>) dst(%dma_wait3A_348 : memref<1920xf32, #tpu.memory_space<vmem>>)
        tpu.yield
      }) : () -> ()
      %dma_start3A = arith.constant 0 : i32
      %dma_start3A_19 = arith.constant 0 : i32
      %dma_start3A_20 = arith.constant 0 : i32
      %dma_start3A_21 = tpu.memref_slice %arg12[%dma_start3A_19, %dma_start3A_20] : memref<1920x8xf32, #tpu.memory_space<vmem>> -> memref<128x8xf32, #tpu.memory_space<vmem>>
      %dma_start3A_22 = arith.constant 0 : i32
      %dma_start3A_23 = tpu.memref_slice %arg9[%dma_start3A, %dma_start3A_22] : memref<15x128xi32, #tpu.memory_space<vmem>> -> memref<1x128xi32, #tpu.memory_space<vmem>>
      %dma_start3A_24 = tpu.memref_squeeze %dma_start3A_23 : memref<1x128xi32, #tpu.memory_space<vmem>> -> memref<128xi32, #tpu.memory_space<vmem>>
      %dma_start3A_25 = arith.constant 0 : i32
      %dma_start3A_26 = arith.constant 0 : i32
      %dma_start3A_27 = tpu.memref_slice %arg5[%dma_start3A_25, %dma_start3A_26] : memref<51200x8xf32, #tpu.memory_space<hbm>> -> memref<51200x8xf32, #tpu.memory_space<hbm>>
      tpu.enqueue_indirect_dma source(%dma_start3A_27 : memref<51200x8xf32, #tpu.memory_space<hbm>>) target(%dma_start3A_21 : memref<128x8xf32, #tpu.memory_space<vmem>>) offsets(%dma_start3A_24 : memref<128xi32, #tpu.memory_space<vmem>>) semaphore(%arg14 : memref<!tpu.dma_semaphore, #tpu.memory_space<semaphore_mem>>)
      %dma_wait3A = arith.constant 0 : i32
      %dma_wait3A_28 = arith.constant 0 : i32
      %dma_wait3A_29 = arith.constant 0 : i32
      %dma_wait3A_30 = tpu.memref_slice %arg12[%dma_wait3A_28, %dma_wait3A_29] : memref<1920x8xf32, #tpu.memory_space<vmem>> -> memref<128x8xf32, #tpu.memory_space<vmem>>
      %dma_wait3A_31 = arith.constant 0 : i32
      %dma_wait3A_32 = tpu.memref_slice %arg9[%dma_wait3A, %dma_wait3A_31] : memref<15x128xi32, #tpu.memory_space<vmem>> -> memref<1x128xi32, #tpu.memory_space<vmem>>
      %dma_wait3A_33 = tpu.memref_squeeze %dma_wait3A_32 : memref<1x128xi32, #tpu.memory_space<vmem>> -> memref<128xi32, #tpu.memory_space<vmem>>
      %dma_wait3A_34 = arith.constant 0 : i32
      %dma_wait3A_35 = arith.constant 0 : i32
      %dma_wait3A_36 = tpu.memref_slice %arg5[%dma_wait3A_34, %dma_wait3A_35] : memref<51200x8xf32, #tpu.memory_space<hbm>> -> memref<51200x8xf32, #tpu.memory_space<hbm>>
      tpu.wait_indirect_dma semaphore(%arg14 : memref<!tpu.dma_semaphore, #tpu.memory_space<semaphore_mem>>) src(%dma_wait3A_36 : memref<51200x8xf32, #tpu.memory_space<hbm>>) dst(%dma_wait3A_30 : memref<128x8xf32, #tpu.memory_space<vmem>>)
      %dma_start3A_37 = arith.constant 1 : i32
      %dma_start3A_38 = arith.constant 128 : i32
      %dma_start3A_39 = arith.constant 0 : i32
      %dma_start3A_40 = tpu.memref_slice %arg12[%dma_start3A_38, %dma_start3A_39] : memref<1920x8xf32, #tpu.memory_space<vmem>> -> memref<128x8xf32, #tpu.memory_space<vmem>>
      %dma_start3A_41 = arith.constant 0 : i32
      %dma_start3A_42 = tpu.memref_slice %arg9[%dma_start3A_37, %dma_start3A_41] : memref<15x128xi32, #tpu.memory_space<vmem>> -> memref<1x128xi32, #tpu.memory_space<vmem>>
      %dma_start3A_43 = tpu.memref_squeeze %dma_start3A_42 : memref<1x128xi32, #tpu.memory_space<vmem>> -> memref<128xi32, #tpu.memory_space<vmem>>
      %dma_start3A_44 = arith.constant 0 : i32
      %dma_start3A_45 = arith.constant 0 : i32
      %dma_start3A_46 = tpu.memref_slice %arg5[%dma_start3A_44, %dma_start3A_45] : memref<51200x8xf32, #tpu.memory_space<hbm>> -> memref<51200x8xf32, #tpu.memory_space<hbm>>
      tpu.enqueue_indirect_dma source(%dma_start3A_46 : memref<51200x8xf32, #tpu.memory_space<hbm>>) target(%dma_start3A_40 : memref<128x8xf32, #tpu.memory_space<vmem>>) offsets(%dma_start3A_43 : memref<128xi32, #tpu.memory_space<vmem>>) semaphore(%arg14 : memref<!tpu.dma_semaphore, #tpu.memory_space<semaphore_mem>>)
      %dma_wait3A_47 = arith.constant 1 : i32
      %dma_wait3A_48 = arith.constant 128 : i32
      %dma_wait3A_49 = arith.constant 0 : i32
      %dma_wait3A_50 = tpu.memref_slice %arg12[%dma_wait3A_48, %dma_wait3A_49] : memref<1920x8xf32, #tpu.memory_space<vmem>> -> memref<128x8xf32, #tpu.memory_space<vmem>>
      %dma_wait3A_51 = arith.constant 0 : i32
      %dma_wait3A_52 = tpu.memref_slice %arg9[%dma_wait3A_47, %dma_wait3A_51] : memref<15x128xi32, #tpu.memory_space<vmem>> -> memref<1x128xi32, #tpu.memory_space<vmem>>
      %dma_wait3A_53 = tpu.memref_squeeze %dma_wait3A_52 : memref<1x128xi32, #tpu.memory_space<vmem>> -> memref<128xi32, #tpu.memory_space<vmem>>
      %dma_wait3A_54 = arith.constant 0 : i32
      %dma_wait3A_55 = arith.constant 0 : i32
      %dma_wait3A_56 = tpu.memref_slice %arg5[%dma_wait3A_54, %dma_wait3A_55] : memref<51200x8xf32, #tpu.memory_space<hbm>> -> memref<51200x8xf32, #tpu.memory_space<hbm>>
      tpu.wait_indirect_dma semaphore(%arg14 : memref<!tpu.dma_semaphore, #tpu.memory_space<semaphore_mem>>) src(%dma_wait3A_56 : memref<51200x8xf32, #tpu.memory_space<hbm>>) dst(%dma_wait3A_50 : memref<128x8xf32, #tpu.memory_space<vmem>>)
      %dma_start3A_57 = arith.constant 2 : i32
      %dma_start3A_58 = arith.constant 256 : i32
      %dma_start3A_59 = arith.constant 0 : i32
      %dma_start3A_60 = tpu.memref_slice %arg12[%dma_start3A_58, %dma_start3A_59] : memref<1920x8xf32, #tpu.memory_space<vmem>> -> memref<128x8xf32, #tpu.memory_space<vmem>>
      %dma_start3A_61 = arith.constant 0 : i32
      %dma_start3A_62 = tpu.memref_slice %arg9[%dma_start3A_57, %dma_start3A_61] : memref<15x128xi32, #tpu.memory_space<vmem>> -> memref<1x128xi32, #tpu.memory_space<vmem>>
      %dma_start3A_63 = tpu.memref_squeeze %dma_start3A_62 : memref<1x128xi32, #tpu.memory_space<vmem>> -> memref<128xi32, #tpu.memory_space<vmem>>
      %dma_start3A_64 = arith.constant 0 : i32
      %dma_start3A_65 = arith.constant 0 : i32
      %dma_start3A_66 = tpu.memref_slice %arg5[%dma_start3A_64, %dma_start3A_65] : memref<51200x8xf32, #tpu.memory_space<hbm>> -> memref<51200x8xf32, #tpu.memory_space<hbm>>
      tpu.enqueue_indirect_dma source(%dma_start3A_66 : memref<51200x8xf32, #tpu.memory_space<hbm>>) target(%dma_start3A_60 : memref<128x8xf32, #tpu.memory_space<vmem>>) offsets(%dma_start3A_63 : memref<128xi32, #tpu.memory_space<vmem>>) semaphore(%arg14 : memref<!tpu.dma_semaphore, #tpu.memory_space<semaphore_mem>>)
      %dma_wait3A_67 = arith.constant 2 : i32
      %dma_wait3A_68 = arith.constant 256 : i32
      %dma_wait3A_69 = arith.constant 0 : i32
      %dma_wait3A_70 = tpu.memref_slice %arg12[%dma_wait3A_68, %dma_wait3A_69] : memref<1920x8xf32, #tpu.memory_space<vmem>> -> memref<128x8xf32, #tpu.memory_space<vmem>>
      %dma_wait3A_71 = arith.constant 0 : i32
      %dma_wait3A_72 = tpu.memref_slice %arg9[%dma_wait3A_67, %dma_wait3A_71] : memref<15x128xi32, #tpu.memory_space<vmem>> -> memref<1x128xi32, #tpu.memory_space<vmem>>
      %dma_wait3A_73 = tpu.memref_squeeze %dma_wait3A_72 : memref<1x128xi32, #tpu.memory_space<vmem>> -> memref<128xi32, #tpu.memory_space<vmem>>
      %dma_wait3A_74 = arith.constant 0 : i32
      %dma_wait3A_75 = arith.constant 0 : i32
      %dma_wait3A_76 = tpu.memref_slice %arg5[%dma_wait3A_74, %dma_wait3A_75] : memref<51200x8xf32, #tpu.memory_space<hbm>> -> memref<51200x8xf32, #tpu.memory_space<hbm>>
      tpu.wait_indirect_dma semaphore(%arg14 : memref<!tpu.dma_semaphore, #tpu.memory_space<semaphore_mem>>) src(%dma_wait3A_76 : memref<51200x8xf32, #tpu.memory_space<hbm>>) dst(%dma_wait3A_70 : memref<128x8xf32, #tpu.memory_space<vmem>>)
      %dma_start3A_77 = arith.constant 3 : i32
      %dma_start3A_78 = arith.constant 384 : i32
      %dma_start3A_79 = arith.constant 0 : i32
      %dma_start3A_80 = tpu.memref_slice %arg12[%dma_start3A_78, %dma_start3A_79] : memref<1920x8xf32, #tpu.memory_space<vmem>> -> memref<128x8xf32, #tpu.memory_space<vmem>>
      %dma_start3A_81 = arith.constant 0 : i32
      %dma_start3A_82 = tpu.memref_slice %arg9[%dma_start3A_77, %dma_start3A_81] : memref<15x128xi32, #tpu.memory_space<vmem>> -> memref<1x128xi32, #tpu.memory_space<vmem>>
      %dma_start3A_83 = tpu.memref_squeeze %dma_start3A_82 : memref<1x128xi32, #tpu.memory_space<vmem>> -> memref<128xi32, #tpu.memory_space<vmem>>
      %dma_start3A_84 = arith.constant 0 : i32
      %dma_start3A_85 = arith.constant 0 : i32
      %dma_start3A_86 = tpu.memref_slice %arg5[%dma_start3A_84, %dma_start3A_85] : memref<51200x8xf32, #tpu.memory_space<hbm>> -> memref<51200x8xf32, #tpu.memory_space<hbm>>
      tpu.enqueue_indirect_dma source(%dma_start3A_86 : memref<51200x8xf32, #tpu.memory_space<hbm>>) target(%dma_start3A_80 : memref<128x8xf32, #tpu.memory_space<vmem>>) offsets(%dma_start3A_83 : memref<128xi32, #tpu.memory_space<vmem>>) semaphore(%arg14 : memref<!tpu.dma_semaphore, #tpu.memory_space<semaphore_mem>>)
      %dma_wait3A_87 = arith.constant 3 : i32
      %dma_wait3A_88 = arith.constant 384 : i32
      %dma_wait3A_89 = arith.constant 0 : i32
      %dma_wait3A_90 = tpu.memref_slice %arg12[%dma_wait3A_88, %dma_wait3A_89] : memref<1920x8xf32, #tpu.memory_space<vmem>> -> memref<128x8xf32, #tpu.memory_space<vmem>>
      %dma_wait3A_91 = arith.constant 0 : i32
      %dma_wait3A_92 = tpu.memref_slice %arg9[%dma_wait3A_87, %dma_wait3A_91] : memref<15x128xi32, #tpu.memory_space<vmem>> -> memref<1x128xi32, #tpu.memory_space<vmem>>
      %dma_wait3A_93 = tpu.memref_squeeze %dma_wait3A_92 : memref<1x128xi32, #tpu.memory_space<vmem>> -> memref<128xi32, #tpu.memory_space<vmem>>
      %dma_wait3A_94 = arith.constant 0 : i32
      %dma_wait3A_95 = arith.constant 0 : i32
      %dma_wait3A_96 = tpu.memref_slice %arg5[%dma_wait3A_94, %dma_wait3A_95] : memref<51200x8xf32, #tpu.memory_space<hbm>> -> memref<51200x8xf32, #tpu.memory_space<hbm>>
      tpu.wait_indirect_dma semaphore(%arg14 : memref<!tpu.dma_semaphore, #tpu.memory_space<semaphore_mem>>) src(%dma_wait3A_96 : memref<51200x8xf32, #tpu.memory_space<hbm>>) dst(%dma_wait3A_90 : memref<128x8xf32, #tpu.memory_space<vmem>>)
      %dma_start3A_97 = arith.constant 4 : i32
      %dma_start3A_98 = arith.constant 512 : i32
      %dma_start3A_99 = arith.constant 0 : i32
      %dma_start3A_100 = tpu.memref_slice %arg12[%dma_start3A_98, %dma_start3A_99] : memref<1920x8xf32, #tpu.memory_space<vmem>> -> memref<128x8xf32, #tpu.memory_space<vmem>>
      %dma_start3A_101 = arith.constant 0 : i32
      %dma_start3A_102 = tpu.memref_slice %arg9[%dma_start3A_97, %dma_start3A_101] : memref<15x128xi32, #tpu.memory_space<vmem>> -> memref<1x128xi32, #tpu.memory_space<vmem>>
      %dma_start3A_103 = tpu.memref_squeeze %dma_start3A_102 : memref<1x128xi32, #tpu.memory_space<vmem>> -> memref<128xi32, #tpu.memory_space<vmem>>
      %dma_start3A_104 = arith.constant 0 : i32
      %dma_start3A_105 = arith.constant 0 : i32
      %dma_start3A_106 = tpu.memref_slice %arg5[%dma_start3A_104, %dma_start3A_105] : memref<51200x8xf32, #tpu.memory_space<hbm>> -> memref<51200x8xf32, #tpu.memory_space<hbm>>
      tpu.enqueue_indirect_dma source(%dma_start3A_106 : memref<51200x8xf32, #tpu.memory_space<hbm>>) target(%dma_start3A_100 : memref<128x8xf32, #tpu.memory_space<vmem>>) offsets(%dma_start3A_103 : memref<128xi32, #tpu.memory_space<vmem>>) semaphore(%arg14 : memref<!tpu.dma_semaphore, #tpu.memory_space<semaphore_mem>>)
      %dma_wait3A_107 = arith.constant 4 : i32
      %dma_wait3A_108 = arith.constant 512 : i32
      %dma_wait3A_109 = arith.constant 0 : i32
      %dma_wait3A_110 = tpu.memref_slice %arg12[%dma_wait3A_108, %dma_wait3A_109] : memref<1920x8xf32, #tpu.memory_space<vmem>> -> memref<128x8xf32, #tpu.memory_space<vmem>>
      %dma_wait3A_111 = arith.constant 0 : i32
      %dma_wait3A_112 = tpu.memref_slice %arg9[%dma_wait3A_107, %dma_wait3A_111] : memref<15x128xi32, #tpu.memory_space<vmem>> -> memref<1x128xi32, #tpu.memory_space<vmem>>
      %dma_wait3A_113 = tpu.memref_squeeze %dma_wait3A_112 : memref<1x128xi32, #tpu.memory_space<vmem>> -> memref<128xi32, #tpu.memory_space<vmem>>
      %dma_wait3A_114 = arith.constant 0 : i32
      %dma_wait3A_115 = arith.constant 0 : i32
      %dma_wait3A_116 = tpu.memref_slice %arg5[%dma_wait3A_114, %dma_wait3A_115] : memref<51200x8xf32, #tpu.memory_space<hbm>> -> memref<51200x8xf32, #tpu.memory_space<hbm>>
      tpu.wait_indirect_dma semaphore(%arg14 : memref<!tpu.dma_semaphore, #tpu.memory_space<semaphore_mem>>) src(%dma_wait3A_116 : memref<51200x8xf32, #tpu.memory_space<hbm>>) dst(%dma_wait3A_110 : memref<128x8xf32, #tpu.memory_space<vmem>>)
      %dma_start3A_117 = arith.constant 5 : i32
      %dma_start3A_118 = arith.constant 640 : i32
      %dma_start3A_119 = arith.constant 0 : i32
      %dma_start3A_120 = tpu.memref_slice %arg12[%dma_start3A_118, %dma_start3A_119] : memref<1920x8xf32, #tpu.memory_space<vmem>> -> memref<128x8xf32, #tpu.memory_space<vmem>>
      %dma_start3A_121 = arith.constant 0 : i32
      %dma_start3A_122 = tpu.memref_slice %arg9[%dma_start3A_117, %dma_start3A_121] : memref<15x128xi32, #tpu.memory_space<vmem>> -> memref<1x128xi32, #tpu.memory_space<vmem>>
      %dma_start3A_123 = tpu.memref_squeeze %dma_start3A_122 : memref<1x128xi32, #tpu.memory_space<vmem>> -> memref<128xi32, #tpu.memory_space<vmem>>
      %dma_start3A_124 = arith.constant 0 : i32
      %dma_start3A_125 = arith.constant 0 : i32
      %dma_start3A_126 = tpu.memref_slice %arg5[%dma_start3A_124, %dma_start3A_125] : memref<51200x8xf32, #tpu.memory_space<hbm>> -> memref<51200x8xf32, #tpu.memory_space<hbm>>
      tpu.enqueue_indirect_dma source(%dma_start3A_126 : memref<51200x8xf32, #tpu.memory_space<hbm>>) target(%dma_start3A_120 : memref<128x8xf32, #tpu.memory_space<vmem>>) offsets(%dma_start3A_123 : memref<128xi32, #tpu.memory_space<vmem>>) semaphore(%arg14 : memref<!tpu.dma_semaphore, #tpu.memory_space<semaphore_mem>>)
      %dma_wait3A_127 = arith.constant 5 : i32
      %dma_wait3A_128 = arith.constant 640 : i32
      %dma_wait3A_129 = arith.constant 0 : i32
      %dma_wait3A_130 = tpu.memref_slice %arg12[%dma_wait3A_128, %dma_wait3A_129] : memref<1920x8xf32, #tpu.memory_space<vmem>> -> memref<128x8xf32, #tpu.memory_space<vmem>>
      %dma_wait3A_131 = arith.constant 0 : i32
      %dma_wait3A_132 = tpu.memref_slice %arg9[%dma_wait3A_127, %dma_wait3A_131] : memref<15x128xi32, #tpu.memory_space<vmem>> -> memref<1x128xi32, #tpu.memory_space<vmem>>
      %dma_wait3A_133 = tpu.memref_squeeze %dma_wait3A_132 : memref<1x128xi32, #tpu.memory_space<vmem>> -> memref<128xi32, #tpu.memory_space<vmem>>
      %dma_wait3A_134 = arith.constant 0 : i32
      %dma_wait3A_135 = arith.constant 0 : i32
      %dma_wait3A_136 = tpu.memref_slice %arg5[%dma_wait3A_134, %dma_wait3A_135] : memref<51200x8xf32, #tpu.memory_space<hbm>> -> memref<51200x8xf32, #tpu.memory_space<hbm>>
      tpu.wait_indirect_dma semaphore(%arg14 : memref<!tpu.dma_semaphore, #tpu.memory_space<semaphore_mem>>) src(%dma_wait3A_136 : memref<51200x8xf32, #tpu.memory_space<hbm>>) dst(%dma_wait3A_130 : memref<128x8xf32, #tpu.memory_space<vmem>>)
      %dma_start3A_137 = arith.constant 6 : i32
      %dma_start3A_138 = arith.constant 768 : i32
      %dma_start3A_139 = arith.constant 0 : i32
      %dma_start3A_140 = tpu.memref_slice %arg12[%dma_start3A_138, %dma_start3A_139] : memref<1920x8xf32, #tpu.memory_space<vmem>> -> memref<128x8xf32, #tpu.memory_space<vmem>>
      %dma_start3A_141 = arith.constant 0 : i32
      %dma_start3A_142 = tpu.memref_slice %arg9[%dma_start3A_137, %dma_start3A_141] : memref<15x128xi32, #tpu.memory_space<vmem>> -> memref<1x128xi32, #tpu.memory_space<vmem>>
      %dma_start3A_143 = tpu.memref_squeeze %dma_start3A_142 : memref<1x128xi32, #tpu.memory_space<vmem>> -> memref<128xi32, #tpu.memory_space<vmem>>
      %dma_start3A_144 = arith.constant 0 : i32
      %dma_start3A_145 = arith.constant 0 : i32
      %dma_start3A_146 = tpu.memref_slice %arg5[%dma_start3A_144, %dma_start3A_145] : memref<51200x8xf32, #tpu.memory_space<hbm>> -> memref<51200x8xf32, #tpu.memory_space<hbm>>
      tpu.enqueue_indirect_dma source(%dma_start3A_146 : memref<51200x8xf32, #tpu.memory_space<hbm>>) target(%dma_start3A_140 : memref<128x8xf32, #tpu.memory_space<vmem>>) offsets(%dma_start3A_143 : memref<128xi32, #tpu.memory_space<vmem>>) semaphore(%arg14 : memref<!tpu.dma_semaphore, #tpu.memory_space<semaphore_mem>>)
      %dma_wait3A_147 = arith.constant 6 : i32
      %dma_wait3A_148 = arith.constant 768 : i32
      %dma_wait3A_149 = arith.constant 0 : i32
      %dma_wait3A_150 = tpu.memref_slice %arg12[%dma_wait3A_148, %dma_wait3A_149] : memref<1920x8xf32, #tpu.memory_space<vmem>> -> memref<128x8xf32, #tpu.memory_space<vmem>>
      %dma_wait3A_151 = arith.constant 0 : i32
      %dma_wait3A_152 = tpu.memref_slice %arg9[%dma_wait3A_147, %dma_wait3A_151] : memref<15x128xi32, #tpu.memory_space<vmem>> -> memref<1x128xi32, #tpu.memory_space<vmem>>
      %dma_wait3A_153 = tpu.memref_squeeze %dma_wait3A_152 : memref<1x128xi32, #tpu.memory_space<vmem>> -> memref<128xi32, #tpu.memory_space<vmem>>
      %dma_wait3A_154 = arith.constant 0 : i32
      %dma_wait3A_155 = arith.constant 0 : i32
      %dma_wait3A_156 = tpu.memref_slice %arg5[%dma_wait3A_154, %dma_wait3A_155] : memref<51200x8xf32, #tpu.memory_space<hbm>> -> memref<51200x8xf32, #tpu.memory_space<hbm>>
      tpu.wait_indirect_dma semaphore(%arg14 : memref<!tpu.dma_semaphore, #tpu.memory_space<semaphore_mem>>) src(%dma_wait3A_156 : memref<51200x8xf32, #tpu.memory_space<hbm>>) dst(%dma_wait3A_150 : memref<128x8xf32, #tpu.memory_space<vmem>>)
      %dma_start3A_157 = arith.constant 7 : i32
      %dma_start3A_158 = arith.constant 896 : i32
      %dma_start3A_159 = arith.constant 0 : i32
      %dma_start3A_160 = tpu.memref_slice %arg12[%dma_start3A_158, %dma_start3A_159] : memref<1920x8xf32, #tpu.memory_space<vmem>> -> memref<128x8xf32, #tpu.memory_space<vmem>>
      %dma_start3A_161 = arith.constant 0 : i32
      %dma_start3A_162 = tpu.memref_slice %arg9[%dma_start3A_157, %dma_start3A_161] : memref<15x128xi32, #tpu.memory_space<vmem>> -> memref<1x128xi32, #tpu.memory_space<vmem>>
      %dma_start3A_163 = tpu.memref_squeeze %dma_start3A_162 : memref<1x128xi32, #tpu.memory_space<vmem>> -> memref<128xi32, #tpu.memory_space<vmem>>
      %dma_start3A_164 = arith.constant 0 : i32
      %dma_start3A_165 = arith.constant 0 : i32
      %dma_start3A_166 = tpu.memref_slice %arg5[%dma_start3A_164, %dma_start3A_165] : memref<51200x8xf32, #tpu.memory_space<hbm>> -> memref<51200x8xf32, #tpu.memory_space<hbm>>
      tpu.enqueue_indirect_dma source(%dma_start3A_166 : memref<51200x8xf32, #tpu.memory_space<hbm>>) target(%dma_start3A_160 : memref<128x8xf32, #tpu.memory_space<vmem>>) offsets(%dma_start3A_163 : memref<128xi32, #tpu.memory_space<vmem>>) semaphore(%arg14 : memref<!tpu.dma_semaphore, #tpu.memory_space<semaphore_mem>>)
      %dma_wait3A_167 = arith.constant 7 : i32
      %dma_wait3A_168 = arith.constant 896 : i32
      %dma_wait3A_169 = arith.constant 0 : i32
      %dma_wait3A_170 = tpu.memref_slice %arg12[%dma_wait3A_168, %dma_wait3A_169] : memref<1920x8xf32, #tpu.memory_space<vmem>> -> memref<128x8xf32, #tpu.memory_space<vmem>>
      %dma_wait3A_171 = arith.constant 0 : i32
      %dma_wait3A_172 = tpu.memref_slice %arg9[%dma_wait3A_167, %dma_wait3A_171] : memref<15x128xi32, #tpu.memory_space<vmem>> -> memref<1x128xi32, #tpu.memory_space<vmem>>
      %dma_wait3A_173 = tpu.memref_squeeze %dma_wait3A_172 : memref<1x128xi32, #tpu.memory_space<vmem>> -> memref<128xi32, #tpu.memory_space<vmem>>
      %dma_wait3A_174 = arith.constant 0 : i32
      %dma_wait3A_175 = arith.constant 0 : i32
      %dma_wait3A_176 = tpu.memref_slice %arg5[%dma_wait3A_174, %dma_wait3A_175] : memref<51200x8xf32, #tpu.memory_space<hbm>> -> memref<51200x8xf32, #tpu.memory_space<hbm>>
      tpu.wait_indirect_dma semaphore(%arg14 : memref<!tpu.dma_semaphore, #tpu.memory_space<semaphore_mem>>) src(%dma_wait3A_176 : memref<51200x8xf32, #tpu.memory_space<hbm>>) dst(%dma_wait3A_170 : memref<128x8xf32, #tpu.memory_space<vmem>>)
      %dma_start3A_177 = arith.constant 8 : i32
      %dma_start3A_178 = arith.constant 1024 : i32
      %dma_start3A_179 = arith.constant 0 : i32
      %dma_start3A_180 = tpu.memref_slice %arg12[%dma_start3A_178, %dma_start3A_179] : memref<1920x8xf32, #tpu.memory_space<vmem>> -> memref<128x8xf32, #tpu.memory_space<vmem>>
      %dma_start3A_181 = arith.constant 0 : i32
      %dma_start3A_182 = tpu.memref_slice %arg9[%dma_start3A_177, %dma_start3A_181] : memref<15x128xi32, #tpu.memory_space<vmem>> -> memref<1x128xi32, #tpu.memory_space<vmem>>
      %dma_start3A_183 = tpu.memref_squeeze %dma_start3A_182 : memref<1x128xi32, #tpu.memory_space<vmem>> -> memref<128xi32, #tpu.memory_space<vmem>>
      %dma_start3A_184 = arith.constant 0 : i32
      %dma_start3A_185 = arith.constant 0 : i32
      %dma_start3A_186 = tpu.memref_slice %arg5[%dma_start3A_184, %dma_start3A_185] : memref<51200x8xf32, #tpu.memory_space<hbm>> -> memref<51200x8xf32, #tpu.memory_space<hbm>>
      tpu.enqueue_indirect_dma source(%dma_start3A_186 : memref<51200x8xf32, #tpu.memory_space<hbm>>) target(%dma_start3A_180 : memref<128x8xf32, #tpu.memory_space<vmem>>) offsets(%dma_start3A_183 : memref<128xi32, #tpu.memory_space<vmem>>) semaphore(%arg14 : memref<!tpu.dma_semaphore, #tpu.memory_space<semaphore_mem>>)
      %dma_wait3A_187 = arith.constant 8 : i32
      %dma_wait3A_188 = arith.constant 1024 : i32
      %dma_wait3A_189 = arith.constant 0 : i32
      %dma_wait3A_190 = tpu.memref_slice %arg12[%dma_wait3A_188, %dma_wait3A_189] : memref<1920x8xf32, #tpu.memory_space<vmem>> -> memref<128x8xf32, #tpu.memory_space<vmem>>
      %dma_wait3A_191 = arith.constant 0 : i32
      %dma_wait3A_192 = tpu.memref_slice %arg9[%dma_wait3A_187, %dma_wait3A_191] : memref<15x128xi32, #tpu.memory_space<vmem>> -> memref<1x128xi32, #tpu.memory_space<vmem>>
      %dma_wait3A_193 = tpu.memref_squeeze %dma_wait3A_192 : memref<1x128xi32, #tpu.memory_space<vmem>> -> memref<128xi32, #tpu.memory_space<vmem>>
      %dma_wait3A_194 = arith.constant 0 : i32
      %dma_wait3A_195 = arith.constant 0 : i32
      %dma_wait3A_196 = tpu.memref_slice %arg5[%dma_wait3A_194, %dma_wait3A_195] : memref<51200x8xf32, #tpu.memory_space<hbm>> -> memref<51200x8xf32, #tpu.memory_space<hbm>>
      tpu.wait_indirect_dma semaphore(%arg14 : memref<!tpu.dma_semaphore, #tpu.memory_space<semaphore_mem>>) src(%dma_wait3A_196 : memref<51200x8xf32, #tpu.memory_space<hbm>>) dst(%dma_wait3A_190 : memref<128x8xf32, #tpu.memory_space<vmem>>)
      %dma_start3A_197 = arith.constant 9 : i32
      %dma_start3A_198 = arith.constant 1152 : i32
      %dma_start3A_199 = arith.constant 0 : i32
      %dma_start3A_200 = tpu.memref_slice %arg12[%dma_start3A_198, %dma_start3A_199] : memref<1920x8xf32, #tpu.memory_space<vmem>> -> memref<128x8xf32, #tpu.memory_space<vmem>>
      %dma_start3A_201 = arith.constant 0 : i32
      %dma_start3A_202 = tpu.memref_slice %arg9[%dma_start3A_197, %dma_start3A_201] : memref<15x128xi32, #tpu.memory_space<vmem>> -> memref<1x128xi32, #tpu.memory_space<vmem>>
      %dma_start3A_203 = tpu.memref_squeeze %dma_start3A_202 : memref<1x128xi32, #tpu.memory_space<vmem>> -> memref<128xi32, #tpu.memory_space<vmem>>
      %dma_start3A_204 = arith.constant 0 : i32
      %dma_start3A_205 = arith.constant 0 : i32
      %dma_start3A_206 = tpu.memref_slice %arg5[%dma_start3A_204, %dma_start3A_205] : memref<51200x8xf32, #tpu.memory_space<hbm>> -> memref<51200x8xf32, #tpu.memory_space<hbm>>
      tpu.enqueue_indirect_dma source(%dma_start3A_206 : memref<51200x8xf32, #tpu.memory_space<hbm>>) target(%dma_start3A_200 : memref<128x8xf32, #tpu.memory_space<vmem>>) offsets(%dma_start3A_203 : memref<128xi32, #tpu.memory_space<vmem>>) semaphore(%arg14 : memref<!tpu.dma_semaphore, #tpu.memory_space<semaphore_mem>>)
      %dma_wait3A_207 = arith.constant 9 : i32
      %dma_wait3A_208 = arith.constant 1152 : i32
      %dma_wait3A_209 = arith.constant 0 : i32
      %dma_wait3A_210 = tpu.memref_slice %arg12[%dma_wait3A_208, %dma_wait3A_209] : memref<1920x8xf32, #tpu.memory_space<vmem>> -> memref<128x8xf32, #tpu.memory_space<vmem>>
      %dma_wait3A_211 = arith.constant 0 : i32
      %dma_wait3A_212 = tpu.memref_slice %arg9[%dma_wait3A_207, %dma_wait3A_211] : memref<15x128xi32, #tpu.memory_space<vmem>> -> memref<1x128xi32, #tpu.memory_space<vmem>>
      %dma_wait3A_213 = tpu.memref_squeeze %dma_wait3A_212 : memref<1x128xi32, #tpu.memory_space<vmem>> -> memref<128xi32, #tpu.memory_space<vmem>>
      %dma_wait3A_214 = arith.constant 0 : i32
      %dma_wait3A_215 = arith.constant 0 : i32
      %dma_wait3A_216 = tpu.memref_slice %arg5[%dma_wait3A_214, %dma_wait3A_215] : memref<51200x8xf32, #tpu.memory_space<hbm>> -> memref<51200x8xf32, #tpu.memory_space<hbm>>
      tpu.wait_indirect_dma semaphore(%arg14 : memref<!tpu.dma_semaphore, #tpu.memory_space<semaphore_mem>>) src(%dma_wait3A_216 : memref<51200x8xf32, #tpu.memory_space<hbm>>) dst(%dma_wait3A_210 : memref<128x8xf32, #tpu.memory_space<vmem>>)
      %dma_start3A_217 = arith.constant 10 : i32
      %dma_start3A_218 = arith.constant 1280 : i32
      %dma_start3A_219 = arith.constant 0 : i32
      %dma_start3A_220 = tpu.memref_slice %arg12[%dma_start3A_218, %dma_start3A_219] : memref<1920x8xf32, #tpu.memory_space<vmem>> -> memref<128x8xf32, #tpu.memory_space<vmem>>
      %dma_start3A_221 = arith.constant 0 : i32
      %dma_start3A_222 = tpu.memref_slice %arg9[%dma_start3A_217, %dma_start3A_221] : memref<15x128xi32, #tpu.memory_space<vmem>> -> memref<1x128xi32, #tpu.memory_space<vmem>>
      %dma_start3A_223 = tpu.memref_squeeze %dma_start3A_222 : memref<1x128xi32, #tpu.memory_space<vmem>> -> memref<128xi32, #tpu.memory_space<vmem>>
      %dma_start3A_224 = arith.constant 0 : i32
      %dma_start3A_225 = arith.constant 0 : i32
      %dma_start3A_226 = tpu.memref_slice %arg5[%dma_start3A_224, %dma_start3A_225] : memref<51200x8xf32, #tpu.memory_space<hbm>> -> memref<51200x8xf32, #tpu.memory_space<hbm>>
      tpu.enqueue_indirect_dma source(%dma_start3A_226 : memref<51200x8xf32, #tpu.memory_space<hbm>>) target(%dma_start3A_220 : memref<128x8xf32, #tpu.memory_space<vmem>>) offsets(%dma_start3A_223 : memref<128xi32, #tpu.memory_space<vmem>>) semaphore(%arg14 : memref<!tpu.dma_semaphore, #tpu.memory_space<semaphore_mem>>)
      %dma_wait3A_227 = arith.constant 10 : i32
      %dma_wait3A_228 = arith.constant 1280 : i32
      %dma_wait3A_229 = arith.constant 0 : i32
      %dma_wait3A_230 = tpu.memref_slice %arg12[%dma_wait3A_228, %dma_wait3A_229] : memref<1920x8xf32, #tpu.memory_space<vmem>> -> memref<128x8xf32, #tpu.memory_space<vmem>>
      %dma_wait3A_231 = arith.constant 0 : i32
      %dma_wait3A_232 = tpu.memref_slice %arg9[%dma_wait3A_227, %dma_wait3A_231] : memref<15x128xi32, #tpu.memory_space<vmem>> -> memref<1x128xi32, #tpu.memory_space<vmem>>
      %dma_wait3A_233 = tpu.memref_squeeze %dma_wait3A_232 : memref<1x128xi32, #tpu.memory_space<vmem>> -> memref<128xi32, #tpu.memory_space<vmem>>
      %dma_wait3A_234 = arith.constant 0 : i32
      %dma_wait3A_235 = arith.constant 0 : i32
      %dma_wait3A_236 = tpu.memref_slice %arg5[%dma_wait3A_234, %dma_wait3A_235] : memref<51200x8xf32, #tpu.memory_space<hbm>> -> memref<51200x8xf32, #tpu.memory_space<hbm>>
      tpu.wait_indirect_dma semaphore(%arg14 : memref<!tpu.dma_semaphore, #tpu.memory_space<semaphore_mem>>) src(%dma_wait3A_236 : memref<51200x8xf32, #tpu.memory_space<hbm>>) dst(%dma_wait3A_230 : memref<128x8xf32, #tpu.memory_space<vmem>>)
      %dma_start3A_237 = arith.constant 11 : i32
      %dma_start3A_238 = arith.constant 1408 : i32
      %dma_start3A_239 = arith.constant 0 : i32
      %dma_start3A_240 = tpu.memref_slice %arg12[%dma_start3A_238, %dma_start3A_239] : memref<1920x8xf32, #tpu.memory_space<vmem>> -> memref<128x8xf32, #tpu.memory_space<vmem>>
      %dma_start3A_241 = arith.constant 0 : i32
      %dma_start3A_242 = tpu.memref_slice %arg9[%dma_start3A_237, %dma_start3A_241] : memref<15x128xi32, #tpu.memory_space<vmem>> -> memref<1x128xi32, #tpu.memory_space<vmem>>
      %dma_start3A_243 = tpu.memref_squeeze %dma_start3A_242 : memref<1x128xi32, #tpu.memory_space<vmem>> -> memref<128xi32, #tpu.memory_space<vmem>>
      %dma_start3A_244 = arith.constant 0 : i32
      %dma_start3A_245 = arith.constant 0 : i32
      %dma_start3A_246 = tpu.memref_slice %arg5[%dma_start3A_244, %dma_start3A_245] : memref<51200x8xf32, #tpu.memory_space<hbm>> -> memref<51200x8xf32, #tpu.memory_space<hbm>>
      tpu.enqueue_indirect_dma source(%dma_start3A_246 : memref<51200x8xf32, #tpu.memory_space<hbm>>) target(%dma_start3A_240 : memref<128x8xf32, #tpu.memory_space<vmem>>) offsets(%dma_start3A_243 : memref<128xi32, #tpu.memory_space<vmem>>) semaphore(%arg14 : memref<!tpu.dma_semaphore, #tpu.memory_space<semaphore_mem>>)
      %dma_wait3A_247 = arith.constant 11 : i32
      %dma_wait3A_248 = arith.constant 1408 : i32
      %dma_wait3A_249 = arith.constant 0 : i32
      %dma_wait3A_250 = tpu.memref_slice %arg12[%dma_wait3A_248, %dma_wait3A_249] : memref<1920x8xf32, #tpu.memory_space<vmem>> -> memref<128x8xf32, #tpu.memory_space<vmem>>
      %dma_wait3A_251 = arith.constant 0 : i32
      %dma_wait3A_252 = tpu.memref_slice %arg9[%dma_wait3A_247, %dma_wait3A_251] : memref<15x128xi32, #tpu.memory_space<vmem>> -> memref<1x128xi32, #tpu.memory_space<vmem>>
      %dma_wait3A_253 = tpu.memref_squeeze %dma_wait3A_252 : memref<1x128xi32, #tpu.memory_space<vmem>> -> memref<128xi32, #tpu.memory_space<vmem>>
      %dma_wait3A_254 = arith.constant 0 : i32
      %dma_wait3A_255 = arith.constant 0 : i32
      %dma_wait3A_256 = tpu.memref_slice %arg5[%dma_wait3A_254, %dma_wait3A_255] : memref<51200x8xf32, #tpu.memory_space<hbm>> -> memref<51200x8xf32, #tpu.memory_space<hbm>>
      tpu.wait_indirect_dma semaphore(%arg14 : memref<!tpu.dma_semaphore, #tpu.memory_space<semaphore_mem>>) src(%dma_wait3A_256 : memref<51200x8xf32, #tpu.memory_space<hbm>>) dst(%dma_wait3A_250 : memref<128x8xf32, #tpu.memory_space<vmem>>)
      %dma_start3A_257 = arith.constant 12 : i32
      %dma_start3A_258 = arith.constant 1536 : i32
      %dma_start3A_259 = arith.constant 0 : i32
      %dma_start3A_260 = tpu.memref_slice %arg12[%dma_start3A_258, %dma_start3A_259] : memref<1920x8xf32, #tpu.memory_space<vmem>> -> memref<128x8xf32, #tpu.memory_space<vmem>>
      %dma_start3A_261 = arith.constant 0 : i32
      %dma_start3A_262 = tpu.memref_slice %arg9[%dma_start3A_257, %dma_start3A_261] : memref<15x128xi32, #tpu.memory_space<vmem>> -> memref<1x128xi32, #tpu.memory_space<vmem>>
      %dma_start3A_263 = tpu.memref_squeeze %dma_start3A_262 : memref<1x128xi32, #tpu.memory_space<vmem>> -> memref<128xi32, #tpu.memory_space<vmem>>
      %dma_start3A_264 = arith.constant 0 : i32
      %dma_start3A_265 = arith.constant 0 : i32
      %dma_start3A_266 = tpu.memref_slice %arg5[%dma_start3A_264, %dma_start3A_265] : memref<51200x8xf32, #tpu.memory_space<hbm>> -> memref<51200x8xf32, #tpu.memory_space<hbm>>
      tpu.enqueue_indirect_dma source(%dma_start3A_266 : memref<51200x8xf32, #tpu.memory_space<hbm>>) target(%dma_start3A_260 : memref<128x8xf32, #tpu.memory_space<vmem>>) offsets(%dma_start3A_263 : memref<128xi32, #tpu.memory_space<vmem>>) semaphore(%arg14 : memref<!tpu.dma_semaphore, #tpu.memory_space<semaphore_mem>>)
      %dma_wait3A_267 = arith.constant 12 : i32
      %dma_wait3A_268 = arith.constant 1536 : i32
      %dma_wait3A_269 = arith.constant 0 : i32
      %dma_wait3A_270 = tpu.memref_slice %arg12[%dma_wait3A_268, %dma_wait3A_269] : memref<1920x8xf32, #tpu.memory_space<vmem>> -> memref<128x8xf32, #tpu.memory_space<vmem>>
      %dma_wait3A_271 = arith.constant 0 : i32
      %dma_wait3A_272 = tpu.memref_slice %arg9[%dma_wait3A_267, %dma_wait3A_271] : memref<15x128xi32, #tpu.memory_space<vmem>> -> memref<1x128xi32, #tpu.memory_space<vmem>>
      %dma_wait3A_273 = tpu.memref_squeeze %dma_wait3A_272 : memref<1x128xi32, #tpu.memory_space<vmem>> -> memref<128xi32, #tpu.memory_space<vmem>>
      %dma_wait3A_274 = arith.constant 0 : i32
      %dma_wait3A_275 = arith.constant 0 : i32
      %dma_wait3A_276 = tpu.memref_slice %arg5[%dma_wait3A_274, %dma_wait3A_275] : memref<51200x8xf32, #tpu.memory_space<hbm>> -> memref<51200x8xf32, #tpu.memory_space<hbm>>
      tpu.wait_indirect_dma semaphore(%arg14 : memref<!tpu.dma_semaphore, #tpu.memory_space<semaphore_mem>>) src(%dma_wait3A_276 : memref<51200x8xf32, #tpu.memory_space<hbm>>) dst(%dma_wait3A_270 : memref<128x8xf32, #tpu.memory_space<vmem>>)
      %dma_start3A_277 = arith.constant 13 : i32
      %dma_start3A_278 = arith.constant 1664 : i32
      %dma_start3A_279 = arith.constant 0 : i32
      %dma_start3A_280 = tpu.memref_slice %arg12[%dma_start3A_278, %dma_start3A_279] : memref<1920x8xf32, #tpu.memory_space<vmem>> -> memref<128x8xf32, #tpu.memory_space<vmem>>
      %dma_start3A_281 = arith.constant 0 : i32
      %dma_start3A_282 = tpu.memref_slice %arg9[%dma_start3A_277, %dma_start3A_281] : memref<15x128xi32, #tpu.memory_space<vmem>> -> memref<1x128xi32, #tpu.memory_space<vmem>>
      %dma_start3A_283 = tpu.memref_squeeze %dma_start3A_282 : memref<1x128xi32, #tpu.memory_space<vmem>> -> memref<128xi32, #tpu.memory_space<vmem>>
      %dma_start3A_284 = arith.constant 0 : i32
      %dma_start3A_285 = arith.constant 0 : i32
      %dma_start3A_286 = tpu.memref_slice %arg5[%dma_start3A_284, %dma_start3A_285] : memref<51200x8xf32, #tpu.memory_space<hbm>> -> memref<51200x8xf32, #tpu.memory_space<hbm>>
      tpu.enqueue_indirect_dma source(%dma_start3A_286 : memref<51200x8xf32, #tpu.memory_space<hbm>>) target(%dma_start3A_280 : memref<128x8xf32, #tpu.memory_space<vmem>>) offsets(%dma_start3A_283 : memref<128xi32, #tpu.memory_space<vmem>>) semaphore(%arg14 : memref<!tpu.dma_semaphore, #tpu.memory_space<semaphore_mem>>)
      %dma_wait3A_287 = arith.constant 13 : i32
      %dma_wait3A_288 = arith.constant 1664 : i32
      %dma_wait3A_289 = arith.constant 0 : i32
      %dma_wait3A_290 = tpu.memref_slice %arg12[%dma_wait3A_288, %dma_wait3A_289] : memref<1920x8xf32, #tpu.memory_space<vmem>> -> memref<128x8xf32, #tpu.memory_space<vmem>>
      %dma_wait3A_291 = arith.constant 0 : i32
      %dma_wait3A_292 = tpu.memref_slice %arg9[%dma_wait3A_287, %dma_wait3A_291] : memref<15x128xi32, #tpu.memory_space<vmem>> -> memref<1x128xi32, #tpu.memory_space<vmem>>
      %dma_wait3A_293 = tpu.memref_squeeze %dma_wait3A_292 : memref<1x128xi32, #tpu.memory_space<vmem>> -> memref<128xi32, #tpu.memory_space<vmem>>
      %dma_wait3A_294 = arith.constant 0 : i32
      %dma_wait3A_295 = arith.constant 0 : i32
      %dma_wait3A_296 = tpu.memref_slice %arg5[%dma_wait3A_294, %dma_wait3A_295] : memref<51200x8xf32, #tpu.memory_space<hbm>> -> memref<51200x8xf32, #tpu.memory_space<hbm>>
      tpu.wait_indirect_dma semaphore(%arg14 : memref<!tpu.dma_semaphore, #tpu.memory_space<semaphore_mem>>) src(%dma_wait3A_296 : memref<51200x8xf32, #tpu.memory_space<hbm>>) dst(%dma_wait3A_290 : memref<128x8xf32, #tpu.memory_space<vmem>>)
      %dma_start3A_297 = arith.constant 14 : i32
      %dma_start3A_298 = arith.constant 1792 : i32
      %dma_start3A_299 = arith.constant 0 : i32
      %dma_start3A_300 = tpu.memref_slice %arg12[%dma_start3A_298, %dma_start3A_299] : memref<1920x8xf32, #tpu.memory_space<vmem>> -> memref<128x8xf32, #tpu.memory_space<vmem>>
      %dma_start3A_301 = arith.constant 0 : i32
      %dma_start3A_302 = tpu.memref_slice %arg9[%dma_start3A_297, %dma_start3A_301] : memref<15x128xi32, #tpu.memory_space<vmem>> -> memref<1x128xi32, #tpu.memory_space<vmem>>
      %dma_start3A_303 = tpu.memref_squeeze %dma_start3A_302 : memref<1x128xi32, #tpu.memory_space<vmem>> -> memref<128xi32, #tpu.memory_space<vmem>>
      %dma_start3A_304 = arith.constant 0 : i32
      %dma_start3A_305 = arith.constant 0 : i32
      %dma_start3A_306 = tpu.memref_slice %arg5[%dma_start3A_304, %dma_start3A_305] : memref<51200x8xf32, #tpu.memory_space<hbm>> -> memref<51200x8xf32, #tpu.memory_space<hbm>>
      tpu.enqueue_indirect_dma source(%dma_start3A_306 : memref<51200x8xf32, #tpu.memory_space<hbm>>) target(%dma_start3A_300 : memref<128x8xf32, #tpu.memory_space<vmem>>) offsets(%dma_start3A_303 : memref<128xi32, #tpu.memory_space<vmem>>) semaphore(%arg14 : memref<!tpu.dma_semaphore, #tpu.memory_space<semaphore_mem>>)
      %dma_wait3A_307 = arith.constant 14 : i32
      %dma_wait3A_308 = arith.constant 1792 : i32
      %dma_wait3A_309 = arith.constant 0 : i32
      %dma_wait3A_310 = tpu.memref_slice %arg12[%dma_wait3A_308, %dma_wait3A_309] : memref<1920x8xf32, #tpu.memory_space<vmem>> -> memref<128x8xf32, #tpu.memory_space<vmem>>
      %dma_wait3A_311 = arith.constant 0 : i32
      %dma_wait3A_312 = tpu.memref_slice %arg9[%dma_wait3A_307, %dma_wait3A_311] : memref<15x128xi32, #tpu.memory_space<vmem>> -> memref<1x128xi32, #tpu.memory_space<vmem>>
      %dma_wait3A_313 = tpu.memref_squeeze %dma_wait3A_312 : memref<1x128xi32, #tpu.memory_space<vmem>> -> memref<128xi32, #tpu.memory_space<vmem>>
      %dma_wait3A_314 = arith.constant 0 : i32
      %dma_wait3A_315 = arith.constant 0 : i32
      %dma_wait3A_316 = tpu.memref_slice %arg5[%dma_wait3A_314, %dma_wait3A_315] : memref<51200x8xf32, #tpu.memory_space<hbm>> -> memref<51200x8xf32, #tpu.memory_space<hbm>>
      tpu.wait_indirect_dma semaphore(%arg14 : memref<!tpu.dma_semaphore, #tpu.memory_space<semaphore_mem>>) src(%dma_wait3A_316 : memref<51200x8xf32, #tpu.memory_space<hbm>>) dst(%dma_wait3A_310 : memref<128x8xf32, #tpu.memory_space<vmem>>)
      %scan3A_317 = arith.constant 0 : i32
      %scan3A_318 = arith.constant 0 : i32
      %scan3A_319 = arith.constant 960 : i32
      %scan3A_320 = arith.addi %scan3A_318, %scan3A_319 : i32
      %scan3A_321 = arith.constant 1 : i32
      scf.for %scan3A_337 = %scan3A_318 to %scan3A_320 step %scan3A_321  : i32 {
        %mul3A_338 = arith.constant 16 : i32
        %mul3A_339 = arith.muli %scan3A_337, %mul3A_338 : i32
        %iota3A = tpu.iota {dimensions = array<i32: 0>} : vector<16xi32>
        %add3A_340 = vector.broadcast %mul3A_339 : i32 to vector<16xi32>
        %add3A_341 = arith.addi %add3A_340, %iota3A : vector<16xi32>
        %shift_right_arithmetic3A = arith.constant 3 : i32
        %shift_right_arithmetic3A_342 = vector.broadcast %shift_right_arithmetic3A : i32 to vector<16xi32>
        %shift_right_arithmetic3A_343 = arith.shrsi %add3A_341, %shift_right_arithmetic3A_342 : vector<16xi32>
        %and3A = arith.constant 7 : i32
        %and3A_344 = vector.broadcast %and3A : i32 to vector<16xi32>
        %and3A_345 = arith.andi %add3A_341, %and3A_344 : vector<16xi32>
        %gather3A = tpu.vector_load_idx %arg11[%shift_right_arithmetic3A_343] : memref<1920xf32, #tpu.memory_space<vmem>>[vector<16xi32>], vector<16xf32>,
        %gather3A_346 = tpu.vector_load_idx %arg12[%shift_right_arithmetic3A_343, %and3A_345] : memref<1920x8xf32, #tpu.memory_space<vmem>>[vector<16xi32>, vector<16xi32>], vector<16xf32>,
        %mul3A_347 = arith.mulf %gather3A, %gather3A_346 : vector<16xf32>
        tpu.vector_store_idx %arg13[%shift_right_arithmetic3A_343, %and3A_345], %mul3A_347 : memref<1920x8xf32, #tpu.memory_space<vmem>>[vector<16xi32>, vector<16xi32>], vector<16xf32>,
      }
      %scan3A_322 = arith.constant 960 : i32
      %run_scoped3A = arith.constant 0 : i32
      "tpu.region"() ({
        %run_scoped3A_337 = tpu.sem_alloc : memref<!tpu.dma_semaphore, #tpu.memory_space<semaphore_mem>>
        %dma_start3A_338 = arith.constant 0 : i32
        %dma_start3A_339 = arith.constant 0 : i32
        %dma_start3A_340 = tpu.memref_slice %arg13[%dma_start3A_338, %dma_start3A_339] : memref<1920x8xf32, #tpu.memory_space<vmem>> -> memref<128x8xf32, #tpu.memory_space<vmem>>
        %dma_start3A_341 = arith.constant 0 : i32
        %dma_start3A_342 = tpu.memref_slice %arg10[%run_scoped3A, %dma_start3A_341] : memref<15x128xi32, #tpu.memory_space<vmem>> -> memref<1x128xi32, #tpu.memory_space<vmem>>
        %dma_start3A_343 = tpu.memref_squeeze %dma_start3A_342 : memref<1x128xi32, #tpu.memory_space<vmem>> -> memref<128xi32, #tpu.memory_space<vmem>>
        %dma_start3A_344 = arith.constant 0 : i32
        %dma_start3A_345 = arith.constant 0 : i32
        %dma_start3A_346 = tpu.memref_slice %arg8[%dma_start3A_344, %dma_start3A_345] : memref<51200x8xf32, #tpu.memory_space<vmem_shared>> -> memref<51200x8xf32, #tpu.memory_space<vmem_shared>>
        tpu.enqueue_indirect_dma source(%dma_start3A_340 : memref<128x8xf32, #tpu.memory_space<vmem>>) target(%dma_start3A_346 : memref<51200x8xf32, #tpu.memory_space<vmem_shared>>) offsets(%dma_start3A_343 : memref<128xi32, #tpu.memory_space<vmem>>) semaphore(%run_scoped3A_337 : memref<!tpu.dma_semaphore, #tpu.memory_space<semaphore_mem>>) {add = true}
        %dma_wait3A_347 = arith.constant 0 : i32
        %dma_wait3A_348 = arith.constant 0 : i32
        %dma_wait3A_349 = tpu.memref_slice %arg13[%dma_wait3A_347, %dma_wait3A_348] : memref<1920x8xf32, #tpu.memory_space<vmem>> -> memref<128x8xf32, #tpu.memory_space<vmem>>
        %dma_wait3A_350 = arith.constant 0 : i32
        %dma_wait3A_351 = tpu.memref_slice %arg10[%run_scoped3A, %dma_wait3A_350] : memref<15x128xi32, #tpu.memory_space<vmem>> -> memref<1x128xi32, #tpu.memory_space<vmem>>
        %dma_wait3A_352 = tpu.memref_squeeze %dma_wait3A_351 : memref<1x128xi32, #tpu.memory_space<vmem>> -> memref<128xi32, #tpu.memory_space<vmem>>
        %dma_wait3A_353 = arith.constant 0 : i32
        %dma_wait3A_354 = arith.constant 0 : i32
        %dma_wait3A_355 = tpu.memref_slice %arg8[%dma_wait3A_353, %dma_wait3A_354] : memref<51200x8xf32, #tpu.memory_space<vmem_shared>> -> memref<51200x8xf32, #tpu.memory_space<vmem_shared>>
        tpu.wait_indirect_dma semaphore(%run_scoped3A_337 : memref<!tpu.dma_semaphore, #tpu.memory_space<semaphore_mem>>) src(%dma_wait3A_349 : memref<128x8xf32, #tpu.memory_space<vmem>>) dst(%dma_wait3A_355 : memref<51200x8xf32, #tpu.memory_space<vmem_shared>>)
        tpu.yield
      }) : () -> ()
      %run_scoped3A_323 = arith.constant 1 : i32
      "tpu.region"() ({
        %run_scoped3A_337 = tpu.sem_alloc : memref<!tpu.dma_semaphore, #tpu.memory_space<semaphore_mem>>
        %dma_start3A_338 = arith.constant 128 : i32
        %dma_start3A_339 = arith.constant 0 : i32
        %dma_start3A_340 = tpu.memref_slice %arg13[%dma_start3A_338, %dma_start3A_339] : memref<1920x8xf32, #tpu.memory_space<vmem>> -> memref<128x8xf32, #tpu.memory_space<vmem>>
        %dma_start3A_341 = arith.constant 0 : i32
        %dma_start3A_342 = tpu.memref_slice %arg10[%run_scoped3A_323, %dma_start3A_341] : memref<15x128xi32, #tpu.memory_space<vmem>> -> memref<1x128xi32, #tpu.memory_space<vmem>>
        %dma_start3A_343 = tpu.memref_squeeze %dma_start3A_342 : memref<1x128xi32, #tpu.memory_space<vmem>> -> memref<128xi32, #tpu.memory_space<vmem>>
        %dma_start3A_344 = arith.constant 0 : i32
        %dma_start3A_345 = arith.constant 0 : i32
        %dma_start3A_346 = tpu.memref_slice %arg8[%dma_start3A_344, %dma_start3A_345] : memref<51200x8xf32, #tpu.memory_space<vmem_shared>> -> memref<51200x8xf32, #tpu.memory_space<vmem_shared>>
        tpu.enqueue_indirect_dma source(%dma_start3A_340 : memref<128x8xf32, #tpu.memory_space<vmem>>) target(%dma_start3A_346 : memref<51200x8xf32, #tpu.memory_space<vmem_shared>>) offsets(%dma_start3A_343 : memref<128xi32, #tpu.memory_space<vmem>>) semaphore(%run_scoped3A_337 : memref<!tpu.dma_semaphore, #tpu.memory_space<semaphore_mem>>) {add = true}
        %dma_wait3A_347 = arith.constant 128 : i32
        %dma_wait3A_348 = arith.constant 0 : i32
        %dma_wait3A_349 = tpu.memref_slice %arg13[%dma_wait3A_347, %dma_wait3A_348] : memref<1920x8xf32, #tpu.memory_space<vmem>> -> memref<128x8xf32, #tpu.memory_space<vmem>>
        %dma_wait3A_350 = arith.constant 0 : i32
        %dma_wait3A_351 = tpu.memref_slice %arg10[%run_scoped3A_323, %dma_wait3A_350] : memref<15x128xi32, #tpu.memory_space<vmem>> -> memref<1x128xi32, #tpu.memory_space<vmem>>
        %dma_wait3A_352 = tpu.memref_squeeze %dma_wait3A_351 : memref<1x128xi32, #tpu.memory_space<vmem>> -> memref<128xi32, #tpu.memory_space<vmem>>
        %dma_wait3A_353 = arith.constant 0 : i32
        %dma_wait3A_354 = arith.constant 0 : i32
        %dma_wait3A_355 = tpu.memref_slice %arg8[%dma_wait3A_353, %dma_wait3A_354] : memref<51200x8xf32, #tpu.memory_space<vmem_shared>> -> memref<51200x8xf32, #tpu.memory_space<vmem_shared>>
        tpu.wait_indirect_dma semaphore(%run_scoped3A_337 : memref<!tpu.dma_semaphore, #tpu.memory_space<semaphore_mem>>) src(%dma_wait3A_349 : memref<128x8xf32, #tpu.memory_space<vmem>>) dst(%dma_wait3A_355 : memref<51200x8xf32, #tpu.memory_space<vmem_shared>>)
        tpu.yield
      }) : () -> ()
      %run_scoped3A_324 = arith.constant 2 : i32
      "tpu.region"() ({
        %run_scoped3A_337 = tpu.sem_alloc : memref<!tpu.dma_semaphore, #tpu.memory_space<semaphore_mem>>
        %dma_start3A_338 = arith.constant 256 : i32
        %dma_start3A_339 = arith.constant 0 : i32
        %dma_start3A_340 = tpu.memref_slice %arg13[%dma_start3A_338, %dma_start3A_339] : memref<1920x8xf32, #tpu.memory_space<vmem>> -> memref<128x8xf32, #tpu.memory_space<vmem>>
        %dma_start3A_341 = arith.constant 0 : i32
        %dma_start3A_342 = tpu.memref_slice %arg10[%run_scoped3A_324, %dma_start3A_341] : memref<15x128xi32, #tpu.memory_space<vmem>> -> memref<1x128xi32, #tpu.memory_space<vmem>>
        %dma_start3A_343 = tpu.memref_squeeze %dma_start3A_342 : memref<1x128xi32, #tpu.memory_space<vmem>> -> memref<128xi32, #tpu.memory_space<vmem>>
        %dma_start3A_344 = arith.constant 0 : i32
        %dma_start3A_345 = arith.constant 0 : i32
        %dma_start3A_346 = tpu.memref_slice %arg8[%dma_start3A_344, %dma_start3A_345] : memref<51200x8xf32, #tpu.memory_space<vmem_shared>> -> memref<51200x8xf32, #tpu.memory_space<vmem_shared>>
        tpu.enqueue_indirect_dma source(%dma_start3A_340 : memref<128x8xf32, #tpu.memory_space<vmem>>) target(%dma_start3A_346 : memref<51200x8xf32, #tpu.memory_space<vmem_shared>>) offsets(%dma_start3A_343 : memref<128xi32, #tpu.memory_space<vmem>>) semaphore(%run_scoped3A_337 : memref<!tpu.dma_semaphore, #tpu.memory_space<semaphore_mem>>) {add = true}
        %dma_wait3A_347 = arith.constant 256 : i32
        %dma_wait3A_348 = arith.constant 0 : i32
        %dma_wait3A_349 = tpu.memref_slice %arg13[%dma_wait3A_347, %dma_wait3A_348] : memref<1920x8xf32, #tpu.memory_space<vmem>> -> memref<128x8xf32, #tpu.memory_space<vmem>>
        %dma_wait3A_350 = arith.constant 0 : i32
        %dma_wait3A_351 = tpu.memref_slice %arg10[%run_scoped3A_324, %dma_wait3A_350] : memref<15x128xi32, #tpu.memory_space<vmem>> -> memref<1x128xi32, #tpu.memory_space<vmem>>
        %dma_wait3A_352 = tpu.memref_squeeze %dma_wait3A_351 : memref<1x128xi32, #tpu.memory_space<vmem>> -> memref<128xi32, #tpu.memory_space<vmem>>
        %dma_wait3A_353 = arith.constant 0 : i32
        %dma_wait3A_354 = arith.constant 0 : i32
        %dma_wait3A_355 = tpu.memref_slice %arg8[%dma_wait3A_353, %dma_wait3A_354] : memref<51200x8xf32, #tpu.memory_space<vmem_shared>> -> memref<51200x8xf32, #tpu.memory_space<vmem_shared>>
        tpu.wait_indirect_dma semaphore(%run_scoped3A_337 : memref<!tpu.dma_semaphore, #tpu.memory_space<semaphore_mem>>) src(%dma_wait3A_349 : memref<128x8xf32, #tpu.memory_space<vmem>>) dst(%dma_wait3A_355 : memref<51200x8xf32, #tpu.memory_space<vmem_shared>>)
        tpu.yield
      }) : () -> ()
      %run_scoped3A_325 = arith.constant 3 : i32
      "tpu.region"() ({
        %run_scoped3A_337 = tpu.sem_alloc : memref<!tpu.dma_semaphore, #tpu.memory_space<semaphore_mem>>
        %dma_start3A_338 = arith.constant 384 : i32
        %dma_start3A_339 = arith.constant 0 : i32
        %dma_start3A_340 = tpu.memref_slice %arg13[%dma_start3A_338, %dma_start3A_339] : memref<1920x8xf32, #tpu.memory_space<vmem>> -> memref<128x8xf32, #tpu.memory_space<vmem>>
        %dma_start3A_341 = arith.constant 0 : i32
        %dma_start3A_342 = tpu.memref_slice %arg10[%run_scoped3A_325, %dma_start3A_341] : memref<15x128xi32, #tpu.memory_space<vmem>> -> memref<1x128xi32, #tpu.memory_space<vmem>>
        %dma_start3A_343 = tpu.memref_squeeze %dma_start3A_342 : memref<1x128xi32, #tpu.memory_space<vmem>> -> memref<128xi32, #tpu.memory_space<vmem>>
        %dma_start3A_344 = arith.constant 0 : i32
        %dma_start3A_345 = arith.constant 0 : i32
        %dma_start3A_346 = tpu.memref_slice %arg8[%dma_start3A_344, %dma_start3A_345] : memref<51200x8xf32, #tpu.memory_space<vmem_shared>> -> memref<51200x8xf32, #tpu.memory_space<vmem_shared>>
        tpu.enqueue_indirect_dma source(%dma_start3A_340 : memref<128x8xf32, #tpu.memory_space<vmem>>) target(%dma_start3A_346 : memref<51200x8xf32, #tpu.memory_space<vmem_shared>>) offsets(%dma_start3A_343 : memref<128xi32, #tpu.memory_space<vmem>>) semaphore(%run_scoped3A_337 : memref<!tpu.dma_semaphore, #tpu.memory_space<semaphore_mem>>) {add = true}
        %dma_wait3A_347 = arith.constant 384 : i32
        %dma_wait3A_348 = arith.constant 0 : i32
        %dma_wait3A_349 = tpu.memref_slice %arg13[%dma_wait3A_347, %dma_wait3A_348] : memref<1920x8xf32, #tpu.memory_space<vmem>> -> memref<128x8xf32, #tpu.memory_space<vmem>>
        %dma_wait3A_350 = arith.constant 0 : i32
        %dma_wait3A_351 = tpu.memref_slice %arg10[%run_scoped3A_325, %dma_wait3A_350] : memref<15x128xi32, #tpu.memory_space<vmem>> -> memref<1x128xi32, #tpu.memory_space<vmem>>
        %dma_wait3A_352 = tpu.memref_squeeze %dma_wait3A_351 : memref<1x128xi32, #tpu.memory_space<vmem>> -> memref<128xi32, #tpu.memory_space<vmem>>
        %dma_wait3A_353 = arith.constant 0 : i32
        %dma_wait3A_354 = arith.constant 0 : i32
        %dma_wait3A_355 = tpu.memref_slice %arg8[%dma_wait3A_353, %dma_wait3A_354] : memref<51200x8xf32, #tpu.memory_space<vmem_shared>> -> memref<51200x8xf32, #tpu.memory_space<vmem_shared>>
        tpu.wait_indirect_dma semaphore(%run_scoped3A_337 : memref<!tpu.dma_semaphore, #tpu.memory_space<semaphore_mem>>) src(%dma_wait3A_349 : memref<128x8xf32, #tpu.memory_space<vmem>>) dst(%dma_wait3A_355 : memref<51200x8xf32, #tpu.memory_space<vmem_shared>>)
        tpu.yield
      }) : () -> ()
      %run_scoped3A_326 = arith.constant 4 : i32
      "tpu.region"() ({
        %run_scoped3A_337 = tpu.sem_alloc : memref<!tpu.dma_semaphore, #tpu.memory_space<semaphore_mem>>
        %dma_start3A_338 = arith.constant 512 : i32
        %dma_start3A_339 = arith.constant 0 : i32
        %dma_start3A_340 = tpu.memref_slice %arg13[%dma_start3A_338, %dma_start3A_339] : memref<1920x8xf32, #tpu.memory_space<vmem>> -> memref<128x8xf32, #tpu.memory_space<vmem>>
        %dma_start3A_341 = arith.constant 0 : i32
        %dma_start3A_342 = tpu.memref_slice %arg10[%run_scoped3A_326, %dma_start3A_341] : memref<15x128xi32, #tpu.memory_space<vmem>> -> memref<1x128xi32, #tpu.memory_space<vmem>>
        %dma_start3A_343 = tpu.memref_squeeze %dma_start3A_342 : memref<1x128xi32, #tpu.memory_space<vmem>> -> memref<128xi32, #tpu.memory_space<vmem>>
        %dma_start3A_344 = arith.constant 0 : i32
        %dma_start3A_345 = arith.constant 0 : i32
        %dma_start3A_346 = tpu.memref_slice %arg8[%dma_start3A_344, %dma_start3A_345] : memref<51200x8xf32, #tpu.memory_space<vmem_shared>> -> memref<51200x8xf32, #tpu.memory_space<vmem_shared>>
        tpu.enqueue_indirect_dma source(%dma_start3A_340 : memref<128x8xf32, #tpu.memory_space<vmem>>) target(%dma_start3A_346 : memref<51200x8xf32, #tpu.memory_space<vmem_shared>>) offsets(%dma_start3A_343 : memref<128xi32, #tpu.memory_space<vmem>>) semaphore(%run_scoped3A_337 : memref<!tpu.dma_semaphore, #tpu.memory_space<semaphore_mem>>) {add = true}
        %dma_wait3A_347 = arith.constant 512 : i32
        %dma_wait3A_348 = arith.constant 0 : i32
        %dma_wait3A_349 = tpu.memref_slice %arg13[%dma_wait3A_347, %dma_wait3A_348] : memref<1920x8xf32, #tpu.memory_space<vmem>> -> memref<128x8xf32, #tpu.memory_space<vmem>>
        %dma_wait3A_350 = arith.constant 0 : i32
        %dma_wait3A_351 = tpu.memref_slice %arg10[%run_scoped3A_326, %dma_wait3A_350] : memref<15x128xi32, #tpu.memory_space<vmem>> -> memref<1x128xi32, #tpu.memory_space<vmem>>
        %dma_wait3A_352 = tpu.memref_squeeze %dma_wait3A_351 : memref<1x128xi32, #tpu.memory_space<vmem>> -> memref<128xi32, #tpu.memory_space<vmem>>
        %dma_wait3A_353 = arith.constant 0 : i32
        %dma_wait3A_354 = arith.constant 0 : i32
        %dma_wait3A_355 = tpu.memref_slice %arg8[%dma_wait3A_353, %dma_wait3A_354] : memref<51200x8xf32, #tpu.memory_space<vmem_shared>> -> memref<51200x8xf32, #tpu.memory_space<vmem_shared>>
        tpu.wait_indirect_dma semaphore(%run_scoped3A_337 : memref<!tpu.dma_semaphore, #tpu.memory_space<semaphore_mem>>) src(%dma_wait3A_349 : memref<128x8xf32, #tpu.memory_space<vmem>>) dst(%dma_wait3A_355 : memref<51200x8xf32, #tpu.memory_space<vmem_shared>>)
        tpu.yield
      }) : () -> ()
      %run_scoped3A_327 = arith.constant 5 : i32
      "tpu.region"() ({
        %run_scoped3A_337 = tpu.sem_alloc : memref<!tpu.dma_semaphore, #tpu.memory_space<semaphore_mem>>
        %dma_start3A_338 = arith.constant 640 : i32
        %dma_start3A_339 = arith.constant 0 : i32
        %dma_start3A_340 = tpu.memref_slice %arg13[%dma_start3A_338, %dma_start3A_339] : memref<1920x8xf32, #tpu.memory_space<vmem>> -> memref<128x8xf32, #tpu.memory_space<vmem>>
        %dma_start3A_341 = arith.constant 0 : i32
        %dma_start3A_342 = tpu.memref_slice %arg10[%run_scoped3A_327, %dma_start3A_341] : memref<15x128xi32, #tpu.memory_space<vmem>> -> memref<1x128xi32, #tpu.memory_space<vmem>>
        %dma_start3A_343 = tpu.memref_squeeze %dma_start3A_342 : memref<1x128xi32, #tpu.memory_space<vmem>> -> memref<128xi32, #tpu.memory_space<vmem>>
        %dma_start3A_344 = arith.constant 0 : i32
        %dma_start3A_345 = arith.constant 0 : i32
        %dma_start3A_346 = tpu.memref_slice %arg8[%dma_start3A_344, %dma_start3A_345] : memref<51200x8xf32, #tpu.memory_space<vmem_shared>> -> memref<51200x8xf32, #tpu.memory_space<vmem_shared>>
        tpu.enqueue_indirect_dma source(%dma_start3A_340 : memref<128x8xf32, #tpu.memory_space<vmem>>) target(%dma_start3A_346 : memref<51200x8xf32, #tpu.memory_space<vmem_shared>>) offsets(%dma_start3A_343 : memref<128xi32, #tpu.memory_space<vmem>>) semaphore(%run_scoped3A_337 : memref<!tpu.dma_semaphore, #tpu.memory_space<semaphore_mem>>) {add = true}
        %dma_wait3A_347 = arith.constant 640 : i32
        %dma_wait3A_348 = arith.constant 0 : i32
        %dma_wait3A_349 = tpu.memref_slice %arg13[%dma_wait3A_347, %dma_wait3A_348] : memref<1920x8xf32, #tpu.memory_space<vmem>> -> memref<128x8xf32, #tpu.memory_space<vmem>>
        %dma_wait3A_350 = arith.constant 0 : i32
        %dma_wait3A_351 = tpu.memref_slice %arg10[%run_scoped3A_327, %dma_wait3A_350] : memref<15x128xi32, #tpu.memory_space<vmem>> -> memref<1x128xi32, #tpu.memory_space<vmem>>
        %dma_wait3A_352 = tpu.memref_squeeze %dma_wait3A_351 : memref<1x128xi32, #tpu.memory_space<vmem>> -> memref<128xi32, #tpu.memory_space<vmem>>
        %dma_wait3A_353 = arith.constant 0 : i32
        %dma_wait3A_354 = arith.constant 0 : i32
        %dma_wait3A_355 = tpu.memref_slice %arg8[%dma_wait3A_353, %dma_wait3A_354] : memref<51200x8xf32, #tpu.memory_space<vmem_shared>> -> memref<51200x8xf32, #tpu.memory_space<vmem_shared>>
        tpu.wait_indirect_dma semaphore(%run_scoped3A_337 : memref<!tpu.dma_semaphore, #tpu.memory_space<semaphore_mem>>) src(%dma_wait3A_349 : memref<128x8xf32, #tpu.memory_space<vmem>>) dst(%dma_wait3A_355 : memref<51200x8xf32, #tpu.memory_space<vmem_shared>>)
        tpu.yield
      }) : () -> ()
      %run_scoped3A_328 = arith.constant 6 : i32
      "tpu.region"() ({
        %run_scoped3A_337 = tpu.sem_alloc : memref<!tpu.dma_semaphore, #tpu.memory_space<semaphore_mem>>
        %dma_start3A_338 = arith.constant 768 : i32
        %dma_start3A_339 = arith.constant 0 : i32
        %dma_start3A_340 = tpu.memref_slice %arg13[%dma_start3A_338, %dma_start3A_339] : memref<1920x8xf32, #tpu.memory_space<vmem>> -> memref<128x8xf32, #tpu.memory_space<vmem>>
        %dma_start3A_341 = arith.constant 0 : i32
        %dma_start3A_342 = tpu.memref_slice %arg10[%run_scoped3A_328, %dma_start3A_341] : memref<15x128xi32, #tpu.memory_space<vmem>> -> memref<1x128xi32, #tpu.memory_space<vmem>>
        %dma_start3A_343 = tpu.memref_squeeze %dma_start3A_342 : memref<1x128xi32, #tpu.memory_space<vmem>> -> memref<128xi32, #tpu.memory_space<vmem>>
        %dma_start3A_344 = arith.constant 0 : i32
        %dma_start3A_345 = arith.constant 0 : i32
        %dma_start3A_346 = tpu.memref_slice %arg8[%dma_start3A_344, %dma_start3A_345] : memref<51200x8xf32, #tpu.memory_space<vmem_shared>> -> memref<51200x8xf32, #tpu.memory_space<vmem_shared>>
        tpu.enqueue_indirect_dma source(%dma_start3A_340 : memref<128x8xf32, #tpu.memory_space<vmem>>) target(%dma_start3A_346 : memref<51200x8xf32, #tpu.memory_space<vmem_shared>>) offsets(%dma_start3A_343 : memref<128xi32, #tpu.memory_space<vmem>>) semaphore(%run_scoped3A_337 : memref<!tpu.dma_semaphore, #tpu.memory_space<semaphore_mem>>) {add = true}
        %dma_wait3A_347 = arith.constant 768 : i32
        %dma_wait3A_348 = arith.constant 0 : i32
        %dma_wait3A_349 = tpu.memref_slice %arg13[%dma_wait3A_347, %dma_wait3A_348] : memref<1920x8xf32, #tpu.memory_space<vmem>> -> memref<128x8xf32, #tpu.memory_space<vmem>>
        %dma_wait3A_350 = arith.constant 0 : i32
        %dma_wait3A_351 = tpu.memref_slice %arg10[%run_scoped3A_328, %dma_wait3A_350] : memref<15x128xi32, #tpu.memory_space<vmem>> -> memref<1x128xi32, #tpu.memory_space<vmem>>
        %dma_wait3A_352 = tpu.memref_squeeze %dma_wait3A_351 : memref<1x128xi32, #tpu.memory_space<vmem>> -> memref<128xi32, #tpu.memory_space<vmem>>
        %dma_wait3A_353 = arith.constant 0 : i32
        %dma_wait3A_354 = arith.constant 0 : i32
        %dma_wait3A_355 = tpu.memref_slice %arg8[%dma_wait3A_353, %dma_wait3A_354] : memref<51200x8xf32, #tpu.memory_space<vmem_shared>> -> memref<51200x8xf32, #tpu.memory_space<vmem_shared>>
        tpu.wait_indirect_dma semaphore(%run_scoped3A_337 : memref<!tpu.dma_semaphore, #tpu.memory_space<semaphore_mem>>) src(%dma_wait3A_349 : memref<128x8xf32, #tpu.memory_space<vmem>>) dst(%dma_wait3A_355 : memref<51200x8xf32, #tpu.memory_space<vmem_shared>>)
        tpu.yield
      }) : () -> ()
      %run_scoped3A_329 = arith.constant 7 : i32
      "tpu.region"() ({
        %run_scoped3A_337 = tpu.sem_alloc : memref<!tpu.dma_semaphore, #tpu.memory_space<semaphore_mem>>
        %dma_start3A_338 = arith.constant 896 : i32
        %dma_start3A_339 = arith.constant 0 : i32
        %dma_start3A_340 = tpu.memref_slice %arg13[%dma_start3A_338, %dma_start3A_339] : memref<1920x8xf32, #tpu.memory_space<vmem>> -> memref<128x8xf32, #tpu.memory_space<vmem>>
        %dma_start3A_341 = arith.constant 0 : i32
        %dma_start3A_342 = tpu.memref_slice %arg10[%run_scoped3A_329, %dma_start3A_341] : memref<15x128xi32, #tpu.memory_space<vmem>> -> memref<1x128xi32, #tpu.memory_space<vmem>>
        %dma_start3A_343 = tpu.memref_squeeze %dma_start3A_342 : memref<1x128xi32, #tpu.memory_space<vmem>> -> memref<128xi32, #tpu.memory_space<vmem>>
        %dma_start3A_344 = arith.constant 0 : i32
        %dma_start3A_345 = arith.constant 0 : i32
        %dma_start3A_346 = tpu.memref_slice %arg8[%dma_start3A_344, %dma_start3A_345] : memref<51200x8xf32, #tpu.memory_space<vmem_shared>> -> memref<51200x8xf32, #tpu.memory_space<vmem_shared>>
        tpu.enqueue_indirect_dma source(%dma_start3A_340 : memref<128x8xf32, #tpu.memory_space<vmem>>) target(%dma_start3A_346 : memref<51200x8xf32, #tpu.memory_space<vmem_shared>>) offsets(%dma_start3A_343 : memref<128xi32, #tpu.memory_space<vmem>>) semaphore(%run_scoped3A_337 : memref<!tpu.dma_semaphore, #tpu.memory_space<semaphore_mem>>) {add = true}
        %dma_wait3A_347 = arith.constant 896 : i32
        %dma_wait3A_348 = arith.constant 0 : i32
        %dma_wait3A_349 = tpu.memref_slice %arg13[%dma_wait3A_347, %dma_wait3A_348] : memref<1920x8xf32, #tpu.memory_space<vmem>> -> memref<128x8xf32, #tpu.memory_space<vmem>>
        %dma_wait3A_350 = arith.constant 0 : i32
        %dma_wait3A_351 = tpu.memref_slice %arg10[%run_scoped3A_329, %dma_wait3A_350] : memref<15x128xi32, #tpu.memory_space<vmem>> -> memref<1x128xi32, #tpu.memory_space<vmem>>
        %dma_wait3A_352 = tpu.memref_squeeze %dma_wait3A_351 : memref<1x128xi32, #tpu.memory_space<vmem>> -> memref<128xi32, #tpu.memory_space<vmem>>
        %dma_wait3A_353 = arith.constant 0 : i32
        %dma_wait3A_354 = arith.constant 0 : i32
        %dma_wait3A_355 = tpu.memref_slice %arg8[%dma_wait3A_353, %dma_wait3A_354] : memref<51200x8xf32, #tpu.memory_space<vmem_shared>> -> memref<51200x8xf32, #tpu.memory_space<vmem_shared>>
        tpu.wait_indirect_dma semaphore(%run_scoped3A_337 : memref<!tpu.dma_semaphore, #tpu.memory_space<semaphore_mem>>) src(%dma_wait3A_349 : memref<128x8xf32, #tpu.memory_space<vmem>>) dst(%dma_wait3A_355 : memref<51200x8xf32, #tpu.memory_space<vmem_shared>>)
        tpu.yield
      }) : () -> ()
      %run_scoped3A_330 = arith.constant 8 : i32
      "tpu.region"() ({
        %run_scoped3A_337 = tpu.sem_alloc : memref<!tpu.dma_semaphore, #tpu.memory_space<semaphore_mem>>
        %dma_start3A_338 = arith.constant 1024 : i32
        %dma_start3A_339 = arith.constant 0 : i32
        %dma_start3A_340 = tpu.memref_slice %arg13[%dma_start3A_338, %dma_start3A_339] : memref<1920x8xf32, #tpu.memory_space<vmem>> -> memref<128x8xf32, #tpu.memory_space<vmem>>
        %dma_start3A_341 = arith.constant 0 : i32
        %dma_start3A_342 = tpu.memref_slice %arg10[%run_scoped3A_330, %dma_start3A_341] : memref<15x128xi32, #tpu.memory_space<vmem>> -> memref<1x128xi32, #tpu.memory_space<vmem>>
        %dma_start3A_343 = tpu.memref_squeeze %dma_start3A_342 : memref<1x128xi32, #tpu.memory_space<vmem>> -> memref<128xi32, #tpu.memory_space<vmem>>
        %dma_start3A_344 = arith.constant 0 : i32
        %dma_start3A_345 = arith.constant 0 : i32
        %dma_start3A_346 = tpu.memref_slice %arg8[%dma_start3A_344, %dma_start3A_345] : memref<51200x8xf32, #tpu.memory_space<vmem_shared>> -> memref<51200x8xf32, #tpu.memory_space<vmem_shared>>
        tpu.enqueue_indirect_dma source(%dma_start3A_340 : memref<128x8xf32, #tpu.memory_space<vmem>>) target(%dma_start3A_346 : memref<51200x8xf32, #tpu.memory_space<vmem_shared>>) offsets(%dma_start3A_343 : memref<128xi32, #tpu.memory_space<vmem>>) semaphore(%run_scoped3A_337 : memref<!tpu.dma_semaphore, #tpu.memory_space<semaphore_mem>>) {add = true}
        %dma_wait3A_347 = arith.constant 1024 : i32
        %dma_wait3A_348 = arith.constant 0 : i32
        %dma_wait3A_349 = tpu.memref_slice %arg13[%dma_wait3A_347, %dma_wait3A_348] : memref<1920x8xf32, #tpu.memory_space<vmem>> -> memref<128x8xf32, #tpu.memory_space<vmem>>
        %dma_wait3A_350 = arith.constant 0 : i32
        %dma_wait3A_351 = tpu.memref_slice %arg10[%run_scoped3A_330, %dma_wait3A_350] : memref<15x128xi32, #tpu.memory_space<vmem>> -> memref<1x128xi32, #tpu.memory_space<vmem>>
        %dma_wait3A_352 = tpu.memref_squeeze %dma_wait3A_351 : memref<1x128xi32, #tpu.memory_space<vmem>> -> memref<128xi32, #tpu.memory_space<vmem>>
        %dma_wait3A_353 = arith.constant 0 : i32
        %dma_wait3A_354 = arith.constant 0 : i32
        %dma_wait3A_355 = tpu.memref_slice %arg8[%dma_wait3A_353, %dma_wait3A_354] : memref<51200x8xf32, #tpu.memory_space<vmem_shared>> -> memref<51200x8xf32, #tpu.memory_space<vmem_shared>>
        tpu.wait_indirect_dma semaphore(%run_scoped3A_337 : memref<!tpu.dma_semaphore, #tpu.memory_space<semaphore_mem>>) src(%dma_wait3A_349 : memref<128x8xf32, #tpu.memory_space<vmem>>) dst(%dma_wait3A_355 : memref<51200x8xf32, #tpu.memory_space<vmem_shared>>)
        tpu.yield
      }) : () -> ()
      %run_scoped3A_331 = arith.constant 9 : i32
      "tpu.region"() ({
        %run_scoped3A_337 = tpu.sem_alloc : memref<!tpu.dma_semaphore, #tpu.memory_space<semaphore_mem>>
        %dma_start3A_338 = arith.constant 1152 : i32
        %dma_start3A_339 = arith.constant 0 : i32
        %dma_start3A_340 = tpu.memref_slice %arg13[%dma_start3A_338, %dma_start3A_339] : memref<1920x8xf32, #tpu.memory_space<vmem>> -> memref<128x8xf32, #tpu.memory_space<vmem>>
        %dma_start3A_341 = arith.constant 0 : i32
        %dma_start3A_342 = tpu.memref_slice %arg10[%run_scoped3A_331, %dma_start3A_341] : memref<15x128xi32, #tpu.memory_space<vmem>> -> memref<1x128xi32, #tpu.memory_space<vmem>>
        %dma_start3A_343 = tpu.memref_squeeze %dma_start3A_342 : memref<1x128xi32, #tpu.memory_space<vmem>> -> memref<128xi32, #tpu.memory_space<vmem>>
        %dma_start3A_344 = arith.constant 0 : i32
        %dma_start3A_345 = arith.constant 0 : i32
        %dma_start3A_346 = tpu.memref_slice %arg8[%dma_start3A_344, %dma_start3A_345] : memref<51200x8xf32, #tpu.memory_space<vmem_shared>> -> memref<51200x8xf32, #tpu.memory_space<vmem_shared>>
        tpu.enqueue_indirect_dma source(%dma_start3A_340 : memref<128x8xf32, #tpu.memory_space<vmem>>) target(%dma_start3A_346 : memref<51200x8xf32, #tpu.memory_space<vmem_shared>>) offsets(%dma_start3A_343 : memref<128xi32, #tpu.memory_space<vmem>>) semaphore(%run_scoped3A_337 : memref<!tpu.dma_semaphore, #tpu.memory_space<semaphore_mem>>) {add = true}
        %dma_wait3A_347 = arith.constant 1152 : i32
        %dma_wait3A_348 = arith.constant 0 : i32
        %dma_wait3A_349 = tpu.memref_slice %arg13[%dma_wait3A_347, %dma_wait3A_348] : memref<1920x8xf32, #tpu.memory_space<vmem>> -> memref<128x8xf32, #tpu.memory_space<vmem>>
        %dma_wait3A_350 = arith.constant 0 : i32
        %dma_wait3A_351 = tpu.memref_slice %arg10[%run_scoped3A_331, %dma_wait3A_350] : memref<15x128xi32, #tpu.memory_space<vmem>> -> memref<1x128xi32, #tpu.memory_space<vmem>>
        %dma_wait3A_352 = tpu.memref_squeeze %dma_wait3A_351 : memref<1x128xi32, #tpu.memory_space<vmem>> -> memref<128xi32, #tpu.memory_space<vmem>>
        %dma_wait3A_353 = arith.constant 0 : i32
        %dma_wait3A_354 = arith.constant 0 : i32
        %dma_wait3A_355 = tpu.memref_slice %arg8[%dma_wait3A_353, %dma_wait3A_354] : memref<51200x8xf32, #tpu.memory_space<vmem_shared>> -> memref<51200x8xf32, #tpu.memory_space<vmem_shared>>
        tpu.wait_indirect_dma semaphore(%run_scoped3A_337 : memref<!tpu.dma_semaphore, #tpu.memory_space<semaphore_mem>>) src(%dma_wait3A_349 : memref<128x8xf32, #tpu.memory_space<vmem>>) dst(%dma_wait3A_355 : memref<51200x8xf32, #tpu.memory_space<vmem_shared>>)
        tpu.yield
      }) : () -> ()
      %run_scoped3A_332 = arith.constant 10 : i32
      "tpu.region"() ({
        %run_scoped3A_337 = tpu.sem_alloc : memref<!tpu.dma_semaphore, #tpu.memory_space<semaphore_mem>>
        %dma_start3A_338 = arith.constant 1280 : i32
        %dma_start3A_339 = arith.constant 0 : i32
        %dma_start3A_340 = tpu.memref_slice %arg13[%dma_start3A_338, %dma_start3A_339] : memref<1920x8xf32, #tpu.memory_space<vmem>> -> memref<128x8xf32, #tpu.memory_space<vmem>>
        %dma_start3A_341 = arith.constant 0 : i32
        %dma_start3A_342 = tpu.memref_slice %arg10[%run_scoped3A_332, %dma_start3A_341] : memref<15x128xi32, #tpu.memory_space<vmem>> -> memref<1x128xi32, #tpu.memory_space<vmem>>
        %dma_start3A_343 = tpu.memref_squeeze %dma_start3A_342 : memref<1x128xi32, #tpu.memory_space<vmem>> -> memref<128xi32, #tpu.memory_space<vmem>>
        %dma_start3A_344 = arith.constant 0 : i32
        %dma_start3A_345 = arith.constant 0 : i32
        %dma_start3A_346 = tpu.memref_slice %arg8[%dma_start3A_344, %dma_start3A_345] : memref<51200x8xf32, #tpu.memory_space<vmem_shared>> -> memref<51200x8xf32, #tpu.memory_space<vmem_shared>>
        tpu.enqueue_indirect_dma source(%dma_start3A_340 : memref<128x8xf32, #tpu.memory_space<vmem>>) target(%dma_start3A_346 : memref<51200x8xf32, #tpu.memory_space<vmem_shared>>) offsets(%dma_start3A_343 : memref<128xi32, #tpu.memory_space<vmem>>) semaphore(%run_scoped3A_337 : memref<!tpu.dma_semaphore, #tpu.memory_space<semaphore_mem>>) {add = true}
        %dma_wait3A_347 = arith.constant 1280 : i32
        %dma_wait3A_348 = arith.constant 0 : i32
        %dma_wait3A_349 = tpu.memref_slice %arg13[%dma_wait3A_347, %dma_wait3A_348] : memref<1920x8xf32, #tpu.memory_space<vmem>> -> memref<128x8xf32, #tpu.memory_space<vmem>>
        %dma_wait3A_350 = arith.constant 0 : i32
        %dma_wait3A_351 = tpu.memref_slice %arg10[%run_scoped3A_332, %dma_wait3A_350] : memref<15x128xi32, #tpu.memory_space<vmem>> -> memref<1x128xi32, #tpu.memory_space<vmem>>
        %dma_wait3A_352 = tpu.memref_squeeze %dma_wait3A_351 : memref<1x128xi32, #tpu.memory_space<vmem>> -> memref<128xi32, #tpu.memory_space<vmem>>
        %dma_wait3A_353 = arith.constant 0 : i32
        %dma_wait3A_354 = arith.constant 0 : i32
        %dma_wait3A_355 = tpu.memref_slice %arg8[%dma_wait3A_353, %dma_wait3A_354] : memref<51200x8xf32, #tpu.memory_space<vmem_shared>> -> memref<51200x8xf32, #tpu.memory_space<vmem_shared>>
        tpu.wait_indirect_dma semaphore(%run_scoped3A_337 : memref<!tpu.dma_semaphore, #tpu.memory_space<semaphore_mem>>) src(%dma_wait3A_349 : memref<128x8xf32, #tpu.memory_space<vmem>>) dst(%dma_wait3A_355 : memref<51200x8xf32, #tpu.memory_space<vmem_shared>>)
        tpu.yield
      }) : () -> ()
      %run_scoped3A_333 = arith.constant 11 : i32
      "tpu.region"() ({
        %run_scoped3A_337 = tpu.sem_alloc : memref<!tpu.dma_semaphore, #tpu.memory_space<semaphore_mem>>
        %dma_start3A_338 = arith.constant 1408 : i32
        %dma_start3A_339 = arith.constant 0 : i32
        %dma_start3A_340 = tpu.memref_slice %arg13[%dma_start3A_338, %dma_start3A_339] : memref<1920x8xf32, #tpu.memory_space<vmem>> -> memref<128x8xf32, #tpu.memory_space<vmem>>
        %dma_start3A_341 = arith.constant 0 : i32
        %dma_start3A_342 = tpu.memref_slice %arg10[%run_scoped3A_333, %dma_start3A_341] : memref<15x128xi32, #tpu.memory_space<vmem>> -> memref<1x128xi32, #tpu.memory_space<vmem>>
        %dma_start3A_343 = tpu.memref_squeeze %dma_start3A_342 : memref<1x128xi32, #tpu.memory_space<vmem>> -> memref<128xi32, #tpu.memory_space<vmem>>
        %dma_start3A_344 = arith.constant 0 : i32
        %dma_start3A_345 = arith.constant 0 : i32
        %dma_start3A_346 = tpu.memref_slice %arg8[%dma_start3A_344, %dma_start3A_345] : memref<51200x8xf32, #tpu.memory_space<vmem_shared>> -> memref<51200x8xf32, #tpu.memory_space<vmem_shared>>
        tpu.enqueue_indirect_dma source(%dma_start3A_340 : memref<128x8xf32, #tpu.memory_space<vmem>>) target(%dma_start3A_346 : memref<51200x8xf32, #tpu.memory_space<vmem_shared>>) offsets(%dma_start3A_343 : memref<128xi32, #tpu.memory_space<vmem>>) semaphore(%run_scoped3A_337 : memref<!tpu.dma_semaphore, #tpu.memory_space<semaphore_mem>>) {add = true}
        %dma_wait3A_347 = arith.constant 1408 : i32
        %dma_wait3A_348 = arith.constant 0 : i32
        %dma_wait3A_349 = tpu.memref_slice %arg13[%dma_wait3A_347, %dma_wait3A_348] : memref<1920x8xf32, #tpu.memory_space<vmem>> -> memref<128x8xf32, #tpu.memory_space<vmem>>
        %dma_wait3A_350 = arith.constant 0 : i32
        %dma_wait3A_351 = tpu.memref_slice %arg10[%run_scoped3A_333, %dma_wait3A_350] : memref<15x128xi32, #tpu.memory_space<vmem>> -> memref<1x128xi32, #tpu.memory_space<vmem>>
        %dma_wait3A_352 = tpu.memref_squeeze %dma_wait3A_351 : memref<1x128xi32, #tpu.memory_space<vmem>> -> memref<128xi32, #tpu.memory_space<vmem>>
        %dma_wait3A_353 = arith.constant 0 : i32
        %dma_wait3A_354 = arith.constant 0 : i32
        %dma_wait3A_355 = tpu.memref_slice %arg8[%dma_wait3A_353, %dma_wait3A_354] : memref<51200x8xf32, #tpu.memory_space<vmem_shared>> -> memref<51200x8xf32, #tpu.memory_space<vmem_shared>>
        tpu.wait_indirect_dma semaphore(%run_scoped3A_337 : memref<!tpu.dma_semaphore, #tpu.memory_space<semaphore_mem>>) src(%dma_wait3A_349 : memref<128x8xf32, #tpu.memory_space<vmem>>) dst(%dma_wait3A_355 : memref<51200x8xf32, #tpu.memory_space<vmem_shared>>)
        tpu.yield
      }) : () -> ()
      %run_scoped3A_334 = arith.constant 12 : i32
      "tpu.region"() ({
        %run_scoped3A_337 = tpu.sem_alloc : memref<!tpu.dma_semaphore, #tpu.memory_space<semaphore_mem>>
        %dma_start3A_338 = arith.constant 1536 : i32
        %dma_start3A_339 = arith.constant 0 : i32
        %dma_start3A_340 = tpu.memref_slice %arg13[%dma_start3A_338, %dma_start3A_339] : memref<1920x8xf32, #tpu.memory_space<vmem>> -> memref<128x8xf32, #tpu.memory_space<vmem>>
        %dma_start3A_341 = arith.constant 0 : i32
        %dma_start3A_342 = tpu.memref_slice %arg10[%run_scoped3A_334, %dma_start3A_341] : memref<15x128xi32, #tpu.memory_space<vmem>> -> memref<1x128xi32, #tpu.memory_space<vmem>>
        %dma_start3A_343 = tpu.memref_squeeze %dma_start3A_342 : memref<1x128xi32, #tpu.memory_space<vmem>> -> memref<128xi32, #tpu.memory_space<vmem>>
        %dma_start3A_344 = arith.constant 0 : i32
        %dma_start3A_345 = arith.constant 0 : i32
        %dma_start3A_346 = tpu.memref_slice %arg8[%dma_start3A_344, %dma_start3A_345] : memref<51200x8xf32, #tpu.memory_space<vmem_shared>> -> memref<51200x8xf32, #tpu.memory_space<vmem_shared>>
        tpu.enqueue_indirect_dma source(%dma_start3A_340 : memref<128x8xf32, #tpu.memory_space<vmem>>) target(%dma_start3A_346 : memref<51200x8xf32, #tpu.memory_space<vmem_shared>>) offsets(%dma_start3A_343 : memref<128xi32, #tpu.memory_space<vmem>>) semaphore(%run_scoped3A_337 : memref<!tpu.dma_semaphore, #tpu.memory_space<semaphore_mem>>) {add = true}
        %dma_wait3A_347 = arith.constant 1536 : i32
        %dma_wait3A_348 = arith.constant 0 : i32
        %dma_wait3A_349 = tpu.memref_slice %arg13[%dma_wait3A_347, %dma_wait3A_348] : memref<1920x8xf32, #tpu.memory_space<vmem>> -> memref<128x8xf32, #tpu.memory_space<vmem>>
        %dma_wait3A_350 = arith.constant 0 : i32
        %dma_wait3A_351 = tpu.memref_slice %arg10[%run_scoped3A_334, %dma_wait3A_350] : memref<15x128xi32, #tpu.memory_space<vmem>> -> memref<1x128xi32, #tpu.memory_space<vmem>>
        %dma_wait3A_352 = tpu.memref_squeeze %dma_wait3A_351 : memref<1x128xi32, #tpu.memory_space<vmem>> -> memref<128xi32, #tpu.memory_space<vmem>>
        %dma_wait3A_353 = arith.constant 0 : i32
        %dma_wait3A_354 = arith.constant 0 : i32
        %dma_wait3A_355 = tpu.memref_slice %arg8[%dma_wait3A_353, %dma_wait3A_354] : memref<51200x8xf32, #tpu.memory_space<vmem_shared>> -> memref<51200x8xf32, #tpu.memory_space<vmem_shared>>
        tpu.wait_indirect_dma semaphore(%run_scoped3A_337 : memref<!tpu.dma_semaphore, #tpu.memory_space<semaphore_mem>>) src(%dma_wait3A_349 : memref<128x8xf32, #tpu.memory_space<vmem>>) dst(%dma_wait3A_355 : memref<51200x8xf32, #tpu.memory_space<vmem_shared>>)
        tpu.yield
      }) : () -> ()
      %run_scoped3A_335 = arith.constant 13 : i32
      "tpu.region"() ({
        %run_scoped3A_337 = tpu.sem_alloc : memref<!tpu.dma_semaphore, #tpu.memory_space<semaphore_mem>>
        %dma_start3A_338 = arith.constant 1664 : i32
        %dma_start3A_339 = arith.constant 0 : i32
        %dma_start3A_340 = tpu.memref_slice %arg13[%dma_start3A_338, %dma_start3A_339] : memref<1920x8xf32, #tpu.memory_space<vmem>> -> memref<128x8xf32, #tpu.memory_space<vmem>>
        %dma_start3A_341 = arith.constant 0 : i32
        %dma_start3A_342 = tpu.memref_slice %arg10[%run_scoped3A_335, %dma_start3A_341] : memref<15x128xi32, #tpu.memory_space<vmem>> -> memref<1x128xi32, #tpu.memory_space<vmem>>
        %dma_start3A_343 = tpu.memref_squeeze %dma_start3A_342 : memref<1x128xi32, #tpu.memory_space<vmem>> -> memref<128xi32, #tpu.memory_space<vmem>>
        %dma_start3A_344 = arith.constant 0 : i32
        %dma_start3A_345 = arith.constant 0 : i32
        %dma_start3A_346 = tpu.memref_slice %arg8[%dma_start3A_344, %dma_start3A_345] : memref<51200x8xf32, #tpu.memory_space<vmem_shared>> -> memref<51200x8xf32, #tpu.memory_space<vmem_shared>>
        tpu.enqueue_indirect_dma source(%dma_start3A_340 : memref<128x8xf32, #tpu.memory_space<vmem>>) target(%dma_start3A_346 : memref<51200x8xf32, #tpu.memory_space<vmem_shared>>) offsets(%dma_start3A_343 : memref<128xi32, #tpu.memory_space<vmem>>) semaphore(%run_scoped3A_337 : memref<!tpu.dma_semaphore, #tpu.memory_space<semaphore_mem>>) {add = true}
        %dma_wait3A_347 = arith.constant 1664 : i32
        %dma_wait3A_348 = arith.constant 0 : i32
        %dma_wait3A_349 = tpu.memref_slice %arg13[%dma_wait3A_347, %dma_wait3A_348] : memref<1920x8xf32, #tpu.memory_space<vmem>> -> memref<128x8xf32, #tpu.memory_space<vmem>>
        %dma_wait3A_350 = arith.constant 0 : i32
        %dma_wait3A_351 = tpu.memref_slice %arg10[%run_scoped3A_335, %dma_wait3A_350] : memref<15x128xi32, #tpu.memory_space<vmem>> -> memref<1x128xi32, #tpu.memory_space<vmem>>
        %dma_wait3A_352 = tpu.memref_squeeze %dma_wait3A_351 : memref<1x128xi32, #tpu.memory_space<vmem>> -> memref<128xi32, #tpu.memory_space<vmem>>
        %dma_wait3A_353 = arith.constant 0 : i32
        %dma_wait3A_354 = arith.constant 0 : i32
        %dma_wait3A_355 = tpu.memref_slice %arg8[%dma_wait3A_353, %dma_wait3A_354] : memref<51200x8xf32, #tpu.memory_space<vmem_shared>> -> memref<51200x8xf32, #tpu.memory_space<vmem_shared>>
        tpu.wait_indirect_dma semaphore(%run_scoped3A_337 : memref<!tpu.dma_semaphore, #tpu.memory_space<semaphore_mem>>) src(%dma_wait3A_349 : memref<128x8xf32, #tpu.memory_space<vmem>>) dst(%dma_wait3A_355 : memref<51200x8xf32, #tpu.memory_space<vmem_shared>>)
        tpu.yield
      }) : () -> ()
      %run_scoped3A_336 = arith.constant 14 : i32
      "tpu.region"() ({
        %run_scoped3A_337 = tpu.sem_alloc : memref<!tpu.dma_semaphore, #tpu.memory_space<semaphore_mem>>
        %dma_start3A_338 = arith.constant 1792 : i32
        %dma_start3A_339 = arith.constant 0 : i32
        %dma_start3A_340 = tpu.memref_slice %arg13[%dma_start3A_338, %dma_start3A_339] : memref<1920x8xf32, #tpu.memory_space<vmem>> -> memref<128x8xf32, #tpu.memory_space<vmem>>
        %dma_start3A_341 = arith.constant 0 : i32
        %dma_start3A_342 = tpu.memref_slice %arg10[%run_scoped3A_336, %dma_start3A_341] : memref<15x128xi32, #tpu.memory_space<vmem>> -> memref<1x128xi32, #tpu.memory_space<vmem>>
        %dma_start3A_343 = tpu.memref_squeeze %dma_start3A_342 : memref<1x128xi32, #tpu.memory_space<vmem>> -> memref<128xi32, #tpu.memory_space<vmem>>
        %dma_start3A_344 = arith.constant 0 : i32
        %dma_start3A_345 = arith.constant 0 : i32
        %dma_start3A_346 = tpu.memref_slice %arg8[%dma_start3A_344, %dma_start3A_345] : memref<51200x8xf32, #tpu.memory_space<vmem_shared>> -> memref<51200x8xf32, #tpu.memory_space<vmem_shared>>
        tpu.enqueue_indirect_dma source(%dma_start3A_340 : memref<128x8xf32, #tpu.memory_space<vmem>>) target(%dma_start3A_346 : memref<51200x8xf32, #tpu.memory_space<vmem_shared>>) offsets(%dma_start3A_343 : memref<128xi32, #tpu.memory_space<vmem>>) semaphore(%run_scoped3A_337 : memref<!tpu.dma_semaphore, #tpu.memory_space<semaphore_mem>>) {add = true}
        %dma_wait3A_347 = arith.constant 1792 : i32
        %dma_wait3A_348 = arith.constant 0 : i32
        %dma_wait3A_349 = tpu.memref_slice %arg13[%dma_wait3A_347, %dma_wait3A_348] : memref<1920x8xf32, #tpu.memory_space<vmem>> -> memref<128x8xf32, #tpu.memory_space<vmem>>
        %dma_wait3A_350 = arith.constant 0 : i32
        %dma_wait3A_351 = tpu.memref_slice %arg10[%run_scoped3A_336, %dma_wait3A_350] : memref<15x128xi32, #tpu.memory_space<vmem>> -> memref<1x128xi32, #tpu.memory_space<vmem>>
        %dma_wait3A_352 = tpu.memref_squeeze %dma_wait3A_351 : memref<1x128xi32, #tpu.memory_space<vmem>> -> memref<128xi32, #tpu.memory_space<vmem>>
        %dma_wait3A_353 = arith.constant 0 : i32
        %dma_wait3A_354 = arith.constant 0 : i32
        %dma_wait3A_355 = tpu.memref_slice %arg8[%dma_wait3A_353, %dma_wait3A_354] : memref<51200x8xf32, #tpu.memory_space<vmem_shared>> -> memref<51200x8xf32, #tpu.memory_space<vmem_shared>>
        tpu.wait_indirect_dma semaphore(%run_scoped3A_337 : memref<!tpu.dma_semaphore, #tpu.memory_space<semaphore_mem>>) src(%dma_wait3A_349 : memref<128x8xf32, #tpu.memory_space<vmem>>) dst(%dma_wait3A_355 : memref<51200x8xf32, #tpu.memory_space<vmem_shared>>)
        tpu.yield
      }) : () -> ()
    }
    %scan3A_7 = arith.constant 26 : i32
    %lt3A = arith.constant 20 : i32
    %lt3A_8 = arith.cmpi slt, %add3A, %lt3A : i32
    %convert_element_type3A = arith.extui %lt3A_8 : i1 to i32
    %cond3A = arith.constant 0 : i32
    %cond3A_9 = arith.cmpi ne, %convert_element_type3A, %cond3A : i32
    scf.if %cond3A_9 {
      %add3A_11 = arith.constant 12480 : i32
      %add3A_12 = arith.addi %add3A_11, %add3A : i32
      "tpu.region"() ({
        %run_scoped3A_39 = tpu.sem_alloc : memref<!tpu.dma_semaphore, #tpu.memory_space<semaphore_mem>>
        %dma_start3A_40 = arith.constant 0 : i32
        %dma_start3A_41 = arith.constant 0 : i32
        %dma_start3A_42 = tpu.memref_slice %arg9[%dma_start3A_40, %dma_start3A_41] : memref<15x128xi32, #tpu.memory_space<vmem>> -> memref<1x128xi32, #tpu.memory_space<vmem>>
        %dma_start3A_43 = arith.constant 0 : i32
        %dma_start3A_44 = tpu.memref_slice %arg2[%add3A_12, %dma_start3A_43] : memref<12500x128xi32, #tpu.memory_space<hbm>> -> memref<1x128xi32, #tpu.memory_space<hbm>>
        %dma_start3A_45 = arith.constant 0 : i32
        %dma_start3A_46 = arith.constant 0 : i32
        %dma_start3A_47 = tpu.memref_slice %arg9[%dma_start3A_45, %dma_start3A_46] : memref<15x128xi32, #tpu.memory_space<vmem>> -> memref<1x128xi32, #tpu.memory_space<vmem>>
        %dma_start3A_48 = arith.constant 0 : i32
        %dma_start3A_49 = tpu.memref_slice %arg2[%add3A_12, %dma_start3A_48] : memref<12500x128xi32, #tpu.memory_space<hbm>> -> memref<1x128xi32, #tpu.memory_space<hbm>>
        tpu.enqueue_dma source(%dma_start3A_49 : memref<1x128xi32, #tpu.memory_space<hbm>>) target(%dma_start3A_47 : memref<1x128xi32, #tpu.memory_space<vmem>>) target_semaphore(%run_scoped3A_39 : memref<!tpu.dma_semaphore, #tpu.memory_space<semaphore_mem>>)
        %dma_wait3A_50 = arith.constant 0 : i32
        %dma_wait3A_51 = arith.constant 0 : i32
        %dma_wait3A_52 = tpu.memref_slice %arg9[%dma_wait3A_50, %dma_wait3A_51] : memref<15x128xi32, #tpu.memory_space<vmem>> -> memref<1x128xi32, #tpu.memory_space<vmem>>
        %dma_wait3A_53 = arith.constant 0 : i32
        %dma_wait3A_54 = tpu.memref_slice %arg2[%add3A_12, %dma_wait3A_53] : memref<12500x128xi32, #tpu.memory_space<hbm>> -> memref<1x128xi32, #tpu.memory_space<hbm>>
        %dma_wait3A_55 = arith.constant 0 : i32
        %dma_wait3A_56 = arith.constant 0 : i32
        %dma_wait3A_57 = tpu.memref_slice %arg9[%dma_wait3A_55, %dma_wait3A_56] : memref<15x128xi32, #tpu.memory_space<vmem>> -> memref<1x128xi32, #tpu.memory_space<vmem>>
        %dma_wait3A_58 = arith.constant 0 : i32
        %dma_wait3A_59 = tpu.memref_slice %arg2[%add3A_12, %dma_wait3A_58] : memref<12500x128xi32, #tpu.memory_space<hbm>> -> memref<1x128xi32, #tpu.memory_space<hbm>>
        tpu.wait_dma2 semaphore(%run_scoped3A_39 : memref<!tpu.dma_semaphore, #tpu.memory_space<semaphore_mem>>) src(%dma_wait3A_59 : memref<1x128xi32, #tpu.memory_space<hbm>>) dst(%dma_wait3A_57 : memref<1x128xi32, #tpu.memory_space<vmem>>)
        tpu.yield
      }) : () -> ()
      "tpu.region"() ({
        %run_scoped3A_39 = tpu.sem_alloc : memref<!tpu.dma_semaphore, #tpu.memory_space<semaphore_mem>>
        %dma_start3A_40 = arith.constant 0 : i32
        %dma_start3A_41 = arith.constant 0 : i32
        %dma_start3A_42 = tpu.memref_slice %arg10[%dma_start3A_40, %dma_start3A_41] : memref<15x128xi32, #tpu.memory_space<vmem>> -> memref<1x128xi32, #tpu.memory_space<vmem>>
        %dma_start3A_43 = arith.constant 0 : i32
        %dma_start3A_44 = tpu.memref_slice %arg3[%add3A_12, %dma_start3A_43] : memref<12500x128xi32, #tpu.memory_space<hbm>> -> memref<1x128xi32, #tpu.memory_space<hbm>>
        %dma_start3A_45 = arith.constant 0 : i32
        %dma_start3A_46 = arith.constant 0 : i32
        %dma_start3A_47 = tpu.memref_slice %arg10[%dma_start3A_45, %dma_start3A_46] : memref<15x128xi32, #tpu.memory_space<vmem>> -> memref<1x128xi32, #tpu.memory_space<vmem>>
        %dma_start3A_48 = arith.constant 0 : i32
        %dma_start3A_49 = tpu.memref_slice %arg3[%add3A_12, %dma_start3A_48] : memref<12500x128xi32, #tpu.memory_space<hbm>> -> memref<1x128xi32, #tpu.memory_space<hbm>>
        tpu.enqueue_dma source(%dma_start3A_49 : memref<1x128xi32, #tpu.memory_space<hbm>>) target(%dma_start3A_47 : memref<1x128xi32, #tpu.memory_space<vmem>>) target_semaphore(%run_scoped3A_39 : memref<!tpu.dma_semaphore, #tpu.memory_space<semaphore_mem>>)
        %dma_wait3A_50 = arith.constant 0 : i32
        %dma_wait3A_51 = arith.constant 0 : i32
        %dma_wait3A_52 = tpu.memref_slice %arg10[%dma_wait3A_50, %dma_wait3A_51] : memref<15x128xi32, #tpu.memory_space<vmem>> -> memref<1x128xi32, #tpu.memory_space<vmem>>
        %dma_wait3A_53 = arith.constant 0 : i32
        %dma_wait3A_54 = tpu.memref_slice %arg3[%add3A_12, %dma_wait3A_53] : memref<12500x128xi32, #tpu.memory_space<hbm>> -> memref<1x128xi32, #tpu.memory_space<hbm>>
        %dma_wait3A_55 = arith.constant 0 : i32
        %dma_wait3A_56 = arith.constant 0 : i32
        %dma_wait3A_57 = tpu.memref_slice %arg10[%dma_wait3A_55, %dma_wait3A_56] : memref<15x128xi32, #tpu.memory_space<vmem>> -> memref<1x128xi32, #tpu.memory_space<vmem>>
        %dma_wait3A_58 = arith.constant 0 : i32
        %dma_wait3A_59 = tpu.memref_slice %arg3[%add3A_12, %dma_wait3A_58] : memref<12500x128xi32, #tpu.memory_space<hbm>> -> memref<1x128xi32, #tpu.memory_space<hbm>>
        tpu.wait_dma2 semaphore(%run_scoped3A_39 : memref<!tpu.dma_semaphore, #tpu.memory_space<semaphore_mem>>) src(%dma_wait3A_59 : memref<1x128xi32, #tpu.memory_space<hbm>>) dst(%dma_wait3A_57 : memref<1x128xi32, #tpu.memory_space<vmem>>)
        tpu.yield
      }) : () -> ()
      %mul3A_13 = arith.constant 128 : i32
      %mul3A_14 = arith.muli %add3A_12, %mul3A_13 : i32
      "tpu.region"() ({
        %run_scoped3A_39 = tpu.sem_alloc : memref<!tpu.dma_semaphore, #tpu.memory_space<semaphore_mem>>
        %dma_start3A_40 = arith.constant 0 : i32
        %dma_start3A_41 = tpu.memref_slice %arg11[%dma_start3A_40] : memref<1920xf32, #tpu.memory_space<vmem>> -> memref<128xf32, #tpu.memory_space<vmem>>
        %dma_start3A_42 = tpu.memref_slice %arg4[%mul3A_14] : memref<1600000xf32, #tpu.memory_space<hbm>> -> memref<128xf32, #tpu.memory_space<hbm>>
        %dma_start3A_43 = arith.constant 0 : i32
        %dma_start3A_44 = tpu.memref_slice %arg11[%dma_start3A_43] : memref<1920xf32, #tpu.memory_space<vmem>> -> memref<128xf32, #tpu.memory_space<vmem>>
        %dma_start3A_45 = tpu.memref_slice %arg4[%mul3A_14] : memref<1600000xf32, #tpu.memory_space<hbm>> -> memref<128xf32, #tpu.memory_space<hbm>>
        tpu.enqueue_dma source(%dma_start3A_45 : memref<128xf32, #tpu.memory_space<hbm>>) target(%dma_start3A_44 : memref<128xf32, #tpu.memory_space<vmem>>) target_semaphore(%run_scoped3A_39 : memref<!tpu.dma_semaphore, #tpu.memory_space<semaphore_mem>>)
        %dma_wait3A_46 = arith.constant 0 : i32
        %dma_wait3A_47 = tpu.memref_slice %arg11[%dma_wait3A_46] : memref<1920xf32, #tpu.memory_space<vmem>> -> memref<128xf32, #tpu.memory_space<vmem>>
        %dma_wait3A_48 = tpu.memref_slice %arg4[%mul3A_14] : memref<1600000xf32, #tpu.memory_space<hbm>> -> memref<128xf32, #tpu.memory_space<hbm>>
        %dma_wait3A_49 = arith.constant 0 : i32
        %dma_wait3A_50 = tpu.memref_slice %arg11[%dma_wait3A_49] : memref<1920xf32, #tpu.memory_space<vmem>> -> memref<128xf32, #tpu.memory_space<vmem>>
        %dma_wait3A_51 = tpu.memref_slice %arg4[%mul3A_14] : memref<1600000xf32, #tpu.memory_space<hbm>> -> memref<128xf32, #tpu.memory_space<hbm>>
        tpu.wait_dma2 semaphore(%run_scoped3A_39 : memref<!tpu.dma_semaphore, #tpu.memory_space<semaphore_mem>>) src(%dma_wait3A_51 : memref<128xf32, #tpu.memory_space<hbm>>) dst(%dma_wait3A_50 : memref<128xf32, #tpu.memory_space<vmem>>)
        tpu.yield
      }) : () -> ()
      %dma_start3A = arith.constant 0 : i32
      %dma_start3A_15 = arith.constant 0 : i32
      %dma_start3A_16 = arith.constant 0 : i32
      %dma_start3A_17 = tpu.memref_slice %arg12[%dma_start3A_15, %dma_start3A_16] : memref<1920x8xf32, #tpu.memory_space<vmem>> -> memref<128x8xf32, #tpu.memory_space<vmem>>
      %dma_start3A_18 = arith.constant 0 : i32
      %dma_start3A_19 = tpu.memref_slice %arg9[%dma_start3A, %dma_start3A_18] : memref<15x128xi32, #tpu.memory_space<vmem>> -> memref<1x128xi32, #tpu.memory_space<vmem>>
      %dma_start3A_20 = tpu.memref_squeeze %dma_start3A_19 : memref<1x128xi32, #tpu.memory_space<vmem>> -> memref<128xi32, #tpu.memory_space<vmem>>
      %dma_start3A_21 = arith.constant 0 : i32
      %dma_start3A_22 = arith.constant 0 : i32
      %dma_start3A_23 = tpu.memref_slice %arg5[%dma_start3A_21, %dma_start3A_22] : memref<51200x8xf32, #tpu.memory_space<hbm>> -> memref<51200x8xf32, #tpu.memory_space<hbm>>
      tpu.enqueue_indirect_dma source(%dma_start3A_23 : memref<51200x8xf32, #tpu.memory_space<hbm>>) target(%dma_start3A_17 : memref<128x8xf32, #tpu.memory_space<vmem>>) offsets(%dma_start3A_20 : memref<128xi32, #tpu.memory_space<vmem>>) semaphore(%arg14 : memref<!tpu.dma_semaphore, #tpu.memory_space<semaphore_mem>>)
      %dma_wait3A = arith.constant 0 : i32
      %dma_wait3A_24 = arith.constant 0 : i32
      %dma_wait3A_25 = arith.constant 0 : i32
      %dma_wait3A_26 = tpu.memref_slice %arg12[%dma_wait3A_24, %dma_wait3A_25] : memref<1920x8xf32, #tpu.memory_space<vmem>> -> memref<128x8xf32, #tpu.memory_space<vmem>>
      %dma_wait3A_27 = arith.constant 0 : i32
      %dma_wait3A_28 = tpu.memref_slice %arg9[%dma_wait3A, %dma_wait3A_27] : memref<15x128xi32, #tpu.memory_space<vmem>> -> memref<1x128xi32, #tpu.memory_space<vmem>>
      %dma_wait3A_29 = tpu.memref_squeeze %dma_wait3A_28 : memref<1x128xi32, #tpu.memory_space<vmem>> -> memref<128xi32, #tpu.memory_space<vmem>>
      %dma_wait3A_30 = arith.constant 0 : i32
      %dma_wait3A_31 = arith.constant 0 : i32
      %dma_wait3A_32 = tpu.memref_slice %arg5[%dma_wait3A_30, %dma_wait3A_31] : memref<51200x8xf32, #tpu.memory_space<hbm>> -> memref<51200x8xf32, #tpu.memory_space<hbm>>
      tpu.wait_indirect_dma semaphore(%arg14 : memref<!tpu.dma_semaphore, #tpu.memory_space<semaphore_mem>>) src(%dma_wait3A_32 : memref<51200x8xf32, #tpu.memory_space<hbm>>) dst(%dma_wait3A_26 : memref<128x8xf32, #tpu.memory_space<vmem>>)
      %scan3A_33 = arith.constant 0 : i32
      %scan3A_34 = arith.constant 0 : i32
      %scan3A_35 = arith.constant 64 : i32
      %scan3A_36 = arith.addi %scan3A_34, %scan3A_35 : i32
      %scan3A_37 = arith.constant 1 : i32
      scf.for %scan3A_39 = %scan3A_34 to %scan3A_36 step %scan3A_37  : i32 {
        %mul3A_40 = arith.constant 16 : i32
        %mul3A_41 = arith.muli %scan3A_39, %mul3A_40 : i32
        %iota3A = tpu.iota {dimensions = array<i32: 0>} : vector<16xi32>
        %add3A_42 = vector.broadcast %mul3A_41 : i32 to vector<16xi32>
        %add3A_43 = arith.addi %add3A_42, %iota3A : vector<16xi32>
        %shift_right_arithmetic3A = arith.constant 3 : i32
        %shift_right_arithmetic3A_44 = vector.broadcast %shift_right_arithmetic3A : i32 to vector<16xi32>
        %shift_right_arithmetic3A_45 = arith.shrsi %add3A_43, %shift_right_arithmetic3A_44 : vector<16xi32>
        %and3A = arith.constant 7 : i32
        %and3A_46 = vector.broadcast %and3A : i32 to vector<16xi32>
        %and3A_47 = arith.andi %add3A_43, %and3A_46 : vector<16xi32>
        %gather3A = tpu.vector_load_idx %arg11[%shift_right_arithmetic3A_45] : memref<1920xf32, #tpu.memory_space<vmem>>[vector<16xi32>], vector<16xf32>,
        %gather3A_48 = tpu.vector_load_idx %arg12[%shift_right_arithmetic3A_45, %and3A_47] : memref<1920x8xf32, #tpu.memory_space<vmem>>[vector<16xi32>, vector<16xi32>], vector<16xf32>,
        %mul3A_49 = arith.mulf %gather3A, %gather3A_48 : vector<16xf32>
        tpu.vector_store_idx %arg13[%shift_right_arithmetic3A_45, %and3A_47], %mul3A_49 : memref<1920x8xf32, #tpu.memory_space<vmem>>[vector<16xi32>, vector<16xi32>], vector<16xf32>,
      }
      %scan3A_38 = arith.constant 64 : i32
      %run_scoped3A = arith.constant 0 : i32
      "tpu.region"() ({
        %run_scoped3A_39 = tpu.sem_alloc : memref<!tpu.dma_semaphore, #tpu.memory_space<semaphore_mem>>
        %dma_start3A_40 = arith.constant 0 : i32
        %dma_start3A_41 = arith.constant 0 : i32
        %dma_start3A_42 = tpu.memref_slice %arg13[%dma_start3A_40, %dma_start3A_41] : memref<1920x8xf32, #tpu.memory_space<vmem>> -> memref<128x8xf32, #tpu.memory_space<vmem>>
        %dma_start3A_43 = arith.constant 0 : i32
        %dma_start3A_44 = tpu.memref_slice %arg10[%run_scoped3A, %dma_start3A_43] : memref<15x128xi32, #tpu.memory_space<vmem>> -> memref<1x128xi32, #tpu.memory_space<vmem>>
        %dma_start3A_45 = tpu.memref_squeeze %dma_start3A_44 : memref<1x128xi32, #tpu.memory_space<vmem>> -> memref<128xi32, #tpu.memory_space<vmem>>
        %dma_start3A_46 = arith.constant 0 : i32
        %dma_start3A_47 = arith.constant 0 : i32
        %dma_start3A_48 = tpu.memref_slice %arg8[%dma_start3A_46, %dma_start3A_47] : memref<51200x8xf32, #tpu.memory_space<vmem_shared>> -> memref<51200x8xf32, #tpu.memory_space<vmem_shared>>
        tpu.enqueue_indirect_dma source(%dma_start3A_42 : memref<128x8xf32, #tpu.memory_space<vmem>>) target(%dma_start3A_48 : memref<51200x8xf32, #tpu.memory_space<vmem_shared>>) offsets(%dma_start3A_45 : memref<128xi32, #tpu.memory_space<vmem>>) semaphore(%run_scoped3A_39 : memref<!tpu.dma_semaphore, #tpu.memory_space<semaphore_mem>>) {add = true}
        %dma_wait3A_49 = arith.constant 0 : i32
        %dma_wait3A_50 = arith.constant 0 : i32
        %dma_wait3A_51 = tpu.memref_slice %arg13[%dma_wait3A_49, %dma_wait3A_50] : memref<1920x8xf32, #tpu.memory_space<vmem>> -> memref<128x8xf32, #tpu.memory_space<vmem>>
        %dma_wait3A_52 = arith.constant 0 : i32
        %dma_wait3A_53 = tpu.memref_slice %arg10[%run_scoped3A, %dma_wait3A_52] : memref<15x128xi32, #tpu.memory_space<vmem>> -> memref<1x128xi32, #tpu.memory_space<vmem>>
        %dma_wait3A_54 = tpu.memref_squeeze %dma_wait3A_53 : memref<1x128xi32, #tpu.memory_space<vmem>> -> memref<128xi32, #tpu.memory_space<vmem>>
        %dma_wait3A_55 = arith.constant 0 : i32
        %dma_wait3A_56 = arith.constant 0 : i32
        %dma_wait3A_57 = tpu.memref_slice %arg8[%dma_wait3A_55, %dma_wait3A_56] : memref<51200x8xf32, #tpu.memory_space<vmem_shared>> -> memref<51200x8xf32, #tpu.memory_space<vmem_shared>>
        tpu.wait_indirect_dma semaphore(%run_scoped3A_39 : memref<!tpu.dma_semaphore, #tpu.memory_space<semaphore_mem>>) src(%dma_wait3A_51 : memref<128x8xf32, #tpu.memory_space<vmem>>) dst(%dma_wait3A_57 : memref<51200x8xf32, #tpu.memory_space<vmem_shared>>)
        tpu.yield
      }) : () -> ()
    } else {
    }
    %barrier3A_10 = arith.constant 0 : index
    tpu.barrier barrier_id(%barrier3A_10)
    "tpu.region"() ({
      %run_scoped3A = tpu.sem_alloc : memref<!tpu.dma_semaphore, #tpu.memory_space<semaphore_mem>>
      %dma_start3A = arith.constant 0 : i32
      %dma_start3A_11 = tpu.memref_slice %arg7[%arg0, %mul3A_2, %dma_start3A] : memref<2x51200x8xf32, #tpu.memory_space<hbm>> -> memref<1x3200x8xf32, #tpu.memory_space<hbm>>
      %dma_start3A_12 = tpu.memref_squeeze %dma_start3A_11 : memref<1x3200x8xf32, #tpu.memory_space<hbm>> -> memref<3200x8xf32, #tpu.memory_space<hbm>>
      %dma_start3A_13 = arith.constant 0 : i32
      %dma_start3A_14 = tpu.memref_slice %arg8[%mul3A_2, %dma_start3A_13] : memref<51200x8xf32, #tpu.memory_space<vmem_shared>> -> memref<3200x8xf32, #tpu.memory_space<vmem_shared>>
      tpu.enqueue_dma source(%dma_start3A_14 : memref<3200x8xf32, #tpu.memory_space<vmem_shared>>) target(%dma_start3A_12 : memref<3200x8xf32, #tpu.memory_space<hbm>>) target_semaphore(%run_scoped3A : memref<!tpu.dma_semaphore, #tpu.memory_space<semaphore_mem>>)
      %dma_wait3A = arith.constant 0 : i32
      %dma_wait3A_15 = tpu.memref_slice %arg7[%arg0, %mul3A_2, %dma_wait3A] : memref<2x51200x8xf32, #tpu.memory_space<hbm>> -> memref<1x3200x8xf32, #tpu.memory_space<hbm>>
      %dma_wait3A_16 = tpu.memref_squeeze %dma_wait3A_15 : memref<1x3200x8xf32, #tpu.memory_space<hbm>> -> memref<3200x8xf32, #tpu.memory_space<hbm>>
      %dma_wait3A_17 = arith.constant 0 : i32
      %dma_wait3A_18 = tpu.memref_slice %arg8[%mul3A_2, %dma_wait3A_17] : memref<51200x8xf32, #tpu.memory_space<vmem_shared>> -> memref<3200x8xf32, #tpu.memory_space<vmem_shared>>
      tpu.wait_dma2 semaphore(%run_scoped3A : memref<!tpu.dma_semaphore, #tpu.memory_space<semaphore_mem>>) src(%dma_wait3A_18 : memref<3200x8xf32, #tpu.memory_space<vmem_shared>>) dst(%dma_wait3A_16 : memref<3200x8xf32, #tpu.memory_space<hbm>>)
      tpu.yield
    }) : () -> ()
    return
  }
}

module attributes {stable_mosaic.version = 14 : i64} {
  func.func @_dinv_body(%arg0: memref<2x400x128xf32, #tpu.memory_space<vmem>>, %arg1: memref<8x400x128xf32, #tpu.memory_space<vmem>>, %arg2: memref<400x128xf32, #tpu.memory_space<vmem>>, %arg3: memref<8x400x128xf32, #tpu.memory_space<vmem>>) attributes {dimension_semantics = [], scalar_prefetch = 0 : i64, scratch_operands = 0 : i64, tpu.core_type = #tpu.core_type<tc>} {
    %get3A = arith.constant 0 : index
    %get3A_0 = arith.constant 0 : index
    %get3A_1 = arith.constant 0 : index
    %get3A_2 = vector.load %arg0[%get3A, %get3A_0, %get3A_1] : memref<2x400x128xf32, #tpu.memory_space<vmem>>, vector<1x400x128xf32>
    %get3A_3 = vector.shape_cast %get3A_2 : vector<1x400x128xf32> to vector<400x128xf32>
    %get3A_4 = arith.constant 1 : index
    %get3A_5 = arith.constant 0 : index
    %get3A_6 = arith.constant 0 : index
    %get3A_7 = vector.load %arg0[%get3A_4, %get3A_5, %get3A_6] : memref<2x400x128xf32, #tpu.memory_space<vmem>>, vector<1x400x128xf32>
    %get3A_8 = vector.shape_cast %get3A_7 : vector<1x400x128xf32> to vector<400x128xf32>
    %add3A = arith.addf %get3A_3, %get3A_8 : vector<400x128xf32>
    %rsqrt3A = math.rsqrt %add3A : vector<400x128xf32>
    %mul3A = arith.constant 5.000000e-01 : f32
    %mul3A_9 = vector.broadcast %mul3A : f32 to vector<400x128xf32>
    %mul3A_10 = arith.mulf %mul3A_9, %add3A : vector<400x128xf32>
    %mul3A_11 = arith.mulf %mul3A_10, %rsqrt3A : vector<400x128xf32>
    %mul3A_12 = arith.mulf %mul3A_11, %rsqrt3A : vector<400x128xf32>
    %sub3A = arith.constant 1.500000e+00 : f32
    %sub3A_13 = vector.broadcast %sub3A : f32 to vector<400x128xf32>
    %sub3A_14 = arith.subf %sub3A_13, %mul3A_12 : vector<400x128xf32>
    %mul3A_15 = arith.mulf %rsqrt3A, %sub3A_14 : vector<400x128xf32>
    %swap3A = arith.constant 0 : index
    %swap3A_16 = arith.constant 0 : index
    %swap3A_17 = vector.load %arg2[%swap3A, %swap3A_16] : memref<400x128xf32, #tpu.memory_space<vmem>>, vector<400x128xf32>
    tpu.vector_store %arg2[%swap3A, %swap3A_16], %mul3A_15 {strides = array<i32>} : memref<400x128xf32, #tpu.memory_space<vmem>>, vector<400x128xf32>,
    %get3A_18 = arith.constant 0 : index
    %get3A_19 = arith.constant 0 : index
    %get3A_20 = arith.constant 0 : index
    %get3A_21 = vector.load %arg1[%get3A_18, %get3A_19, %get3A_20] : memref<8x400x128xf32, #tpu.memory_space<vmem>>, vector<8x400x128xf32>
    %convert_element_type3A = arith.truncf %get3A_21 : vector<8x400x128xf32> to vector<8x400x128xbf16>
    %convert_element_type3A_22 = arith.extf %convert_element_type3A : vector<8x400x128xbf16> to vector<8x400x128xf32>
    %broadcast_in_dim3A = vector.shape_cast %mul3A_15 : vector<400x128xf32> to vector<1x400x128xf32>
    %mul3A_23 = vector.broadcast %broadcast_in_dim3A : vector<1x400x128xf32> to vector<8x400x128xf32>
    %mul3A_24 = arith.mulf %convert_element_type3A_22, %mul3A_23 : vector<8x400x128xf32>
    %swap3A_25 = arith.constant 0 : index
    %swap3A_26 = arith.constant 0 : index
    %swap3A_27 = arith.constant 0 : index
    %swap3A_28 = vector.load %arg3[%swap3A_25, %swap3A_26, %swap3A_27] : memref<8x400x128xf32, #tpu.memory_space<vmem>>, vector<8x400x128xf32>
    tpu.vector_store %arg3[%swap3A_25, %swap3A_26, %swap3A_27], %mul3A_24 {strides = array<i32>} : memref<8x400x128xf32, #tpu.memory_space<vmem>>, vector<8x400x128xf32>,
    return
  }
}

module attributes {stable_mosaic.version = 14 : i64} {
  func.func @_dense_body(%arg0: i32, %arg1: memref<2x3200x8xf32, #tpu.memory_space<vmem>>, %arg2: memref<3200x8xf32, #tpu.memory_space<vmem>>, %arg3: memref<3200x1xf32, #tpu.memory_space<vmem>>, %arg4: memref<8x256xf32, #tpu.memory_space<vmem>>, %arg5: memref<256x32xf32, #tpu.memory_space<vmem>>, %arg6: memref<1x256xf32, #tpu.memory_space<vmem>>, %arg7: memref<1x256xf32, #tpu.memory_space<vmem>>, %arg8: memref<1x256xf32, #tpu.memory_space<vmem>>, %arg9: memref<1x256xf32, #tpu.memory_space<vmem>>, %arg10: memref<256x256xbf16, #tpu.memory_space<vmem>>, %arg11: memref<256x256xbf16, #tpu.memory_space<vmem>>, %arg12: memref<1x256xf32, #tpu.memory_space<vmem>>, %arg13: memref<1x256xf32, #tpu.memory_space<vmem>>, %arg14: memref<1x256xf32, #tpu.memory_space<vmem>>, %arg15: memref<32x1xbf16, #tpu.memory_space<vmem>>, %arg16: memref<1x1xf32, #tpu.memory_space<vmem>>, %arg17: memref<3200x1xf32, #tpu.memory_space<vmem>>) attributes {dimension_semantics = [#tpu.dimension_semantics<arbitrary>], iteration_bounds = array<i64: 16>, scalar_prefetch = 0 : i64, scratch_operands = 0 : i64, tpu.core_type = #tpu.core_type<tc>, window_params = [{transform_indices = @transform_0, window_bounds = array<i64: 2, 3200, 8>}, {transform_indices = @transform_1, window_bounds = array<i64: 3200, 8>}, {transform_indices = @transform_2, window_bounds = array<i64: 3200, 1>}, {pipeline_mode = #tpu.pipeline_mode<synchronous>, transform_indices = @transform_3, window_bounds = array<i64: 8, 256>}, {pipeline_mode = #tpu.pipeline_mode<synchronous>, transform_indices = @transform_4, window_bounds = array<i64: 256, 32>}, {pipeline_mode = #tpu.pipeline_mode<synchronous>, transform_indices = @transform_5, window_bounds = array<i64: 1, 256>}, {pipeline_mode = #tpu.pipeline_mode<synchronous>, transform_indices = @transform_6, window_bounds = array<i64: 1, 256>}, {pipeline_mode = #tpu.pipeline_mode<synchronous>, transform_indices = @transform_7, window_bounds = array<i64: 1, 256>}, {pipeline_mode = #tpu.pipeline_mode<synchronous>, transform_indices = @transform_8, window_bounds = array<i64: 1, 256>}, {pipeline_mode = #tpu.pipeline_mode<synchronous>, transform_indices = @transform_9, window_bounds = array<i64: 256, 256>}, {pipeline_mode = #tpu.pipeline_mode<synchronous>, transform_indices = @transform_10, window_bounds = array<i64: 256, 256>}, {pipeline_mode = #tpu.pipeline_mode<synchronous>, transform_indices = @transform_11, window_bounds = array<i64: 1, 256>}, {pipeline_mode = #tpu.pipeline_mode<synchronous>, transform_indices = @transform_12, window_bounds = array<i64: 1, 256>}, {pipeline_mode = #tpu.pipeline_mode<synchronous>, transform_indices = @transform_13, window_bounds = array<i64: 1, 256>}, {pipeline_mode = #tpu.pipeline_mode<synchronous>, transform_indices = @transform_14, window_bounds = array<i64: 32, 1>}, {pipeline_mode = #tpu.pipeline_mode<synchronous>, transform_indices = @transform_15, window_bounds = array<i64: 1, 1>}, {transform_indices = @transform_16, window_bounds = array<i64: 3200, 1>}]} {
    %get3A = arith.constant 0 : index
    %get3A_0 = arith.constant 0 : index
    %get3A_1 = vector.load %arg3[%get3A, %get3A_0] : memref<3200x1xf32, #tpu.memory_space<vmem>>, vector<3200x1xf32>
    %get3A_2 = arith.constant 0 : index
    %get3A_3 = arith.constant 0 : index
    %get3A_4 = vector.load %arg2[%get3A_2, %get3A_3] : memref<3200x8xf32, #tpu.memory_space<vmem>>, vector<3200x8xf32>
    %convert_element_type3A = arith.truncf %get3A_4 : vector<3200x8xf32> to vector<3200x8xbf16>
    %convert_element_type3A_5 = arith.extf %convert_element_type3A : vector<3200x8xbf16> to vector<3200x8xf32>
    %get3A_6 = arith.constant 0 : index
    %get3A_7 = arith.constant 0 : index
    %get3A_8 = arith.constant 0 : index
    %get3A_9 = vector.load %arg1[%get3A_6, %get3A_7, %get3A_8] : memref<2x3200x8xf32, #tpu.memory_space<vmem>>, vector<1x3200x8xf32>
    %get3A_10 = vector.shape_cast %get3A_9 : vector<1x3200x8xf32> to vector<3200x8xf32>
    %get3A_11 = arith.constant 1 : index
    %get3A_12 = arith.constant 0 : index
    %get3A_13 = arith.constant 0 : index
    %get3A_14 = vector.load %arg1[%get3A_11, %get3A_12, %get3A_13] : memref<2x3200x8xf32, #tpu.memory_space<vmem>>, vector<1x3200x8xf32>
    %get3A_15 = vector.shape_cast %get3A_14 : vector<1x3200x8xf32> to vector<3200x8xf32>
    %add3A = arith.addf %get3A_10, %get3A_15 : vector<3200x8xf32>
    %mul3A = vector.broadcast %get3A_1 : vector<3200x1xf32> to vector<3200x8xf32>
    %mul3A_16 = arith.mulf %mul3A, %convert_element_type3A_5 : vector<3200x8xf32>
    %add3A_17 = arith.addf %add3A, %mul3A_16 : vector<3200x8xf32>
    %mul3A_18 = vector.broadcast %get3A_1 : vector<3200x1xf32> to vector<3200x8xf32>
    %mul3A_19 = arith.mulf %add3A_17, %mul3A_18 : vector<3200x8xf32>
    %get3A_20 = arith.constant 0 : index
    %get3A_21 = arith.constant 0 : index
    %get3A_22 = vector.load %arg4[%get3A_20, %get3A_21] : memref<8x256xf32, #tpu.memory_space<vmem>>, vector<8x256xf32>
    %dot_general3A = arith.constant dense<0.000000e+00> : vector<3200x256xf32>
    %dot_general3A_23 = tpu.matmul %mul3A_19, %get3A_22, %dot_general3A {dimension_numbers = #tpu.dot_dimension_numbers<[1], [0], [0], [1], [0, 0, 1, 1], [], []>, precision = #tpu.contract_precision<fp32>, transpose_lhs_hint = false} : vector<3200x8xf32>, vector<8x256xf32>, vector<3200x256xf32> -> vector<3200x256xf32>
    %get3A_24 = arith.constant 0 : index
    %get3A_25 = arith.constant 0 : index
    %get3A_26 = vector.load %arg6[%get3A_24, %get3A_25] : memref<1x256xf32, #tpu.memory_space<vmem>>, vector<1x256xf32>
    %mul3A_27 = vector.broadcast %get3A_26 : vector<1x256xf32> to vector<3200x256xf32>
    %mul3A_28 = arith.mulf %dot_general3A_23, %mul3A_27 : vector<3200x256xf32>
    %get3A_29 = arith.constant 0 : index
    %get3A_30 = arith.constant 0 : index
    %get3A_31 = vector.load %arg7[%get3A_29, %get3A_30] : memref<1x256xf32, #tpu.memory_space<vmem>>, vector<1x256xf32>
    %add3A_32 = vector.broadcast %get3A_31 : vector<1x256xf32> to vector<3200x256xf32>
    %add3A_33 = arith.addf %mul3A_28, %add3A_32 : vector<3200x256xf32>
    %convert_element_type3A_34 = arith.truncf %add3A_33 : vector<3200x256xf32> to vector<3200x256xbf16>
    %get3A_35 = arith.constant 0 : index
    %get3A_36 = arith.constant 0 : index
    %get3A_37 = vector.load %arg8[%get3A_35, %get3A_36] : memref<1x256xf32, #tpu.memory_space<vmem>>, vector<1x256xf32>
    %mul3A_38 = vector.broadcast %get3A_37 : vector<1x256xf32> to vector<3200x256xf32>
    %mul3A_39 = arith.mulf %dot_general3A_23, %mul3A_38 : vector<3200x256xf32>
    %get3A_40 = arith.constant 0 : index
    %get3A_41 = arith.constant 0 : index
    %get3A_42 = vector.load %arg9[%get3A_40, %get3A_41] : memref<1x256xf32, #tpu.memory_space<vmem>>, vector<1x256xf32>
    %add3A_43 = vector.broadcast %get3A_42 : vector<1x256xf32> to vector<3200x256xf32>
    %add3A_44 = arith.addf %mul3A_39, %add3A_43 : vector<3200x256xf32>
    %convert_element_type3A_45 = arith.truncf %add3A_44 : vector<3200x256xf32> to vector<3200x256xbf16>
    %get3A_46 = arith.constant 0 : index
    %get3A_47 = arith.constant 0 : index
    %get3A_48 = vector.load %arg10[%get3A_46, %get3A_47] : memref<256x256xbf16, #tpu.memory_space<vmem>>, vector<256x256xbf16>
    %dot_general3A_49 = arith.constant dense<0.000000e+00> : vector<3200x256xf32>
    %dot_general3A_50 = tpu.matmul %convert_element_type3A_34, %get3A_48, %dot_general3A_49 {dimension_numbers = #tpu.dot_dimension_numbers<[1], [0], [0], [1], [0, 0, 1, 1], [], []>, transpose_lhs_hint = false} : vector<3200x256xbf16>, vector<256x256xbf16>, vector<3200x256xf32> -> vector<3200x256xf32>
    %get3A_51 = arith.constant 0 : index
    %get3A_52 = arith.constant 0 : index
    %get3A_53 = vector.load %arg12[%get3A_51, %get3A_52] : memref<1x256xf32, #tpu.memory_space<vmem>>, vector<1x256xf32>
    %add3A_54 = vector.broadcast %get3A_53 : vector<1x256xf32> to vector<3200x256xf32>
    %add3A_55 = arith.addf %dot_general3A_50, %add3A_54 : vector<3200x256xf32>
    %get3A_56 = arith.constant 0 : index
    %get3A_57 = arith.constant 0 : index
    %get3A_58 = vector.load %arg11[%get3A_56, %get3A_57] : memref<256x256xbf16, #tpu.memory_space<vmem>>, vector<256x256xbf16>
    %dot_general3A_59 = arith.constant dense<0.000000e+00> : vector<3200x256xf32>
    %dot_general3A_60 = tpu.matmul %convert_element_type3A_45, %get3A_58, %dot_general3A_59 {dimension_numbers = #tpu.dot_dimension_numbers<[1], [0], [0], [1], [0, 0, 1, 1], [], []>, transpose_lhs_hint = false} : vector<3200x256xbf16>, vector<256x256xbf16>, vector<3200x256xf32> -> vector<3200x256xf32>
    %get3A_61 = arith.constant 0 : index
    %get3A_62 = arith.constant 0 : index
    %get3A_63 = vector.load %arg13[%get3A_61, %get3A_62] : memref<1x256xf32, #tpu.memory_space<vmem>>, vector<1x256xf32>
    %add3A_64 = vector.broadcast %get3A_63 : vector<1x256xf32> to vector<3200x256xf32>
    %add3A_65 = arith.addf %dot_general3A_60, %add3A_64 : vector<3200x256xf32>
    %logistic3A = arith.negf %add3A_55 : vector<3200x256xf32>
    %logistic3A_66 = math.exp %logistic3A : vector<3200x256xf32>
    %logistic3A_67 = arith.constant 1.000000e+00 : f32
    %logistic3A_68 = vector.broadcast %logistic3A_67 : f32 to vector<3200x256xf32>
    %logistic3A_69 = arith.addf %logistic3A_68, %logistic3A_66 : vector<3200x256xf32>
    %logistic3A_70 = arith.divf %logistic3A_68, %logistic3A_69 : vector<3200x256xf32>
    %sub3A = arith.constant 1.000000e+00 : f32
    %sub3A_71 = vector.broadcast %sub3A : f32 to vector<3200x256xf32>
    %sub3A_72 = arith.subf %sub3A_71, %logistic3A_70 : vector<3200x256xf32>
    %tanh3A = math.tanh %add3A_65 : vector<3200x256xf32>
    %mul3A_73 = arith.mulf %sub3A_72, %tanh3A : vector<3200x256xf32>
    %get3A_74 = arith.constant 0 : index
    %get3A_75 = arith.constant 0 : index
    %get3A_76 = vector.load %arg14[%get3A_74, %get3A_75] : memref<1x256xf32, #tpu.memory_space<vmem>>, vector<1x256xf32>
    %mul3A_77 = vector.broadcast %get3A_76 : vector<1x256xf32> to vector<3200x256xf32>
    %mul3A_78 = arith.mulf %mul3A_73, %mul3A_77 : vector<3200x256xf32>
    %slice3A = vector.extract_strided_slice %mul3A_78 {offsets = [0, 0], sizes = [3200, 32], strides = [1, 1]} : vector<3200x256xf32> to vector<3200x32xf32>
    %slice3A_79 = vector.extract_strided_slice %mul3A_78 {offsets = [0, 32], sizes = [3200, 32], strides = [1, 1]} : vector<3200x256xf32> to vector<3200x32xf32>
    %add3A_80 = arith.addf %slice3A, %slice3A_79 : vector<3200x32xf32>
    %slice3A_81 = vector.extract_strided_slice %mul3A_78 {offsets = [0, 64], sizes = [3200, 32], strides = [1, 1]} : vector<3200x256xf32> to vector<3200x32xf32>
    %add3A_82 = arith.addf %add3A_80, %slice3A_81 : vector<3200x32xf32>
    %slice3A_83 = vector.extract_strided_slice %mul3A_78 {offsets = [0, 96], sizes = [3200, 32], strides = [1, 1]} : vector<3200x256xf32> to vector<3200x32xf32>
    %add3A_84 = arith.addf %add3A_82, %slice3A_83 : vector<3200x32xf32>
    %slice3A_85 = vector.extract_strided_slice %mul3A_78 {offsets = [0, 128], sizes = [3200, 32], strides = [1, 1]} : vector<3200x256xf32> to vector<3200x32xf32>
    %add3A_86 = arith.addf %add3A_84, %slice3A_85 : vector<3200x32xf32>
    %slice3A_87 = vector.extract_strided_slice %mul3A_78 {offsets = [0, 160], sizes = [3200, 32], strides = [1, 1]} : vector<3200x256xf32> to vector<3200x32xf32>
    %add3A_88 = arith.addf %add3A_86, %slice3A_87 : vector<3200x32xf32>
    %slice3A_89 = vector.extract_strided_slice %mul3A_78 {offsets = [0, 192], sizes = [3200, 32], strides = [1, 1]} : vector<3200x256xf32> to vector<3200x32xf32>
    %add3A_90 = arith.addf %add3A_88, %slice3A_89 : vector<3200x32xf32>
    %slice3A_91 = vector.extract_strided_slice %mul3A_78 {offsets = [0, 224], sizes = [3200, 32], strides = [1, 1]} : vector<3200x256xf32> to vector<3200x32xf32>
    %add3A_92 = arith.addf %add3A_90, %slice3A_91 : vector<3200x32xf32>
    %max3A = arith.constant 0.000000e+00 : f32
    %max3A_93 = vector.broadcast %max3A : f32 to vector<3200x32xf32>
    %max3A_94 = arith.maximumf %add3A_92, %max3A_93 : vector<3200x32xf32>
    %convert_element_type3A_95 = arith.truncf %max3A_94 : vector<3200x32xf32> to vector<3200x32xbf16>
    %get3A_96 = arith.constant 0 : index
    %get3A_97 = arith.constant 0 : index
    %get3A_98 = vector.load %arg15[%get3A_96, %get3A_97] : memref<32x1xbf16, #tpu.memory_space<vmem>>, vector<32x1xbf16>
    %dot_general3A_99 = arith.constant dense<0.000000e+00> : vector<3200x1xf32>
    %dot_general3A_100 = tpu.matmul %convert_element_type3A_95, %get3A_98, %dot_general3A_99 {dimension_numbers = #tpu.dot_dimension_numbers<[1], [0], [0], [1], [0, 0, 1, 1], [], []>, transpose_lhs_hint = false} : vector<3200x32xbf16>, vector<32x1xbf16>, vector<3200x1xf32> -> vector<3200x1xf32>
    %get3A_101 = arith.constant 0 : index
    %get3A_102 = arith.constant 0 : index
    %get3A_103 = vector.load %arg16[%get3A_101, %get3A_102] : memref<1x1xf32, #tpu.memory_space<vmem>>, vector<1x1xf32>
    %add3A_104 = vector.broadcast %get3A_103 : vector<1x1xf32> to vector<3200x1xf32>
    %add3A_105 = arith.addf %dot_general3A_100, %add3A_104 : vector<3200x1xf32>
    %swap3A = arith.constant 0 : index
    %swap3A_106 = arith.constant 0 : index
    %swap3A_107 = vector.load %arg17[%swap3A, %swap3A_106] : memref<3200x1xf32, #tpu.memory_space<vmem>>, vector<3200x1xf32>
    tpu.vector_store %arg17[%swap3A, %swap3A_106], %add3A_105 {strides = array<i32>} : memref<3200x1xf32, #tpu.memory_space<vmem>>, vector<3200x1xf32>,
    return
  }
  func.func @transform_0(%arg0: i32) -> (i32, i32, i32) {
    %c0_i32 = arith.constant 0 : i32
    %c0_i32_0 = arith.constant 0 : i32
    %c0_i32_1 = arith.constant 0 : i32
    return %c0_i32, %arg0, %c0_i32_0 : i32, i32, i32
  }
  func.func @transform_1(%arg0: i32) -> (i32, i32) {
    %c0_i32 = arith.constant 0 : i32
    %c0_i32_0 = arith.constant 0 : i32
    return %arg0, %c0_i32 : i32, i32
  }
  func.func @transform_2(%arg0: i32) -> (i32, i32) {
    %c0_i32 = arith.constant 0 : i32
    %c0_i32_0 = arith.constant 0 : i32
    return %arg0, %c0_i32 : i32, i32
  }
  func.func @transform_3(%arg0: i32) -> (i32, i32) {
    %c0_i32 = arith.constant 0 : i32
    %c0_i32_0 = arith.constant 0 : i32
    %c0_i32_1 = arith.constant 0 : i32
    return %c0_i32, %c0_i32_0 : i32, i32
  }
  func.func @transform_4(%arg0: i32) -> (i32, i32) {
    %c0_i32 = arith.constant 0 : i32
    %c0_i32_0 = arith.constant 0 : i32
    %c0_i32_1 = arith.constant 0 : i32
    return %c0_i32, %c0_i32_0 : i32, i32
  }
  func.func @transform_5(%arg0: i32) -> (i32, i32) {
    %c0_i32 = arith.constant 0 : i32
    %c0_i32_0 = arith.constant 0 : i32
    %c0_i32_1 = arith.constant 0 : i32
    return %c0_i32, %c0_i32_0 : i32, i32
  }
  func.func @transform_6(%arg0: i32) -> (i32, i32) {
    %c0_i32 = arith.constant 0 : i32
    %c0_i32_0 = arith.constant 0 : i32
    %c0_i32_1 = arith.constant 0 : i32
    return %c0_i32, %c0_i32_0 : i32, i32
  }
  func.func @transform_7(%arg0: i32) -> (i32, i32) {
    %c0_i32 = arith.constant 0 : i32
    %c0_i32_0 = arith.constant 0 : i32
    %c0_i32_1 = arith.constant 0 : i32
    return %c0_i32, %c0_i32_0 : i32, i32
  }
  func.func @transform_8(%arg0: i32) -> (i32, i32) {
    %c0_i32 = arith.constant 0 : i32
    %c0_i32_0 = arith.constant 0 : i32
    %c0_i32_1 = arith.constant 0 : i32
    return %c0_i32, %c0_i32_0 : i32, i32
  }
  func.func @transform_9(%arg0: i32) -> (i32, i32) {
    %c0_i32 = arith.constant 0 : i32
    %c0_i32_0 = arith.constant 0 : i32
    %c0_i32_1 = arith.constant 0 : i32
    return %c0_i32, %c0_i32_0 : i32, i32
  }
  func.func @transform_10(%arg0: i32) -> (i32, i32) {
    %c0_i32 = arith.constant 0 : i32
    %c0_i32_0 = arith.constant 0 : i32
    %c0_i32_1 = arith.constant 0 : i32
    return %c0_i32, %c0_i32_0 : i32, i32
  }
  func.func @transform_11(%arg0: i32) -> (i32, i32) {
    %c0_i32 = arith.constant 0 : i32
    %c0_i32_0 = arith.constant 0 : i32
    %c0_i32_1 = arith.constant 0 : i32
    return %c0_i32, %c0_i32_0 : i32, i32
  }
  func.func @transform_12(%arg0: i32) -> (i32, i32) {
    %c0_i32 = arith.constant 0 : i32
    %c0_i32_0 = arith.constant 0 : i32
    %c0_i32_1 = arith.constant 0 : i32
    return %c0_i32, %c0_i32_0 : i32, i32
  }
  func.func @transform_13(%arg0: i32) -> (i32, i32) {
    %c0_i32 = arith.constant 0 : i32
    %c0_i32_0 = arith.constant 0 : i32
    %c0_i32_1 = arith.constant 0 : i32
    return %c0_i32, %c0_i32_0 : i32, i32
  }
  func.func @transform_14(%arg0: i32) -> (i32, i32) {
    %c0_i32 = arith.constant 0 : i32
    %c0_i32_0 = arith.constant 0 : i32
    %c0_i32_1 = arith.constant 0 : i32
    return %c0_i32, %c0_i32_0 : i32, i32
  }
  func.func @transform_15(%arg0: i32) -> (i32, i32) {
    %c0_i32 = arith.constant 0 : i32
    %c0_i32_0 = arith.constant 0 : i32
    %c0_i32_1 = arith.constant 0 : i32
    return %c0_i32, %c0_i32_0 : i32, i32
  }
  func.func @transform_16(%arg0: i32) -> (i32, i32) {
    %c0_i32 = arith.constant 0 : i32
    %c0_i32_0 = arith.constant 0 : i32
    return %arg0, %c0_i32 : i32, i32
  }
}

</mosaic_0001>

<sc_bundles>
// kernel: kernel.6.cloned.1.call-start
scs
__scs_entry_jumppad:
0x0: {  	(pc) =	sbr.rel $0x88, $3  }
0x1: {  	(tag) =	ssettag $0x0;
	lr =	simm.s32 $0x1  }
0x2: {  	[smem:$0x3F93] =	sst lr;
	_ =	strace $0xD0000000  }
0x3: {  	_ = 	snop  }
0x4: {  	_ = 	snop  }
0x5: {  	_ = 	snop  }
0x6: {  	_ = 	snop  }
0x7: {  	_ = 	snop  }
__scs_overlays_trampoline_lowered:
0x8: {  	[smem:$0x3FA2] =	sst s0  }
0x9: {  	[smem:$0x3FA3] =	sst s1  }
0xa: {  	[smem:$0x3FA4] =	sst s2  }
0xb: {  	[smem:$0x3FA5] =	sst s3  }
0xc: {  	[smem:$0x3FA6] =	sst s4  }
0xd: {  	[smem:$0x3FA7] =	sst s5  }
0xe: {  	[smem:$0x3FA8] =	sst s6  }
0xf: {  	[smem:$0x3FA9] =	sst s7  }
0x10: {  	[smem:$0x3FAA] =	sst s8  }
0x11: {  	[smem:$0x3FAB] =	sst s9;
	s0 =	simm.s32 @!p0 $0x0  }
0x12: {  	s1 =	sld [smem:$0x3F91];
	s0 =	simm.s32 @p0 $0x1  }
0x13: {  	[smem:$0x3FAC] =	sst s0;
	s0 =	simm.s32 @!p1 $0x0  }
0x14: {  	s2 =	sld [smem:$0x3F90];
	s0 =	simm.s32 @p1 $0x1  }
0x15: {  	[smem:$0x3FAD] =	sst s0;
	s0 =	simm.s32 @!p2 $0x0  }
0x16: {  	s3 =	sld [smem:$0x3FDB];
	s0 =	simm.s32 @p2 $0x1  }
0x17: {  	s4 =	simm.s32 $0x1BF5;
	[smem:$0x3FAF] =	sst s0  }
0x18: {  	s0 =	sld [smem:$0x3F92];
	_ =	swait.ge [sflag:s4], $0x0  }
0x19: {  	s7 =	sld [smem:$0x3F93]  }
0x1a: {  	s8 =	sadd.s32 $0xFFFFE003, lr  }
0x1b: {  	s9 =	sadd.s32 $0xFFFFFEF7, lr;
	s5 =	simm.s32 $0xFFFFFFFF;
	p2 =	slt.u32 s8, $0xFFFFF086  }
0x1c: {  	p1 =	slt.u32 s9, $0xF7A;
	s5 =	simm.s32 @!p2 $0x0  }
0x1d: {  	s5 =	simm.s32 @p1 $0x1;
	p0 =	seq.s32 s7, s2  }
0x1e: {  	s7 =	smul.u32 @!p0 $0xF7A, s2;
	p2 =	seq.s32 @!p0 s5, $0x0  }
0x1f: {  	s9 =	smul.u32 $0xF7A, s1;
	s8 =	simm.s32 @!p0 $0x1BF5;
	p2 =	por !p2, p0  }
0x20: {  	[sflag:s8] =	ssyncset.s32 @!p0 $0xFFFFF086;
	s6 =	sadd.s32 @!p0 s3, s7;
	s7 =	simm.s32 @!p0 $0x108  }
0x21: {  	s3 =	sadd.s32 s3, s9;
	s6 =	sadd.s32 @!p0 $0x88, s6;
	s7 =	simm.s32 @p2 $0x1082  }
0x22: {  	[simem:s7], [sflag:s8] =	dma.local @!p0 [hbm:s6], $0xF7A  }
0x23: {  	s9 =	sor.u32 $0xD0000000, s2;
	s6 =	simm.s32 $0x108;
	_ =	swait.ge @!p0 [sflag:s8], $0x0  }
0x24: {  	s3 =	sadd.s32 $0x88, s3;
	s6 =	simm.s32 @!p1 $0x1082;
	[sflag:s4] =	ssyncset.s32 $0xFFFFF086  }
0x25: {  	[simem:s6], [sflag:s4] =	dma.local [hbm:s3], $0xF7A  }
0x26: {  	[smem:$0x3F93] =	sst s1;
	(tag) =	ssettag s2;
	_ =	strace s9  }
0x27: {  	s1 =	sld [smem:$0x3FA3]  }
0x28: {  	s2 =	sld [smem:$0x3FA4]  }
0x29: {  	s4 =	sld [smem:$0x3FA6]  }
0x2a: {  	p0 =	seq.s32 s5, $0x0;
	s5 =	sld [smem:$0x3FA7]  }
0x2b: {  	s6 =	sld [smem:$0x3FA8]  }
0x2c: {  	s7 =	sld [smem:$0x3FA9]  }
0x2d: {  	s3 =	simm.s32 $0x108;
	s8 =	sld [smem:$0x3FAA]  }
0x2e: {  	s3 =	simm.s32 @!p0 $0x1082;
	s9 =	sld [smem:$0x3FAB]  }
0x2f: {  	lr =	sadd.s32 s0, s3;
	s0 =	sld [smem:$0x3FA2]  }
0x30: {  	s3 =	sld [smem:$0x3FA5]  }
0x31: {  	[smem:$0x3FAE] =	sst s10  }
0x32: {  	s10 =	sld [smem:$0x3FAC];
	_ =	sdelay $0x3  }
0x33: {  	p0 =	seq.s32 s10, $0x1;
	s10 =	sld [smem:$0x3FAE];
	_ =	sdelay $0x3  }
0x34: {  	[smem:$0x3FAE] =	sst s10  }
0x35: {  	s10 =	sld [smem:$0x3FAD];
	_ =	sdelay $0x3  }
0x36: {  	p1 =	seq.s32 s10, $0x1;
	s10 =	sld [smem:$0x3FAE];
	_ =	sdelay $0x3  }
0x37: {  	[smem:$0x3FAE] =	sst s10  }
0x38: {  	s10 =	sld [smem:$0x3FAF]  }
0x39: {  	_ = 	snop;
	(pc) =	sbr.ind lr, $3  }
0x3a: {  	_ = 	snop  }
0x3b: {  	_ = 	snop  }
0x3c: {  	p2 =	seq.s32 s10, $0x1;
	s10 =	sld [smem:$0x3FAE]  }
0x3d: {  	_ =	shalt  }
0x3e: {  	_ =	shalt  }
0x3f: {  	_ =	shalt  }
0x40: {  	_ =	shalt  }
0x41: {  	_ =	shalt  }
0x42: {  	_ =	shalt  }
0x43: {  	_ =	shalt  }
0x44: {  	_ =	shalt  }
0x45: {  	_ =	shalt  }
0x46: {  	_ =	shalt  }
0x47: {  	_ =	shalt  }
0x48: {  	_ =	shalt  }
0x49: {  	_ =	shalt  }
0x4a: {  	_ =	shalt  }
0x4b: {  	_ =	shalt  }
0x4c: {  	_ =	shalt  }
0x4d: {  	_ =	shalt  }
0x4e: {  	_ =	shalt  }
0x4f: {  	_ =	shalt  }
0x50: {  	_ =	shalt  }
0x51: {  	_ =	shalt  }
0x52: {  	_ =	shalt  }
0x53: {  	_ =	shalt  }
0x54: {  	_ =	shalt  }
0x55: {  	_ =	shalt  }
0x56: {  	_ =	shalt  }
0x57: {  	_ =	shalt  }
0x58: {  	_ =	shalt  }
0x59: {  	_ =	shalt  }
0x5a: {  	_ =	shalt  }
0x5b: {  	_ =	shalt  }
0x5c: {  	_ =	shalt  }
0x5d: {  	_ =	shalt  }
0x5e: {  	_ =	shalt  }
0x5f: {  	_ =	shalt  }
0x60: {  	_ =	shalt  }
0x61: {  	_ =	shalt  }
0x62: {  	_ =	shalt  }
0x63: {  	_ =	shalt  }
0x64: {  	_ =	shalt  }
0x65: {  	_ =	shalt  }
0x66: {  	_ =	shalt  }
0x67: {  	_ =	shalt  }
0x68: {  	_ =	shalt  }
0x69: {  	_ =	shalt  }
0x6a: {  	_ =	shalt  }
0x6b: {  	_ =	shalt  }
0x6c: {  	_ =	shalt  }
0x6d: {  	_ =	shalt  }
0x6e: {  	_ =	shalt  }
0x6f: {  	_ =	shalt  }
0x70: {  	_ =	shalt  }
0x71: {  	_ =	shalt  }
0x72: {  	_ =	shalt  }
0x73: {  	_ =	shalt  }
0x74: {  	_ =	shalt  }
0x75: {  	_ =	shalt  }
0x76: {  	_ =	shalt  }
0x77: {  	_ =	shalt  }
0x78: {  	_ =	shalt  }
0x79: {  	_ =	shalt  }
0x7a: {  	_ =	shalt  }
0x7b: {  	_ =	shalt  }
0x7c: {  	_ =	shalt  }
0x7d: {  	_ =	shalt  }
0x7e: {  	_ =	shalt  }
0x7f: {  	_ =	shalt  }
0x80: {  	_ =	shalt  }
0x81: {  	_ =	shalt  }
0x82: {  	_ =	shalt  }
0x83: {  	_ =	shalt  }
0x84: {  	_ =	shalt  }
0x85: {  	_ =	shalt  }
0x86: {  	_ =	shalt  }
0x87: {  	_ =	shalt  }
.Lfunc_end0:
.L_simem_size_0:
called_computation_lowered:
.L_overlay_start_0:
0x88: {  	s2 =	sld [smem:$0x3FD9]  }
0x89: {  	s3 =	sld [smem:$0x3FFE];
	_ =	sdelay $0x1  }
0x8a: {  	s1 =	srdreg.scid  }
0x8b: {  	s0 =	sand.u32 $0x1, s1  }
0x8c: {  	s17 =	sshll.u32 s0, $0xA;
	s2 =	sadd.s32 s3, s2  }
0x8d: {  	s2 =	sadd.s32 s2, s17  }
0x8e: {  	[smem:$0x3FBA] =	sst s2  }
0x8f: {  	_ = 	snop  }
0x90: {  	s2 =	sld [smem:$0x3FC7];
	(tm) =	ssettm $0x1  }
0x91: {  	s18 =	sld [smem:$0x3FFB];
	_ =	sdelay $0x3  }
0x92: {  	_ =	strace s18  }
0x93: {  	s3 =	sld [smem:$0x3FFC];
	_ =	sdelay $0x3  }
0x94: {  	_ =	strace s3  }
0x95: {  	s3 =	sld [smem:$0x3FFD];
	_ =	sdelay $0x3  }
0x96: {  	_ =	strace s3  }
0x97: {  	_ =	strace $0x8FFFFFFF  }
0x98: {  	s19 =	sld [smem:$0x3FDB];
	_ =	sdelay $0x1  }
0x99: {  	s4 =	simm.s32 $_scs_section_size  }
0x9a: {  	s5 =	simm.s32 $_size__tile_overlayer_lowered;
	s6 =	simm.s32 $_tile_overlayer_lowered  }
0x9b: {  	s22 =	simm.s32 $0x1BFF;
	s21 =	sshll.u32 s6, $0x1;
	s3 =	sadd.s32 s4, s19  }
0x9c: {  	s7 =	simm.s32 $0x0;
	s20 =	sshll.u32 s5, $0x1;
	s5 =	sadd.s32 s21, s3  }
0x9d: {  	[timem:s7], [sflag:s22] =	dma.local [hbm:s5], s20  }
0x9e: {  	_ =	swait.ge [sflag:s22], s20  }
0x9f: {  	s4 =	ssub.s32 $0x0, s20;
	[sflag:s22] =	ssyncset.done $0x0  }
0xa0: {  	[sflag:s22] =	ssyncadd.s32 s4;
	_ =	sdelay $0x1  }
0xa1: {  	s23 =	simm.s32 $0x1B8B  }
0xa2: {  	_ =	swait.ge [sflag:s23], $0x1  }
0xa3: {  	[sflag:s23] =	ssyncset.done $0x0  }
0xa4: {  	s25 =	simm.s32 $0x1B8E;
	s24 =	sld [smem:$0x3FFE];
	[sflag:s23] =	ssyncadd.s32 $0xFFFFFFFF  }
0xa5: {  	s26 =	simm.s32 $execute0_lowered;
	[smem:$0x3FD2] =	sst s25  }
0xa6: {  	s5 =	sshll.u32 s26, $0x1;
	_ =	strace $0x80000046;
	[dreg:$0x1] =	wrdreg $0xFFFFFFFF  }
0xa7: {  	s28 =	simm.s32 $_size_execute0_lowered;
	s3 =	sadd.s32 s3, s5;
	[dreg:$0x0] =	wrdreg $0x0  }
0xa8: {  	s5 =	sshll.u32 s28, $0x1;
	[dreg:$0x2] =	wrdreg s3  }
0xa9: {  	[dreg:$0x3] =	wrdreg s5  }
0xaa: {  	[dreg:$0x4] =	wrdreg $0xC0  }
0xab: {  	_ =	task [dreg:s7], $0x5FFFF  }
0xac: {  	[dreg:$0x1] =	wrdreg $0xFFFFFFFF  }
0xad: {  	[dreg:$0x0] =	wrdreg $0x60  }
0xae: {  	[dreg:$0x2] =	wrdreg s24  }
0xaf: {  	[dreg:$0x3] =	wrdreg s2  }
0xb0: {  	[dreg:$0x4] =	wrdreg $0x0  }
0xb1: {  	[dreg:$0x5] =	wrdreg $0x9  }
0xb2: {  	_ =	task.clear_ibuf [dreg:s7], $0x6FFFF;
	_ =	strace $0x90000046  }
0xb3: {  	s29 =	simm.s32 $0x9;
	_ =	strace $0x80000048  }
0xb4: {  	_ =	swait.ge [sflag:s29], $0x1  }
0xb5: {  	[sflag:s29] =	ssyncadd.s32 $0xFFFFFFFF  }
0xb6: {  	_ =	strace $0x90000048  }
0xb7: {  	_ =	sfence  }
0xb8: {  	s30 =	sld [smem:$0x0];
	_ =	sdelay $0x2  }
0xb9: {  	s31 =	sshll.u32 s1, $0xD;
	s1 =	sshrl.u32 s1, $0x2  }
0xba: {  	s3 =	sand.u32 $0x4000, s31;
	s1 =	sadd.s32 s1, s30  }
0xbb: {  	s0 =	sor.u32 s3, s0;
	s1 =	sshll.u32 s1, $0x11  }
0xbc: {  	s0 =	sor.u32 s1, s0  }
0xbd: {  	s0 =	sadd.s32 $0x8F2B, s0  }
0xbe: {  	[sflag:s0] =	ssyncadd.remote.s32 $0x1  }
0xbf: {  	_ =	sfence.sel $0xFFFF  }
0xc0: {  	[dreg:$0x0] =	wrdreg $0xFFFFFFFF;
	(pc) =	sbr.abs _section_cstart, $3  }
0xc1: {  	[dreg:$0x1] =	wrdreg $0xFFFFFFFF  }
0xc2: {  	_ =	task.clear_ibuf [dreg:s7], $0x2FFFF;
	_ =	strace $0x9FFFFFFF  }
0xc3: {  	(tm) =	ssettm $0x7FFFFFFF  }
tec
execute0_lowered:
.L_overlay_start_1:
0x0: {  	(tag) =	ssettag $0x1  }
0x1: {  	s0 =	rddreg [dreg:$0x0];
	s1 =	srdreg.scid  }
0x2: {  	s26 =	stileid.u32;
	s4 =	rddreg [dreg:$0x1]  }
0x3: {  	s2 =	rddreg [dreg:$0x2];
	s3 =	simm.s32 $0x0;
	s18 =	simm.s32 $0xD00  }
0x4: {  	s20 =	simm.s32 $0x1480;
	s21 =	simm.s32 $0xD80;
	s22 =	simm.s32 $0x1500  }
0x5: {  	s23 =	simm.s32 $0xE00;
	s24 =	simm.s32 $0x1580;
	s25 =	simm.s32 $0xE80  }
0x6: {  	s28 =	simm.s32 $0x1900;
	s29 =	simm.s32 $0x1200;
	[smem:$0x7FF] =	sst s3  }
0x7: {  	s30 =	simm.s32 $0x1980;
	_ =	strace $0x80000047;
	[dreg:$0x6] =	wrdreg s18  }
0x8: {  	s31 =	simm.s32 $0x1280;
	s1 =	sand.u32 $0x1, s1;
	[dreg:$0x7] =	wrdreg s20  }
0x9: {  	s5 =	smul.u32 $0xC80, s26;
	s8 =	sadd.s32 $0x4800, s0;
	[dreg:$0x8] =	wrdreg s21  }
0xa: {  	s14 =	sshll.u32 s26, $0x5;
	s10 =	smul.u32 $0x30C0, s26;
	[dreg:$0x9] =	wrdreg s22  }
0xb: {  	p0 =	sgt.u32 s26, $0x9;
	s6 =	smul.u32 $0xC800, s1;
	[dreg:$0xa] =	wrdreg s23  }
0xc: {  	s7 =	ssub.s32 $0x2, s1;
	s9 =	sshll.u32 s1, $0x4;
	[dreg:$0xb] =	wrdreg s24  }
0xd: {  	s1 =	smul.u32 $0x1860, s1;
	[dreg:$0xc] =	wrdreg s25;
	s18 =	simm.s32 $0xF80  }
0xe: {  	s20 =	simm.s32 $0x1000;
	s21 =	simm.s32 $0x1780;
	s22 =	simm.s32 $0x1080  }
0xf: {  	s23 =	simm.s32 $0x1800;
	s24 =	simm.s32 $0x1100;
	s25 =	simm.s32 $0x1880  }
0x10: {  	s11 =	sshrl.u32 s7, $0x1;
	s12 =	sadd.s32 s5, s2;
	s9 =	sor.u32 s9, s14  }
0x11: {  	s16 =	sadd.s32 s10, s8;
	s10 =	sadd.s32 s10, s4;
	s14 =	simm.s32 $0x80  }
0x12: {  	s6 =	sadd.s32 s5, s6;
	s9 =	sor.u32 $0x30C00, s9;
	s17 =	sadd.s32 s1, s16  }
0x13: {  	s1 =	sadd.s32 s1, s10;
	s16 =	simm.s32 $0xF00;
	s10 =	simm.s32 $0x0  }
0x14: {  	s6 =	sshrl.u32 s6, $0x3;
	s8 =	sadd.s32 s8, s9;
	[dreg:$0x4] =	wrdreg s17  }
0x15: {  	s4 =	sadd.s32 s4, s9;
	[dreg:$0x5] =	wrdreg s1;
	s9 =	sshrl.u32 s12, $0x3  }
0x16: {  	s12 =	simm.s32 $0xC80;
	s17 =	simm.s32 $0x1680;
	s1 =	simm.s32 $0x1A00  }
0x17: {  	s0 =	sadd.s32 s6, s0;
	s6 =	ssub.s32 s7, s11;
	[dreg:$0xf] =	wrdreg s8  }
0x18: {  	s11 =	sshll.u32 s26, $0x6;
	[dreg:$0x10] =	wrdreg s4;
	s26 =	simm.s32 $0x1180  }
0x19: {  	s4 =	simm.s32 $0x1A80;
	s7 =	simm.s32 $0x1B00;
	[dreg:$0x13] =	wrdreg s9  }
0x1a: {  	s13 =	sadd.s32 $0x1600, s0;
	s15 =	sor.u32 $0x1C01, s11;
	s0 =	sadd.s32 $0x66400, s0  }
0x1b: {  	s19 =	smax.u32 s6, $0x1;
	s11 =	simm.s32 $0x1;
	[dreg:$0xd] =	wrdreg s13  }
0x1c: {  	s6 =	simm.s32 $0x1380;
	s8 =	smov.u32 s15;
	[dreg:$0x11] =	wrdreg s0  }
0x1d: {  	[dreg:$0x12] =	wrdreg s19;
	s13 =	simm.s32 $0x1400;
	s15 =	simm.s32 $0x1600  }
0x1e: {  	s19 =	simm.s32 $0x1700;
	s0 =	simm.s32 $0x1300;
	[dreg:$0xe] =	wrdreg s8  }
.LBB2_1:
0x1f: {  	[dreg:$0x14] =	wrdreg s10  }
0x20: {  	s5 =	rddreg [dreg:$0xd]  }
0x21: {  	[spmem:s9], [sflag:s8] =	dma.local [hbm:s5], $0x190  }
0x22: {  	_ =	swait.ge [sflag:s11], $0x190  }
0x23: {  	[sflag:s11] =	ssyncset.done $0x0  }
0x24: {  	[sflag:s11] =	ssyncadd.s32 $0xFFFFFE70  }
0x25: {  	[bflag:$0x0] =	sbarrier.arrive $0xFFFF  }
0x26: {  	s8 =	rddreg [dreg:$0x4]  }
0x27: {  	s9 =	sadd.s32 $0x0, s8  }
0x28: {  	[tilespmem:s12], [sflag:$0x1] =	stream.linear.gather [hbm4b:s9+s3], $0x780, $0x38;
	[tilespmem:$0x1B80] =	vst v63  }
0x29: {  	_ =	swait.ge [sflag:s11], $0x780  }
0x2a: {  	s10 =	rddreg [dreg:$0x5];
	[sflag:s11] =	ssyncset.done $0x0  }
0x2b: {  	[sflag:s11] =	ssyncadd.s32 $0xFFFFF880;
	s9 =	sadd.s32 $0x0, s10  }
0x2c: {  	[tilespmem:s13], [sflag:$0x1] =	stream.linear.gather [hbm4b:s9+s3], $0x780, $0x38;
	[tilespmem:$0x1B80] =	vst v63  }
0x2d: {  	_ =	swait.ge [sflag:s11], $0x780  }
0x2e: {  	[sflag:s11] =	ssyncset.done $0x0  }
0x2f: {  	[sflag:s11] =	ssyncadd.s32 $0xFFFFF880  }
0x30: {  	[spmem:s2] =	stream.indirect.scatter.add.f32 [tilespmem:s13], [sflag:$0x1], $0x1, s12, s14, $0xb8;
	[tilespmem:$0x1B80] =	vst v63  }
0x31: {  	_ =	swait.ge [sflag:s11], $0x80  }
0x32: {  	s5 =	rddreg [dreg:$0x6];
	[sflag:s11] =	ssyncset.done $0x0  }
0x33: {  	s8 =	rddreg [dreg:$0x7];
	[sflag:s11] =	ssyncadd.s32 $0xFFFFFF80  }
0x34: {  	[spmem:s2] =	stream.indirect.scatter.add.f32 [tilespmem:s8], [sflag:$0x1], $0x1, s5, s14, $0xb8;
	[tilespmem:$0x1B80] =	vst v63  }
0x35: {  	_ =	swait.ge [sflag:s11], $0x80  }
0x36: {  	s10 =	rddreg [dreg:$0x8];
	[sflag:s11] =	ssyncset.done $0x0  }
0x37: {  	s8 =	rddreg [dreg:$0x9];
	[sflag:s11] =	ssyncadd.s32 $0xFFFFFF80  }
0x38: {  	[spmem:s2] =	stream.indirect.scatter.add.f32 [tilespmem:s8], [sflag:$0x1], $0x1, s10, s14, $0xb8;
	[tilespmem:$0x1B80] =	vst v63  }
0x39: {  	_ =	swait.ge [sflag:s11], $0x80  }
0x3a: {  	s10 =	rddreg [dreg:$0xa];
	[sflag:s11] =	ssyncset.done $0x0  }
0x3b: {  	s8 =	rddreg [dreg:$0xb];
	[sflag:s11] =	ssyncadd.s32 $0xFFFFFF80  }
0x3c: {  	[spmem:s2] =	stream.indirect.scatter.add.f32 [tilespmem:s8], [sflag:$0x1], $0x1, s10, s14, $0xb8;
	[tilespmem:$0x1B80] =	vst v63  }
0x3d: {  	_ =	swait.ge [sflag:s11], $0x80  }
0x3e: {  	[sflag:s11] =	ssyncset.done $0x0  }
0x3f: {  	s10 =	rddreg [dreg:$0xc];
	[sflag:s11] =	ssyncadd.s32 $0xFFFFFF80  }
0x40: {  	[spmem:s2] =	stream.indirect.scatter.add.f32 [tilespmem:s15], [sflag:$0x1], $0x1, s10, s14, $0xb8;
	[tilespmem:$0x1B80] =	vst v63  }
0x41: {  	_ =	swait.ge [sflag:s11], $0x80  }
0x42: {  	[sflag:s11] =	ssyncset.done $0x0  }
0x43: {  	[sflag:s11] =	ssyncadd.s32 $0xFFFFFF80  }
0x44: {  	[spmem:s2] =	stream.indirect.scatter.add.f32 [tilespmem:s17], [sflag:$0x1], $0x1, s16, s14, $0xb8;
	[tilespmem:$0x1B80] =	vst v63  }
0x45: {  	_ =	swait.ge [sflag:s11], $0x80  }
0x46: {  	[sflag:s11] =	ssyncset.done $0x0  }
0x47: {  	[sflag:s11] =	ssyncadd.s32 $0xFFFFFF80  }
0x48: {  	[spmem:s2] =	stream.indirect.scatter.add.f32 [tilespmem:s19], [sflag:$0x1], $0x1, s18, s14, $0xb8;
	[tilespmem:$0x1B80] =	vst v63  }
0x49: {  	_ =	swait.ge [sflag:s11], $0x80  }
0x4a: {  	[sflag:s11] =	ssyncset.done $0x0  }
0x4b: {  	[sflag:s11] =	ssyncadd.s32 $0xFFFFFF80  }
0x4c: {  	[spmem:s2] =	stream.indirect.scatter.add.f32 [tilespmem:s21], [sflag:$0x1], $0x1, s20, s14, $0xb8;
	[tilespmem:$0x1B80] =	vst v63  }
0x4d: {  	_ =	swait.ge [sflag:s11], $0x80  }
0x4e: {  	[sflag:s11] =	ssyncset.done $0x0  }
0x4f: {  	[sflag:s11] =	ssyncadd.s32 $0xFFFFFF80  }
0x50: {  	[spmem:s2] =	stream.indirect.scatter.add.f32 [tilespmem:s23], [sflag:$0x1], $0x1, s22, s14, $0xb8;
	[tilespmem:$0x1B80] =	vst v63  }
0x51: {  	_ =	swait.ge [sflag:s11], $0x80  }
0x52: {  	[sflag:s11] =	ssyncset.done $0x0  }
0x53: {  	[sflag:s11] =	ssyncadd.s32 $0xFFFFFF80  }
0x54: {  	[spmem:s2] =	stream.indirect.scatter.add.f32 [tilespmem:s25], [sflag:$0x1], $0x1, s24, s14, $0xb8;
	[tilespmem:$0x1B80] =	vst v63  }
0x55: {  	_ =	swait.ge [sflag:s11], $0x80  }
0x56: {  	[sflag:s11] =	ssyncset.done $0x0  }
0x57: {  	[sflag:s11] =	ssyncadd.s32 $0xFFFFFF80  }
0x58: {  	[spmem:s2] =	stream.indirect.scatter.add.f32 [tilespmem:s28], [sflag:$0x1], $0x1, s26, s14, $0xb8;
	[tilespmem:$0x1B80] =	vst v63  }
0x59: {  	_ =	swait.ge [sflag:s11], $0x80  }
0x5a: {  	[sflag:s11] =	ssyncset.done $0x0  }
0x5b: {  	[sflag:s11] =	ssyncadd.s32 $0xFFFFFF80  }
0x5c: {  	[spmem:s2] =	stream.indirect.scatter.add.f32 [tilespmem:s30], [sflag:$0x1], $0x1, s29, s14, $0xb8;
	[tilespmem:$0x1B80] =	vst v63  }
0x5d: {  	_ =	swait.ge [sflag:s11], $0x80  }
0x5e: {  	[sflag:s11] =	ssyncset.done $0x0  }
0x5f: {  	[sflag:s11] =	ssyncadd.s32 $0xFFFFFF80  }
0x60: {  	[spmem:s2] =	stream.indirect.scatter.add.f32 [tilespmem:s1], [sflag:$0x1], $0x1, s31, s14, $0xb8;
	[tilespmem:$0x1B80] =	vst v63  }
0x61: {  	_ =	swait.ge [sflag:s11], $0x80  }
0x62: {  	[sflag:s11] =	ssyncset.done $0x0  }
0x63: {  	[sflag:s11] =	ssyncadd.s32 $0xFFFFFF80  }
0x64: {  	[spmem:s2] =	stream.indirect.scatter.add.f32 [tilespmem:s4], [sflag:$0x1], $0x1, s0, s14, $0xb8;
	[tilespmem:$0x1B80] =	vst v63  }
0x65: {  	_ =	swait.ge [sflag:s11], $0x80  }
0x66: {  	[sflag:s11] =	ssyncset.done $0x0  }
0x67: {  	s9 =	simm.s32 $0xF0;
	[sflag:s11] =	ssyncadd.s32 $0xFFFFFF80  }
.LBB2_2:
0x68: {  	[spmem:s2] =	stream.indirect.scatter.add.f32 [tilespmem:s7], [sflag:$0x1], $0x1, s6, s14, $0xb8;
	[tilespmem:$0x1B80] =	vst v63  }
0x69: {  	_ =	swait.ge [sflag:s11], $0x80  }
0x6a: {  	s5 =	smov.u32 s9;
	s10 =	rddreg [dreg:$0x4];
	[sflag:s11] =	ssyncset.done $0x0  }
0x6b: {  	[sflag:s11] =	ssyncadd.s32 $0xFFFFFF80;
	s10 =	sadd.s32 s5, s10  }
0x6c: {  	[tilespmem:s12], [sflag:$0x1] =	stream.linear.gather [hbm4b:s10+s3], $0x780, $0x38;
	[tilespmem:$0x1B80] =	vst v63  }
0x6d: {  	_ =	swait.ge [sflag:s11], $0x780  }
0x6e: {  	s8 =	rddreg [dreg:$0x5];
	[sflag:s11] =	ssyncset.done $0x0  }
0x6f: {  	[sflag:s11] =	ssyncadd.s32 $0xFFFFF880;
	s5 =	sadd.s32 s5, s8  }
0x70: {  	[tilespmem:s13], [sflag:$0x1] =	stream.linear.gather [hbm4b:s5+s3], $0x780, $0x38;
	[tilespmem:$0x1B80] =	vst v63  }
0x71: {  	_ =	swait.ge [sflag:s11], $0x780  }
0x72: {  	[sflag:s11] =	ssyncset.done $0x0  }
0x73: {  	[sflag:s11] =	ssyncadd.s32 $0xFFFFF880  }
0x74: {  	[spmem:s2] =	stream.indirect.scatter.add.f32 [tilespmem:s13], [sflag:$0x1], $0x1, s12, s14, $0xb8;
	[tilespmem:$0x1B80] =	vst v63  }
0x75: {  	_ =	swait.ge [sflag:s11], $0x80  }
0x76: {  	s10 =	rddreg [dreg:$0x6];
	[sflag:s11] =	ssyncset.done $0x0  }
0x77: {  	s8 =	rddreg [dreg:$0x7];
	[sflag:s11] =	ssyncadd.s32 $0xFFFFFF80  }
0x78: {  	[spmem:s2] =	stream.indirect.scatter.add.f32 [tilespmem:s8], [sflag:$0x1], $0x1, s10, s14, $0xb8;
	[tilespmem:$0x1B80] =	vst v63  }
0x79: {  	_ =	swait.ge [sflag:s11], $0x80  }
0x7a: {  	[sflag:s11] =	ssyncset.done $0x0;
	s10 =	rddreg [dreg:$0x8]  }
0x7b: {  	s8 =	rddreg [dreg:$0x9];
	[sflag:s11] =	ssyncadd.s32 $0xFFFFFF80  }
0x7c: {  	[spmem:s2] =	stream.indirect.scatter.add.f32 [tilespmem:s8], [sflag:$0x1], $0x1, s10, s14, $0xb8;
	[tilespmem:$0x1B80] =	vst v63  }
0x7d: {  	_ =	swait.ge [sflag:s11], $0x80  }
0x7e: {  	[sflag:s11] =	ssyncset.done $0x0;
	s10 =	rddreg [dreg:$0xa]  }
0x7f: {  	s8 =	rddreg [dreg:$0xb];
	[sflag:s11] =	ssyncadd.s32 $0xFFFFFF80  }
0x80: {  	[spmem:s2] =	stream.indirect.scatter.add.f32 [tilespmem:s8], [sflag:$0x1], $0x1, s10, s14, $0xb8;
	[tilespmem:$0x1B80] =	vst v63  }
0x81: {  	_ =	swait.ge [sflag:s11], $0x80  }
0x82: {  	[sflag:s11] =	ssyncset.done $0x0  }
0x83: {  	s10 =	rddreg [dreg:$0xc];
	[sflag:s11] =	ssyncadd.s32 $0xFFFFFF80  }
0x84: {  	[spmem:s2] =	stream.indirect.scatter.add.f32 [tilespmem:s15], [sflag:$0x1], $0x1, s10, s14, $0xb8;
	[tilespmem:$0x1B80] =	vst v63  }
0x85: {  	_ =	swait.ge [sflag:s11], $0x80  }
0x86: {  	[sflag:s11] =	ssyncset.done $0x0  }
0x87: {  	[sflag:s11] =	ssyncadd.s32 $0xFFFFFF80  }
0x88: {  	[spmem:s2] =	stream.indirect.scatter.add.f32 [tilespmem:s17], [sflag:$0x1], $0x1, s16, s14, $0xb8;
	[tilespmem:$0x1B80] =	vst v63  }
0x89: {  	_ =	swait.ge [sflag:s11], $0x80  }
0x8a: {  	[sflag:s11] =	ssyncset.done $0x0  }
0x8b: {  	[sflag:s11] =	ssyncadd.s32 $0xFFFFFF80  }
0x8c: {  	[spmem:s2] =	stream.indirect.scatter.add.f32 [tilespmem:s19], [sflag:$0x1], $0x1, s18, s14, $0xb8;
	[tilespmem:$0x1B80] =	vst v63  }
0x8d: {  	_ =	swait.ge [sflag:s11], $0x80  }
0x8e: {  	[sflag:s11] =	ssyncset.done $0x0  }
0x8f: {  	[sflag:s11] =	ssyncadd.s32 $0xFFFFFF80  }
0x90: {  	[spmem:s2] =	stream.indirect.scatter.add.f32 [tilespmem:s21], [sflag:$0x1], $0x1, s20, s14, $0xb8;
	[tilespmem:$0x1B80] =	vst v63  }
0x91: {  	_ =	swait.ge [sflag:s11], $0x80  }
0x92: {  	[sflag:s11] =	ssyncset.done $0x0  }
0x93: {  	[sflag:s11] =	ssyncadd.s32 $0xFFFFFF80  }
0x94: {  	[spmem:s2] =	stream.indirect.scatter.add.f32 [tilespmem:s23], [sflag:$0x1], $0x1, s22, s14, $0xb8;
	[tilespmem:$0x1B80] =	vst v63  }
0x95: {  	_ =	swait.ge [sflag:s11], $0x80  }
0x96: {  	[sflag:s11] =	ssyncset.done $0x0  }
0x97: {  	[sflag:s11] =	ssyncadd.s32 $0xFFFFFF80  }
0x98: {  	[spmem:s2] =	stream.indirect.scatter.add.f32 [tilespmem:s25], [sflag:$0x1], $0x1, s24, s14, $0xb8;
	[tilespmem:$0x1B80] =	vst v63  }
0x99: {  	_ =	swait.ge [sflag:s11], $0x80  }
0x9a: {  	[sflag:s11] =	ssyncset.done $0x0  }
0x9b: {  	[sflag:s11] =	ssyncadd.s32 $0xFFFFFF80  }
0x9c: {  	[spmem:s2] =	stream.indirect.scatter.add.f32 [tilespmem:s28], [sflag:$0x1], $0x1, s26, s14, $0xb8;
	[tilespmem:$0x1B80] =	vst v63  }
0x9d: {  	_ =	swait.ge [sflag:s11], $0x80  }
0x9e: {  	[sflag:s11] =	ssyncset.done $0x0  }
0x9f: {  	[sflag:s11] =	ssyncadd.s32 $0xFFFFFF80  }
0xa0: {  	[spmem:s2] =	stream.indirect.scatter.add.f32 [tilespmem:s30], [sflag:$0x1], $0x1, s29, s14, $0xb8;
	[tilespmem:$0x1B80] =	vst v63  }
0xa1: {  	_ =	swait.ge [sflag:s11], $0x80  }
0xa2: {  	[sflag:s11] =	ssyncset.done $0x0  }
0xa3: {  	[sflag:s11] =	ssyncadd.s32 $0xFFFFFF80  }
0xa4: {  	[spmem:s2] =	stream.indirect.scatter.add.f32 [tilespmem:s1], [sflag:$0x1], $0x1, s31, s14, $0xb8;
	[tilespmem:$0x1B80] =	vst v63  }
0xa5: {  	_ =	swait.ge [sflag:s11], $0x80  }
0xa6: {  	p1 =	sne.s32 s9, $0x1770;
	[sflag:s11] =	ssyncset.done $0x0  }
.Ltmp0:
0xa7: {  	[sflag:s11] =	ssyncadd.s32 $0xFFFFFF80;
	(pc) =	sbr.rel @p1 .LBB2_2-.Ltmp0, $4  }
0xa8: {  	[spmem:s2] =	stream.indirect.scatter.add.f32 [tilespmem:s4], [sflag:$0x1], $0x1, s0, s14, $0xb8;
	[tilespmem:$0x1B80] =	vst v63  }
0xa9: {  	_ =	swait.ge [sflag:s11], $0x80  }
0xaa: {  	[sflag:s11] =	ssyncset.done $0x0  }
0xab: {  	s9 =	sadd.s32 $0xF0, s9;
	[sflag:s11] =	ssyncadd.s32 $0xFFFFFF80  }
0xac: {  	[spmem:s2] =	stream.indirect.scatter.add.f32 [tilespmem:s7], [sflag:$0x1], $0x1, s6, s14, $0xb8;
	[tilespmem:$0x1B80] =	vst v63  }
0xad: {  	_ =	swait.ge [sflag:s11], $0x80  }
0xae: {  	s5 =	simm.s32 @!p0 $0x0;
	s9 =	simm.s32 @!p0 $0xC80;
	[sflag:s11] =	ssyncset.done $0x0  }
0xaf: {  	s10 =	simm.s32 @!p0 $0x1;
	s8 =	rddreg [dreg:$0xf];
	[sflag:s11] =	ssyncadd.s32 $0xFFFFFF80  }
0xb0: {  	[tilespmem:s9], [sflag:$0x1] =	stream.linear.gather @!p0 [hbm4b:s8+s5], $0x80, $0x38;
	[tilespmem:$0x1B80] =	vst v63  }
0xb1: {  	_ =	swait.ge @!p0 [sflag:s10], $0x80  }
0xb2: {  	[sflag:s10] =	ssyncset.done @!p0 $0x0  }
0xb3: {  	s8 =	simm.s32 @!p0 $0x1400;
	s9 =	rddreg [dreg:$0x10];
	[sflag:s10] =	ssyncadd.s32 @!p0 $0xFFFFFF80  }
0xb4: {  	[tilespmem:s8], [sflag:$0x1] =	stream.linear.gather @!p0 [hbm4b:s9+s5], $0x80, $0x38;
	[tilespmem:$0x1B80] =	vst v63  }
0xb5: {  	_ =	swait.ge @!p0 [sflag:s10], $0x80  }
0xb6: {  	[sflag:s10] =	ssyncset.done @!p0 $0x0  }
0xb7: {  	s5 =	simm.s32 @!p0 $0x80;
	s9 =	simm.s32 @!p0 $0xC80;
	[sflag:s10] =	ssyncadd.s32 @!p0 $0xFFFFFF80  }
0xb8: {  	[spmem:s2] =	stream.indirect.scatter.add.f32 @!p0 [tilespmem:s8], [sflag:$0x1], $0x1, s9, s5, $0xb8;
	[tilespmem:$0x1B80] =	vst v63  }
0xb9: {  	_ =	swait.ge @!p0 [sflag:s10], $0x80  }
0xba: {  	[sflag:s10] =	ssyncset.done @!p0 $0x0  }
0xbb: {  	[sflag:s10] =	ssyncadd.s32 @!p0 $0xFFFFFF80  }
0xbc: {  	[bflag:$0x0] =	sbarrier.arrive $0xFFFF  }
0xbd: {  	s8 =	rddreg [dreg:$0xe]  }
0xbe: {  	s10 =	rddreg [dreg:$0x11]  }
0xbf: {  	s9 =	rddreg [dreg:$0x13]  }
0xc0: {  	[hbm:s10], [sflag:s8] =	dma.local [spmem:s9], $0x190  }
0xc1: {  	_ =	swait.ge [sflag:s11], $0x190  }
0xc2: {  	s5 =	rddreg [dreg:$0x14]  }
0xc3: {  	s10 =	sadd.s32 $0x1, s5;
	s5 =	rddreg [dreg:$0x12]  }
0xc4: {  	p1 =	sne.s32 s10, s5  }
.Ltmp1:
0xc5: {  	_ = 	snop;
	(pc) =	sbr.rel @p1 .LBB2_1-.Ltmp1, $3  }
0xc6: {  	_ =	sdelay $0x1  }
0xc7: {  	[sflag:s11] =	ssyncset.done $0x0  }
0xc8: {  	[sflag:s11] =	ssyncadd.s32 $0xFFFFFE70  }
0xc9: {  	_ =	sfence.sel $0x180000  }
0xca: {  	[bflag:$0x0] =	sbarrier.arrive $0xFFFF  }
0xcb: {  	_ =	strace $0x90000047  }
0xcc: {  	s0 =	stileid.u32;
	[bflag:$0x2] =	sbarrier.arrive $0xFFFF  }
0xcd: {  	p0 =	sne.s32 s0, $0x0;
	s0 =	rddreg [dreg:$0x3]  }
0xce: {  	s0 =	sadd.s32 @!p0 $0x100000, s0  }
0xcf: {  	[sflag:s0] =	ssyncadd.tile.s32 @!p0 $0x1;
	_ =	shalt  }
.Lfunc_end2:
_tile_overlayer_lowered:
.L_overlay_start_2:
0xd0: {  	(tag) =	ssettag $0x2  }
0xd1: {  	s0 =	rddreg [dreg:$0x0];
	s2 =	stileid.u32  }
0xd2: {  	s1 =	rddreg [dreg:$0x1];
	p0 =	sne.s32 s2, $0x0  }
0xd3: {  	s3 =	rddreg [dreg:$0x2];
	[bflag:$0x3] =	sbarrier.arrive $0xFFFF;
	s2 =	simm.s32 @!p0 $0x1C01  }
0xd4: {  	[timem:s3], [sflag:s2] =	dma.local @!p0 [hbm:s0], s1  }
0xd5: {  	s0 =	simm.s32 @!p0 $0x1  }
0xd6: {  	_ =	swait.ge @!p0 [sflag:s0], s1  }
0xd7: {  	s1 =	ssub.s32 @!p0 $0x0, s1;
	[sflag:s0] =	ssyncset.done @!p0 $0x0  }
0xd8: {  	[sflag:s0] =	ssyncadd.s32 @!p0 s1  }
0xd9: {  	[bflag:$0x3] =	sbarrier.arrive $0xFFFF  }
0xda: {  	_ =	shalt  }

// kernel: kernel.9.cloned.1.call-start
scs
__scs_entry_jumppad:
0x0: {  	(pc) =	sbr.rel $0x88, $3  }
0x1: {  	(tag) =	ssettag $0x0;
	lr =	simm.s32 $0x1  }
0x2: {  	[smem:$0x3F93] =	sst lr;
	_ =	strace $0xD0000000  }
0x3: {  	_ = 	snop  }
0x4: {  	_ = 	snop  }
0x5: {  	_ = 	snop  }
0x6: {  	_ = 	snop  }
0x7: {  	_ = 	snop  }
__scs_overlays_trampoline_lowered:
0x8: {  	[smem:$0x3FA2] =	sst s0  }
0x9: {  	[smem:$0x3FA3] =	sst s1  }
0xa: {  	[smem:$0x3FA4] =	sst s2  }
0xb: {  	[smem:$0x3FA5] =	sst s3  }
0xc: {  	[smem:$0x3FA6] =	sst s4  }
0xd: {  	[smem:$0x3FA7] =	sst s5  }
0xe: {  	[smem:$0x3FA8] =	sst s6  }
0xf: {  	[smem:$0x3FA9] =	sst s7  }
0x10: {  	[smem:$0x3FAA] =	sst s8  }
0x11: {  	[smem:$0x3FAB] =	sst s9;
	s0 =	simm.s32 @!p0 $0x0  }
0x12: {  	s1 =	sld [smem:$0x3F91];
	s0 =	simm.s32 @p0 $0x1  }
0x13: {  	[smem:$0x3FAC] =	sst s0;
	s0 =	simm.s32 @!p1 $0x0  }
0x14: {  	s2 =	sld [smem:$0x3F90];
	s0 =	simm.s32 @p1 $0x1  }
0x15: {  	[smem:$0x3FAD] =	sst s0;
	s0 =	simm.s32 @!p2 $0x0  }
0x16: {  	s3 =	sld [smem:$0x3FDB];
	s0 =	simm.s32 @p2 $0x1  }
0x17: {  	s4 =	simm.s32 $0x1BF5;
	[smem:$0x3FAF] =	sst s0  }
0x18: {  	s0 =	sld [smem:$0x3F92];
	_ =	swait.ge [sflag:s4], $0x0  }
0x19: {  	s7 =	sld [smem:$0x3F93]  }
0x1a: {  	s8 =	sadd.s32 $0xFFFFE003, lr  }
0x1b: {  	s9 =	sadd.s32 $0xFFFFFEF7, lr;
	s5 =	simm.s32 $0xFFFFFFFF;
	p2 =	slt.u32 s8, $0xFFFFF086  }
0x1c: {  	p1 =	slt.u32 s9, $0xF7A;
	s5 =	simm.s32 @!p2 $0x0  }
0x1d: {  	s5 =	simm.s32 @p1 $0x1;
	p0 =	seq.s32 s7, s2  }
0x1e: {  	s7 =	smul.u32 @!p0 $0xF7A, s2;
	p2 =	seq.s32 @!p0 s5, $0x0  }
0x1f: {  	s9 =	smul.u32 $0xF7A, s1;
	s8 =	simm.s32 @!p0 $0x1BF5;
	p2 =	por !p2, p0  }
0x20: {  	[sflag:s8] =	ssyncset.s32 @!p0 $0xFFFFF086;
	s6 =	sadd.s32 @!p0 s3, s7;
	s7 =	simm.s32 @!p0 $0x108  }
0x21: {  	s3 =	sadd.s32 s3, s9;
	s6 =	sadd.s32 @!p0 $0x88, s6;
	s7 =	simm.s32 @p2 $0x1082  }
0x22: {  	[simem:s7], [sflag:s8] =	dma.local @!p0 [hbm:s6], $0xF7A  }
0x23: {  	s9 =	sor.u32 $0xD0000000, s2;
	s6 =	simm.s32 $0x108;
	_ =	swait.ge @!p0 [sflag:s8], $0x0  }
0x24: {  	s3 =	sadd.s32 $0x88, s3;
	s6 =	simm.s32 @!p1 $0x1082;
	[sflag:s4] =	ssyncset.s32 $0xFFFFF086  }
0x25: {  	[simem:s6], [sflag:s4] =	dma.local [hbm:s3], $0xF7A  }
0x26: {  	[smem:$0x3F93] =	sst s1;
	(tag) =	ssettag s2;
	_ =	strace s9  }
0x27: {  	s1 =	sld [smem:$0x3FA3]  }
0x28: {  	s2 =	sld [smem:$0x3FA4]  }
0x29: {  	s4 =	sld [smem:$0x3FA6]  }
0x2a: {  	p0 =	seq.s32 s5, $0x0;
	s5 =	sld [smem:$0x3FA7]  }
0x2b: {  	s6 =	sld [smem:$0x3FA8]  }
0x2c: {  	s7 =	sld [smem:$0x3FA9]  }
0x2d: {  	s3 =	simm.s32 $0x108;
	s8 =	sld [smem:$0x3FAA]  }
0x2e: {  	s3 =	simm.s32 @!p0 $0x1082;
	s9 =	sld [smem:$0x3FAB]  }
0x2f: {  	lr =	sadd.s32 s0, s3;
	s0 =	sld [smem:$0x3FA2]  }
0x30: {  	s3 =	sld [smem:$0x3FA5]  }
0x31: {  	[smem:$0x3FAE] =	sst s10  }
0x32: {  	s10 =	sld [smem:$0x3FAC];
	_ =	sdelay $0x3  }
0x33: {  	p0 =	seq.s32 s10, $0x1;
	s10 =	sld [smem:$0x3FAE];
	_ =	sdelay $0x3  }
0x34: {  	[smem:$0x3FAE] =	sst s10  }
0x35: {  	s10 =	sld [smem:$0x3FAD];
	_ =	sdelay $0x3  }
0x36: {  	p1 =	seq.s32 s10, $0x1;
	s10 =	sld [smem:$0x3FAE];
	_ =	sdelay $0x3  }
0x37: {  	[smem:$0x3FAE] =	sst s10  }
0x38: {  	s10 =	sld [smem:$0x3FAF]  }
0x39: {  	_ = 	snop;
	(pc) =	sbr.ind lr, $3  }
0x3a: {  	_ = 	snop  }
0x3b: {  	_ = 	snop  }
0x3c: {  	p2 =	seq.s32 s10, $0x1;
	s10 =	sld [smem:$0x3FAE]  }
0x3d: {  	_ =	shalt  }
0x3e: {  	_ =	shalt  }
0x3f: {  	_ =	shalt  }
0x40: {  	_ =	shalt  }
0x41: {  	_ =	shalt  }
0x42: {  	_ =	shalt  }
0x43: {  	_ =	shalt  }
0x44: {  	_ =	shalt  }
0x45: {  	_ =	shalt  }
0x46: {  	_ =	shalt  }
0x47: {  	_ =	shalt  }
0x48: {  	_ =	shalt  }
0x49: {  	_ =	shalt  }
0x4a: {  	_ =	shalt  }
0x4b: {  	_ =	shalt  }
0x4c: {  	_ =	shalt  }
0x4d: {  	_ =	shalt  }
0x4e: {  	_ =	shalt  }
0x4f: {  	_ =	shalt  }
0x50: {  	_ =	shalt  }
0x51: {  	_ =	shalt  }
0x52: {  	_ =	shalt  }
0x53: {  	_ =	shalt  }
0x54: {  	_ =	shalt  }
0x55: {  	_ =	shalt  }
0x56: {  	_ =	shalt  }
0x57: {  	_ =	shalt  }
0x58: {  	_ =	shalt  }
0x59: {  	_ =	shalt  }
0x5a: {  	_ =	shalt  }
0x5b: {  	_ =	shalt  }
0x5c: {  	_ =	shalt  }
0x5d: {  	_ =	shalt  }
0x5e: {  	_ =	shalt  }
0x5f: {  	_ =	shalt  }
0x60: {  	_ =	shalt  }
0x61: {  	_ =	shalt  }
0x62: {  	_ =	shalt  }
0x63: {  	_ =	shalt  }
0x64: {  	_ =	shalt  }
0x65: {  	_ =	shalt  }
0x66: {  	_ =	shalt  }
0x67: {  	_ =	shalt  }
0x68: {  	_ =	shalt  }
0x69: {  	_ =	shalt  }
0x6a: {  	_ =	shalt  }
0x6b: {  	_ =	shalt  }
0x6c: {  	_ =	shalt  }
0x6d: {  	_ =	shalt  }
0x6e: {  	_ =	shalt  }
0x6f: {  	_ =	shalt  }
0x70: {  	_ =	shalt  }
0x71: {  	_ =	shalt  }
0x72: {  	_ =	shalt  }
0x73: {  	_ =	shalt  }
0x74: {  	_ =	shalt  }
0x75: {  	_ =	shalt  }
0x76: {  	_ =	shalt  }
0x77: {  	_ =	shalt  }
0x78: {  	_ =	shalt  }
0x79: {  	_ =	shalt  }
0x7a: {  	_ =	shalt  }
0x7b: {  	_ =	shalt  }
0x7c: {  	_ =	shalt  }
0x7d: {  	_ =	shalt  }
0x7e: {  	_ =	shalt  }
0x7f: {  	_ =	shalt  }
0x80: {  	_ =	shalt  }
0x81: {  	_ =	shalt  }
0x82: {  	_ =	shalt  }
0x83: {  	_ =	shalt  }
0x84: {  	_ =	shalt  }
0x85: {  	_ =	shalt  }
0x86: {  	_ =	shalt  }
0x87: {  	_ =	shalt  }
.Lfunc_end0:
.L_simem_size_0:
called_computation.1_lowered:
.L_overlay_start_0:
0x88: {  	s2 =	sld [smem:$0x3FD9]  }
0x89: {  	s3 =	sld [smem:$0x3FFE];
	_ =	sdelay $0x1  }
0x8a: {  	s1 =	srdreg.scid  }
0x8b: {  	s0 =	sand.u32 $0x1, s1  }
0x8c: {  	s17 =	sshll.u32 s0, $0xA;
	s2 =	sadd.s32 s3, s2  }
0x8d: {  	s2 =	sadd.s32 s2, s17  }
0x8e: {  	[smem:$0x3FBA] =	sst s2  }
0x8f: {  	_ = 	snop  }
0x90: {  	s2 =	sld [smem:$0x3FC7];
	(tm) =	ssettm $0x1  }
0x91: {  	s18 =	sld [smem:$0x3FFB];
	_ =	sdelay $0x3  }
0x92: {  	_ =	strace s18  }
0x93: {  	s3 =	sld [smem:$0x3FFC];
	_ =	sdelay $0x3  }
0x94: {  	_ =	strace s3  }
0x95: {  	s3 =	sld [smem:$0x3FFD];
	_ =	sdelay $0x3  }
0x96: {  	_ =	strace s3  }
0x97: {  	_ =	strace $0x8FFFFFFF  }
0x98: {  	s19 =	sld [smem:$0x3FDB];
	_ =	sdelay $0x1  }
0x99: {  	s4 =	simm.s32 $_scs_section_size  }
0x9a: {  	s5 =	simm.s32 $_size__tile_overlayer_lowered;
	s6 =	simm.s32 $_tile_overlayer_lowered  }
0x9b: {  	s22 =	simm.s32 $0x1BFF;
	s21 =	sshll.u32 s6, $0x1;
	s3 =	sadd.s32 s4, s19  }
0x9c: {  	s7 =	simm.s32 $0x0;
	s20 =	sshll.u32 s5, $0x1;
	s5 =	sadd.s32 s21, s3  }
0x9d: {  	[timem:s7], [sflag:s22] =	dma.local [hbm:s5], s20  }
0x9e: {  	_ =	swait.ge [sflag:s22], s20  }
0x9f: {  	s4 =	ssub.s32 $0x0, s20;
	[sflag:s22] =	ssyncset.done $0x0  }
0xa0: {  	[sflag:s22] =	ssyncadd.s32 s4;
	_ =	sdelay $0x1  }
0xa1: {  	s23 =	simm.s32 $0x1B8B  }
0xa2: {  	_ =	swait.ge [sflag:s23], $0x1  }
0xa3: {  	[sflag:s23] =	ssyncset.done $0x0  }
0xa4: {  	s25 =	simm.s32 $0x1B8E;
	s24 =	sld [smem:$0x3FFE];
	[sflag:s23] =	ssyncadd.s32 $0xFFFFFFFF  }
0xa5: {  	s26 =	simm.s32 $execute0_lowered;
	[smem:$0x3FD2] =	sst s25  }
0xa6: {  	s5 =	sshll.u32 s26, $0x1;
	_ =	strace $0x80000049;
	[dreg:$0x1] =	wrdreg $0xFFFFFFFF  }
0xa7: {  	s28 =	simm.s32 $_size_execute0_lowered;
	s3 =	sadd.s32 s3, s5;
	[dreg:$0x0] =	wrdreg $0x0  }
0xa8: {  	s5 =	sshll.u32 s28, $0x1;
	[dreg:$0x2] =	wrdreg s3  }
0xa9: {  	[dreg:$0x3] =	wrdreg s5  }
0xaa: {  	[dreg:$0x4] =	wrdreg $0xC0  }
0xab: {  	_ =	task [dreg:s7], $0x5FFFF  }
0xac: {  	[dreg:$0x1] =	wrdreg $0xFFFFFFFF  }
0xad: {  	[dreg:$0x0] =	wrdreg $0x60  }
0xae: {  	[dreg:$0x2] =	wrdreg s24  }
0xaf: {  	[dreg:$0x3] =	wrdreg s2  }
0xb0: {  	[dreg:$0x4] =	wrdreg $0x0  }
0xb1: {  	[dreg:$0x5] =	wrdreg $0x9  }
0xb2: {  	_ =	task.clear_ibuf [dreg:s7], $0x6FFFF;
	_ =	strace $0x90000049  }
0xb3: {  	s29 =	simm.s32 $0x9;
	_ =	strace $0x8000004B  }
0xb4: {  	_ =	swait.ge [sflag:s29], $0x1  }
0xb5: {  	[sflag:s29] =	ssyncadd.s32 $0xFFFFFFFF  }
0xb6: {  	_ =	strace $0x9000004B  }
0xb7: {  	_ =	sfence  }
0xb8: {  	s30 =	sld [smem:$0x0];
	_ =	sdelay $0x2  }
0xb9: {  	s31 =	sshll.u32 s1, $0xD;
	s1 =	sshrl.u32 s1, $0x2  }
0xba: {  	s3 =	sand.u32 $0x4000, s31;
	s1 =	sadd.s32 s1, s30  }
0xbb: {  	s0 =	sor.u32 s3, s0;
	s1 =	sshll.u32 s1, $0x11  }
0xbc: {  	s0 =	sor.u32 s1, s0  }
0xbd: {  	s0 =	sadd.s32 $0x8F2B, s0  }
0xbe: {  	[sflag:s0] =	ssyncadd.remote.s32 $0x1  }
0xbf: {  	_ =	sfence.sel $0xFFFF  }
0xc0: {  	[dreg:$0x0] =	wrdreg $0xFFFFFFFF;
	(pc) =	sbr.abs _section_cstart, $3  }
0xc1: {  	[dreg:$0x1] =	wrdreg $0xFFFFFFFF  }
0xc2: {  	_ =	task.clear_ibuf [dreg:s7], $0x2FFFF;
	_ =	strace $0x9FFFFFFF  }
0xc3: {  	(tm) =	ssettm $0x7FFFFFFF  }
tec
execute0_lowered:
.L_overlay_start_1:
0x0: {  	(tag) =	ssettag $0x1  }
0x1: {  	s0 =	rddreg [dreg:$0x0]  }
0x2: {  	s13 =	rddreg [dreg:$0x1]  }
0x3: {  	s3 =	rddreg [dreg:$0x2]  }
0x4: {  	s25 =	simm.s32 $0x0;
	s12 =	stileid.u32;
	s1 =	srdreg.scid  }
0x5: {  	s17 =	simm.s32 $0x2;
	s30 =	simm.s32 $0x6F80;
	s31 =	simm.s32 $0xD680  }
0x6: {  	s14 =	simm.s32 $0xE280;
	s15 =	simm.s32 $0x7180;
	s16 =	simm.s32 $0x7200  }
0x7: {  	[smem:$0x7FF] =	sst s25;
	s2 =	smul.u32 $0x6400, s12;
	s1 =	sand.u32 $0x1, s1  }
0x8: {  	s5 =	sadd.s32 $0x35600, s0;
	s6 =	sadd.s32 $0x4800, s0;
	s7 =	sadd.s32 $0x131600, s0  }
0x9: {  	s11 =	sshll.u32 s12, $0x1;
	s19 =	sshll.u32 s12, $0x6;
	p0 =	sgt.u32 s12, $0x9  }
0xa: {  	s12 =	simm.s32 $0x7080;
	_ =	strace $0x8000004A;
	s4 =	smul.u32 $0x64000, s1  }
0xb: {  	s9 =	ssub.s32 $0x2, s1;
	s1 =	sor.u32 s1, s11;
	s26 =	sor.u32 $0x1C02, s19  }
0xc: {  	s19 =	simm.s32 $0x6B80;
	s11 =	simm.s32 $0xB680;
	s8 =	sshrl.u32 s2, $0x3  }
0xd: {  	s10 =	sshrl.u32 s9, $0x1;
	s20 =	sshll.u32 s1, $0x4;
	[dreg:$0x6] =	wrdreg s26  }
0xe: {  	s8 =	sadd.s32 s8, s0;
	s4 =	sadd.s32 s2, s4;
	s18 =	ssub.s32 s9, s10  }
0xf: {  	s2 =	sadd.s32 s2, s3;
	s21 =	sor.u32 $0x30C00, s20;
	s10 =	smul.u32 $0x186, s1  }
0x10: {  	s20 =	simm.s32 $0x7300;
	s1 =	simm.s32 $0xDA80;
	s9 =	simm.s32 $0xE680  }
0x11: {  	s4 =	sshrl.u32 s4, $0x3;
	s8 =	sadd.s32 $0x13DE00, s8;
	s22 =	sadd.s32 s5, s21  }
0x12: {  	s23 =	sadd.s32 s6, s21;
	s24 =	sadd.s32 s13, s21;
	[dreg:$0x5] =	wrdreg s8  }
0x13: {  	s28 =	smax.u32 s18, $0x1;
	s29 =	sshrl.u32 s2, $0x3;
	[dreg:$0x7] =	wrdreg s22  }
0x14: {  	s18 =	simm.s32 $0x6400;
	s21 =	simm.s32 $0x80;
	[dreg:$0x8] =	wrdreg s23  }
.Ltmp0:
0x15: {  	s13 =	simm.s32 $0xDE80;
	[dreg:$0x9] =	wrdreg s24;
	(pc) =	sbr.rel .LBB2_1-.Ltmp0, $4  }
0x16: {  	s2 =	simm.s32 $0x7280;
	s0 =	sadd.s32 s4, s0;
	[dreg:$0xb] =	wrdreg s28  }
0x17: {  	s22 =	simm.s32 $0x7A80;
	s23 =	simm.s32 $0x1;
	s8 =	simm.s32 $0x7100  }
0x18: {  	v0 =	vlaneseq.u32;
	s4 =	simm.s32 $0xEA80;
	[dreg:$0xc] =	wrdreg s29;
	s0 =	sadd.s32 $0x14A600, s0  }
0x19: {  	v1 =	vor.u32 $0xFFFFFFF8, v0;
	s24 =	simm.s32 $0xEE80;
	[dreg:$0xa] =	wrdreg s0;
	s0 =	simm.s32 $0x7000  }
.LBB2_9:
0x1a: {  	[bflag:$0x0] =	sbarrier.arrive $0xFFFF  }
0x1b: {  	s28 =	rddreg [dreg:$0xa]  }
0x1c: {  	[hbm:s28], [sflag:s26] =	dma.local [spmem:s29], $0xC80  }
0x1d: {  	_ =	swait.ge [sflag:s17], $0xC80  }
0x1e: {  	s25 =	sadd.s32 $0x1, s25;
	s28 =	rddreg [dreg:$0xb]  }
0x1f: {  	p1 =	sne.s32 s25, s28  }
.Ltmp1:
0x20: {  	_ = 	snop;
	(pc) =	sbr.rel @!p1 .LBB2_10-.Ltmp1, $3  }
0x21: {  	_ =	sdelay $0x1  }
0x22: {  	[sflag:s17] =	ssyncset.done $0x0  }
0x23: {  	[sflag:s17] =	ssyncadd.s32 $0xFFFFF380  }
.LBB2_1:
0x24: {  	[dreg:$0x4] =	wrdreg s25  }
0x25: {  	s28 =	rddreg [dreg:$0x5]  }
0x26: {  	[spmem:s29], [sflag:s26] =	dma.local [hbm:s28], $0xC80  }
0x27: {  	_ =	swait.ge [sflag:s17], $0xC80  }
0x28: {  	[sflag:s17] =	ssyncset.done $0x0  }
0x29: {  	[sflag:s17] =	ssyncadd.s32 $0xFFFFF380  }
0x2a: {  	s25 =	simm.s32 $0x0;
	[bflag:$0x0] =	sbarrier.arrive $0xFFFF  }
.LBB2_2:
0x2b: {  	s26 =	smul.u32 $0xF, s25;
	_ =	sdelay $0x1  }
0x2c: {  	s26 =	sadd.s32 s10, s26  }
0x2d: {  	s28 =	sshll.u32 s26, $0x4  }
0x2e: {  	s26 =	simm.s32 $0x0;
	s29 =	sadd.s32 s5, s28  }
0x2f: {  	[tilespmem:s18], [sflag:$0x2] =	stream.linear.gather [hbm4b:s29+s26], $0x780, $0x38;
	[tilespmem:$0xF280] =	vst v63  }
0x30: {  	_ =	swait.ge [sflag:s17], $0x780  }
0x31: {  	[sflag:s17] =	ssyncset.done $0x0  }
0x32: {  	s29 =	sadd.s32 s6, s28;
	[sflag:s17] =	ssyncadd.s32 $0xFFFFF880  }
0x33: {  	[tilespmem:s19], [sflag:$0x2] =	stream.linear.gather [hbm4b:s29+s26], $0x780, $0x38;
	[tilespmem:$0xF280] =	vst v63  }
0x34: {  	_ =	swait.ge [sflag:s17], $0x780  }
0x35: {  	[sflag:s17] =	ssyncset.done $0x0  }
0x36: {  	[sflag:s17] =	ssyncadd.s32 $0xFFFFF880  }
0x37: {  	s29 =	rddreg [dreg:$0x1]  }
0x38: {  	s28 =	sadd.s32 s29, s28  }
0x39: {  	[tilespmem:s20], [sflag:$0x2] =	stream.linear.gather [hbm4b:s28+s26], $0x780, $0x38;
	[tilespmem:$0xF280] =	vst v63  }
0x3a: {  	_ =	swait.ge [sflag:s17], $0x780  }
0x3b: {  	[sflag:s17] =	ssyncset.done $0x0  }
0x3c: {  	[sflag:s17] =	ssyncadd.s32 $0xFFFFF880  }
0x3d: {  	[tilespmem:s22], [sflag:$0x1] =	stream.indirect.gather [hbm4b:s7+s21], $0x8, s18, s21, $0xb8;
	[tilespmem:$0xF280] =	vst v63  }
0x3e: {  	_ =	swait.ge [sflag:s23], $0x400  }
0x3f: {  	[sflag:s23] =	ssyncset.done $0x0  }
0x40: {  	s29 =	simm.s32 $0x7E80;
	s28 =	simm.s32 $0x6480;
	[sflag:s23] =	ssyncadd.s32 $0xFFFFFC00  }
0x41: {  	[tilespmem:s29], [sflag:$0x1] =	stream.indirect.gather [hbm4b:s7+s21], $0x8, s28, s21, $0xb8;
	[tilespmem:$0xF280] =	vst v63  }
0x42: {  	_ =	swait.ge [sflag:s23], $0x400  }
0x43: {  	[sflag:s23] =	ssyncset.done $0x0  }
0x44: {  	s28 =	simm.s32 $0x6500;
	s29 =	simm.s32 $0x8280;
	[sflag:s23] =	ssyncadd.s32 $0xFFFFFC00  }
0x45: {  	[tilespmem:s29], [sflag:$0x1] =	stream.indirect.gather [hbm4b:s7+s21], $0x8, s28, s21, $0xb8;
	[tilespmem:$0xF280] =	vst v63  }
0x46: {  	_ =	swait.ge [sflag:s23], $0x400  }
0x47: {  	[sflag:s23] =	ssyncset.done $0x0  }
0x48: {  	s28 =	simm.s32 $0x6580;
	s29 =	simm.s32 $0x8680;
	[sflag:s23] =	ssyncadd.s32 $0xFFFFFC00  }
0x49: {  	[tilespmem:s29], [sflag:$0x1] =	stream.indirect.gather [hbm4b:s7+s21], $0x8, s28, s21, $0xb8;
	[tilespmem:$0xF280] =	vst v63  }
0x4a: {  	_ =	swait.ge [sflag:s23], $0x400  }
0x4b: {  	[sflag:s23] =	ssyncset.done $0x0  }
0x4c: {  	s28 =	simm.s32 $0x6600;
	s29 =	simm.s32 $0x8A80;
	[sflag:s23] =	ssyncadd.s32 $0xFFFFFC00  }
0x4d: {  	[tilespmem:s29], [sflag:$0x1] =	stream.indirect.gather [hbm4b:s7+s21], $0x8, s28, s21, $0xb8;
	[tilespmem:$0xF280] =	vst v63  }
0x4e: {  	_ =	swait.ge [sflag:s23], $0x400  }
0x4f: {  	[sflag:s23] =	ssyncset.done $0x0  }
0x50: {  	s28 =	simm.s32 $0x6680;
	s29 =	simm.s32 $0x8E80;
	[sflag:s23] =	ssyncadd.s32 $0xFFFFFC00  }
0x51: {  	[tilespmem:s29], [sflag:$0x1] =	stream.indirect.gather [hbm4b:s7+s21], $0x8, s28, s21, $0xb8;
	[tilespmem:$0xF280] =	vst v63  }
0x52: {  	_ =	swait.ge [sflag:s23], $0x400  }
0x53: {  	[sflag:s23] =	ssyncset.done $0x0  }
0x54: {  	s28 =	simm.s32 $0x6700;
	s29 =	simm.s32 $0x9280;
	[sflag:s23] =	ssyncadd.s32 $0xFFFFFC00  }
0x55: {  	[tilespmem:s29], [sflag:$0x1] =	stream.indirect.gather [hbm4b:s7+s21], $0x8, s28, s21, $0xb8;
	[tilespmem:$0xF280] =	vst v63  }
0x56: {  	_ =	swait.ge [sflag:s23], $0x400  }
0x57: {  	[sflag:s23] =	ssyncset.done $0x0  }
0x58: {  	s28 =	simm.s32 $0x6780;
	s29 =	simm.s32 $0x9680;
	[sflag:s23] =	ssyncadd.s32 $0xFFFFFC00  }
0x59: {  	[tilespmem:s29], [sflag:$0x1] =	stream.indirect.gather [hbm4b:s7+s21], $0x8, s28, s21, $0xb8;
	[tilespmem:$0xF280] =	vst v63  }
0x5a: {  	_ =	swait.ge [sflag:s23], $0x400  }
0x5b: {  	[sflag:s23] =	ssyncset.done $0x0  }
0x5c: {  	s28 =	simm.s32 $0x6800;
	s29 =	simm.s32 $0x9A80;
	[sflag:s23] =	ssyncadd.s32 $0xFFFFFC00  }
0x5d: {  	[tilespmem:s29], [sflag:$0x1] =	stream.indirect.gather [hbm4b:s7+s21], $0x8, s28, s21, $0xb8;
	[tilespmem:$0xF280] =	vst v63  }
0x5e: {  	_ =	swait.ge [sflag:s23], $0x400  }
0x5f: {  	[sflag:s23] =	ssyncset.done $0x0  }
0x60: {  	s28 =	simm.s32 $0x6880;
	s29 =	simm.s32 $0x9E80;
	[sflag:s23] =	ssyncadd.s32 $0xFFFFFC00  }
0x61: {  	[tilespmem:s29], [sflag:$0x1] =	stream.indirect.gather [hbm4b:s7+s21], $0x8, s28, s21, $0xb8;
	[tilespmem:$0xF280] =	vst v63  }
0x62: {  	_ =	swait.ge [sflag:s23], $0x400  }
0x63: {  	[sflag:s23] =	ssyncset.done $0x0  }
0x64: {  	s28 =	simm.s32 $0x6900;
	s29 =	simm.s32 $0xA280;
	[sflag:s23] =	ssyncadd.s32 $0xFFFFFC00  }
0x65: {  	[tilespmem:s29], [sflag:$0x1] =	stream.indirect.gather [hbm4b:s7+s21], $0x8, s28, s21, $0xb8;
	[tilespmem:$0xF280] =	vst v63  }
0x66: {  	_ =	swait.ge [sflag:s23], $0x400  }
0x67: {  	[sflag:s23] =	ssyncset.done $0x0  }
0x68: {  	s28 =	simm.s32 $0x6980;
	s29 =	simm.s32 $0xA680;
	[sflag:s23] =	ssyncadd.s32 $0xFFFFFC00  }
0x69: {  	[tilespmem:s29], [sflag:$0x1] =	stream.indirect.gather [hbm4b:s7+s21], $0x8, s28, s21, $0xb8;
	[tilespmem:$0xF280] =	vst v63  }
0x6a: {  	_ =	swait.ge [sflag:s23], $0x400  }
0x6b: {  	[sflag:s23] =	ssyncset.done $0x0  }
0x6c: {  	s28 =	simm.s32 $0x6A00;
	s29 =	simm.s32 $0xAA80;
	[sflag:s23] =	ssyncadd.s32 $0xFFFFFC00  }
0x6d: {  	[tilespmem:s29], [sflag:$0x1] =	stream.indirect.gather [hbm4b:s7+s21], $0x8, s28, s21, $0xb8;
	[tilespmem:$0xF280] =	vst v63  }
0x6e: {  	_ =	swait.ge [sflag:s23], $0x400  }
0x6f: {  	[sflag:s23] =	ssyncset.done $0x0  }
0x70: {  	s28 =	simm.s32 $0x6A80;
	s29 =	simm.s32 $0xAE80;
	[sflag:s23] =	ssyncadd.s32 $0xFFFFFC00  }
0x71: {  	[tilespmem:s29], [sflag:$0x1] =	stream.indirect.gather [hbm4b:s7+s21], $0x8, s28, s21, $0xb8;
	[tilespmem:$0xF280] =	vst v63  }
0x72: {  	_ =	swait.ge [sflag:s23], $0x400  }
0x73: {  	v3 =	vor.u32 s26, v0;
	[sflag:s23] =	ssyncset.done $0x0  }
0x74: {  	v2 =	vand.u32 v1, v3;
	s26 =	simm.s32 $0x6B00;
	s29 =	simm.s32 $0xB280;
	[sflag:s23] =	ssyncadd.s32 $0xFFFFFC00  }
0x75: {  	v4 =	vshrl.u32 v3, $0x3;
	[tilespmem:s29], [sflag:$0x1] =	stream.indirect.gather [hbm4b:s7+s21], $0x8, s26, s21, $0xb8;
	[tilespmem:$0xF280] =	vst v63  }
0x76: {  	_ =	swait.ge [sflag:s23], $0x400  }
0x77: {  	[sflag:s23] =	ssyncset.done $0x0  }
0x78: {  	[sflag:s23] =	ssyncadd.s32 $0xFFFFFC00  }
0x79: {  	v3 =	vld.idx.msk [tilespmem:v2+s22+$0x0], $0xffff  }
0x7a: {  	v5 =	vld.idx.msk [tilespmem:v4+s20+$0x0], $0xffff  }
0x7b: {  	s29 =	simm.s32 $0x10  }
0x7c: {  	v6 =	vor.u32 s29, v0  }
0x7d: {  	s26 =	simm.s32 $0x20;
	v4 =	vand.u32 v1, v6  }
.LBB2_3:
0x7e: {  	p1 =	sne.s32 s26, $0x3BF0;
	v6 =	vshrl.u32 v6, $0x3  }
0x7f: {  	v3 =	vmul.f32 v3, v5;
	_ =	sdelay $0x1  }
0x80: {  	[tilespmem:v2+s11+$0x0] =	vst.idx.msk $0xffff, v3;
	v2 =	vmov v4  }
0x81: {  	v3 =	vld.idx.msk [tilespmem:v4+s22+$0x0], $0xffff  }
.Ltmp2:
0x82: {  	v5 =	vld.idx.msk [tilespmem:v6+s20+$0x0], $0xffff;
	(pc) =	sbr.rel @p1 .LBB2_3-.Ltmp2, $3  }
0x83: {  	_ =	sdelay $0x1  }
0x84: {  	v6 =	vor.u32 s26, v0  }
0x85: {  	s26 =	sadd.s32 $0x10, s26;
	v4 =	vand.u32 v1, v6  }
0x86: {  	_ = 	snop  }
0x87: {  	v6 =	vshrl.u32 v6, $0x3  }
0x88: {  	v3 =	vmul.f32 v3, v5;
	_ =	sdelay $0x1  }
0x89: {  	[tilespmem:v2+s11+$0x0] =	vst.idx.msk $0xffff, v3  }
0x8a: {  	v2 =	vld.idx.msk [tilespmem:v4+s22+$0x0], $0xffff  }
0x8b: {  	v3 =	vld.idx.msk [tilespmem:v6+s20+$0x0], $0xffff;
	_ =	sdelay $0x4  }
0x8c: {  	v2 =	vmul.f32 v2, v3;
	_ =	sdelay $0x1  }
0x8d: {  	[tilespmem:v4+s11+$0x0] =	vst.idx.msk $0xffff, v2  }
0x8e: {  	[spmem:s3] =	stream.indirect.scatter.add.f32 [tilespmem:s11], [sflag:$0x2], $0x8, s19, s21, $0xb8;
	[tilespmem:$0xF280] =	vst v63  }
0x8f: {  	_ =	swait.ge [sflag:s17], $0x400  }
0x90: {  	[sflag:s17] =	ssyncset.done $0x0  }
0x91: {  	s26 =	simm.s32 $0x6C00;
	s28 =	simm.s32 $0xBA80;
	[sflag:s17] =	ssyncadd.s32 $0xFFFFFC00  }
0x92: {  	[spmem:s3] =	stream.indirect.scatter.add.f32 [tilespmem:s28], [sflag:$0x2], $0x8, s26, s21, $0xb8;
	[tilespmem:$0xF280] =	vst v63  }
0x93: {  	_ =	swait.ge [sflag:s17], $0x400  }
0x94: {  	[sflag:s17] =	ssyncset.done $0x0  }
0x95: {  	s29 =	simm.s32 $0xBE80;
	s26 =	simm.s32 $0x6C80;
	[sflag:s17] =	ssyncadd.s32 $0xFFFFFC00  }
0x96: {  	[spmem:s3] =	stream.indirect.scatter.add.f32 [tilespmem:s29], [sflag:$0x2], $0x8, s26, s21, $0xb8;
	[tilespmem:$0xF280] =	vst v63  }
0x97: {  	_ =	swait.ge [sflag:s17], $0x400  }
0x98: {  	[sflag:s17] =	ssyncset.done $0x0  }
0x99: {  	s26 =	simm.s32 $0x6D00;
	s29 =	simm.s32 $0xC280;
	[sflag:s17] =	ssyncadd.s32 $0xFFFFFC00  }
0x9a: {  	[spmem:s3] =	stream.indirect.scatter.add.f32 [tilespmem:s29], [sflag:$0x2], $0x8, s26, s21, $0xb8;
	[tilespmem:$0xF280] =	vst v63  }
0x9b: {  	_ =	swait.ge [sflag:s17], $0x400  }
0x9c: {  	[sflag:s17] =	ssyncset.done $0x0  }
0x9d: {  	s26 =	simm.s32 $0x6D80;
	s29 =	simm.s32 $0xC680;
	[sflag:s17] =	ssyncadd.s32 $0xFFFFFC00  }
0x9e: {  	[spmem:s3] =	stream.indirect.scatter.add.f32 [tilespmem:s29], [sflag:$0x2], $0x8, s26, s21, $0xb8;
	[tilespmem:$0xF280] =	vst v63  }
0x9f: {  	_ =	swait.ge [sflag:s17], $0x400  }
0xa0: {  	[sflag:s17] =	ssyncset.done $0x0  }
0xa1: {  	s26 =	simm.s32 $0x6E00;
	s29 =	simm.s32 $0xCA80;
	[sflag:s17] =	ssyncadd.s32 $0xFFFFFC00  }
0xa2: {  	[spmem:s3] =	stream.indirect.scatter.add.f32 [tilespmem:s29], [sflag:$0x2], $0x8, s26, s21, $0xb8;
	[tilespmem:$0xF280] =	vst v63  }
0xa3: {  	_ =	swait.ge [sflag:s17], $0x400  }
0xa4: {  	[sflag:s17] =	ssyncset.done $0x0  }
0xa5: {  	s26 =	simm.s32 $0x6E80;
	s29 =	simm.s32 $0xCE80;
	[sflag:s17] =	ssyncadd.s32 $0xFFFFFC00  }
0xa6: {  	[spmem:s3] =	stream.indirect.scatter.add.f32 [tilespmem:s29], [sflag:$0x2], $0x8, s26, s21, $0xb8;
	[tilespmem:$0xF280] =	vst v63  }
0xa7: {  	_ =	swait.ge [sflag:s17], $0x400  }
0xa8: {  	[sflag:s17] =	ssyncset.done $0x0  }
0xa9: {  	s26 =	simm.s32 $0x6F00;
	s29 =	simm.s32 $0xD280;
	[sflag:s17] =	ssyncadd.s32 $0xFFFFFC00  }
0xaa: {  	[spmem:s3] =	stream.indirect.scatter.add.f32 [tilespmem:s29], [sflag:$0x2], $0x8, s26, s21, $0xb8;
	[tilespmem:$0xF280] =	vst v63  }
0xab: {  	_ =	swait.ge [sflag:s17], $0x400  }
0xac: {  	[sflag:s17] =	ssyncset.done $0x0  }
0xad: {  	[sflag:s17] =	ssyncadd.s32 $0xFFFFFC00  }
0xae: {  	[spmem:s3] =	stream.indirect.scatter.add.f32 [tilespmem:s31], [sflag:$0x2], $0x8, s30, s21, $0xb8;
	[tilespmem:$0xF280] =	vst v63  }
0xaf: {  	_ =	swait.ge [sflag:s17], $0x400  }
0xb0: {  	[sflag:s17] =	ssyncset.done $0x0  }
0xb1: {  	[sflag:s17] =	ssyncadd.s32 $0xFFFFFC00  }
0xb2: {  	[spmem:s3] =	stream.indirect.scatter.add.f32 [tilespmem:s1], [sflag:$0x2], $0x8, s0, s21, $0xb8;
	[tilespmem:$0xF280] =	vst v63  }
0xb3: {  	_ =	swait.ge [sflag:s17], $0x400  }
0xb4: {  	[sflag:s17] =	ssyncset.done $0x0  }
0xb5: {  	[sflag:s17] =	ssyncadd.s32 $0xFFFFFC00  }
0xb6: {  	[spmem:s3] =	stream.indirect.scatter.add.f32 [tilespmem:s13], [sflag:$0x2], $0x8, s12, s21, $0xb8;
	[tilespmem:$0xF280] =	vst v63  }
0xb7: {  	_ =	swait.ge [sflag:s17], $0x400  }
0xb8: {  	[sflag:s17] =	ssyncset.done $0x0  }
0xb9: {  	[sflag:s17] =	ssyncadd.s32 $0xFFFFFC00  }
0xba: {  	[spmem:s3] =	stream.indirect.scatter.add.f32 [tilespmem:s14], [sflag:$0x2], $0x8, s8, s21, $0xb8;
	[tilespmem:$0xF280] =	vst v63  }
0xbb: {  	_ =	swait.ge [sflag:s17], $0x400  }
0xbc: {  	[sflag:s17] =	ssyncset.done $0x0  }
0xbd: {  	[sflag:s17] =	ssyncadd.s32 $0xFFFFFC00  }
0xbe: {  	[spmem:s3] =	stream.indirect.scatter.add.f32 [tilespmem:s9], [sflag:$0x2], $0x8, s15, s21, $0xb8;
	[tilespmem:$0xF280] =	vst v63  }
0xbf: {  	_ =	swait.ge [sflag:s17], $0x400  }
0xc0: {  	[sflag:s17] =	ssyncset.done $0x0  }
0xc1: {  	[sflag:s17] =	ssyncadd.s32 $0xFFFFFC00  }
0xc2: {  	[spmem:s3] =	stream.indirect.scatter.add.f32 [tilespmem:s4], [sflag:$0x2], $0x8, s16, s21, $0xb8;
	[tilespmem:$0xF280] =	vst v63  }
0xc3: {  	s25 =	sadd.s32 $0x1, s25;
	_ =	swait.ge [sflag:s17], $0x400  }
0xc4: {  	p1 =	sne.s32 s25, $0x1A;
	[sflag:s17] =	ssyncset.done $0x0  }
.Ltmp3:
0xc5: {  	[sflag:s17] =	ssyncadd.s32 $0xFFFFFC00;
	(pc) =	sbr.rel @p1 .LBB2_2-.Ltmp3, $4  }
0xc6: {  	[spmem:s3] =	stream.indirect.scatter.add.f32 [tilespmem:s24], [sflag:$0x2], $0x8, s2, s21, $0xb8;
	[tilespmem:$0xF280] =	vst v63  }
0xc7: {  	_ =	swait.ge [sflag:s17], $0x400  }
0xc8: {  	[sflag:s17] =	ssyncset.done $0x0  }
0xc9: {  	[sflag:s17] =	ssyncadd.s32 $0xFFFFFC00  }
.Ltmp4:
0xca: {  	(pc) =	sbr.rel @p0 .LBB2_9-.Ltmp4, $4  }
0xcb: {  	_ = 	snop  }
0xcc: {  	s25 =	rddreg [dreg:$0x4]  }
0xcd: {  	s26 =	rddreg [dreg:$0x6]  }
0xce: {  	s29 =	rddreg [dreg:$0xc]  }
0xcf: {  	s25 =	simm.s32 $0x0;
	s28 =	rddreg [dreg:$0x7]  }
0xd0: {  	[tilespmem:s18], [sflag:$0x2] =	stream.linear.gather [hbm4b:s28+s25], $0x80, $0x38;
	[tilespmem:$0xF280] =	vst v63  }
0xd1: {  	_ =	swait.ge [sflag:s17], $0x80  }
0xd2: {  	[sflag:s17] =	ssyncset.done $0x0  }
0xd3: {  	s28 =	rddreg [dreg:$0x8];
	[sflag:s17] =	ssyncadd.s32 $0xFFFFFF80  }
0xd4: {  	[tilespmem:s19], [sflag:$0x2] =	stream.linear.gather [hbm4b:s28+s25], $0x80, $0x38;
	[tilespmem:$0xF280] =	vst v63  }
0xd5: {  	_ =	swait.ge [sflag:s17], $0x80  }
0xd6: {  	[sflag:s17] =	ssyncset.done $0x0  }
0xd7: {  	s28 =	rddreg [dreg:$0x9];
	[sflag:s17] =	ssyncadd.s32 $0xFFFFFF80  }
0xd8: {  	[tilespmem:s20], [sflag:$0x2] =	stream.linear.gather [hbm4b:s28+s25], $0x80, $0x38;
	[tilespmem:$0xF280] =	vst v63  }
0xd9: {  	_ =	swait.ge [sflag:s17], $0x80  }
0xda: {  	v3 =	vor.u32 s25, v0;
	[sflag:s17] =	ssyncset.done $0x0  }
0xdb: {  	v2 =	vand.u32 v1, v3;
	[sflag:s17] =	ssyncadd.s32 $0xFFFFFF80  }
0xdc: {  	v4 =	vshrl.u32 v3, $0x3;
	[tilespmem:s22], [sflag:$0x1] =	stream.indirect.gather [hbm4b:s7+s21], $0x8, s18, s21, $0xb8;
	[tilespmem:$0xF280] =	vst v63  }
0xdd: {  	_ =	swait.ge [sflag:s23], $0x400  }
0xde: {  	[sflag:s23] =	ssyncset.done $0x0  }
0xdf: {  	[sflag:s23] =	ssyncadd.s32 $0xFFFFFC00  }
0xe0: {  	v3 =	vld.idx.msk [tilespmem:v2+s22+$0x0], $0xffff  }
0xe1: {  	v5 =	vld.idx.msk [tilespmem:v4+s20+$0x0], $0xffff  }
0xe2: {  	s28 =	simm.s32 $0x10  }
0xe3: {  	v6 =	vor.u32 s28, v0  }
0xe4: {  	s25 =	simm.s32 $0x20;
	v4 =	vand.u32 v1, v6  }
.LBB2_7:
0xe5: {  	p1 =	sne.s32 s25, $0x3F0;
	v6 =	vshrl.u32 v6, $0x3  }
0xe6: {  	v3 =	vmul.f32 v3, v5;
	_ =	sdelay $0x1  }
0xe7: {  	[tilespmem:v2+s11+$0x0] =	vst.idx.msk $0xffff, v3;
	v2 =	vmov v4  }
0xe8: {  	v3 =	vld.idx.msk [tilespmem:v4+s22+$0x0], $0xffff  }
.Ltmp5:
0xe9: {  	v5 =	vld.idx.msk [tilespmem:v6+s20+$0x0], $0xffff;
	(pc) =	sbr.rel @p1 .LBB2_7-.Ltmp5, $3  }
0xea: {  	_ =	sdelay $0x1  }
0xeb: {  	v6 =	vor.u32 s25, v0  }
0xec: {  	s25 =	sadd.s32 $0x10, s25;
	v4 =	vand.u32 v1, v6  }
0xed: {  	_ = 	snop  }
0xee: {  	v6 =	vshrl.u32 v6, $0x3  }
0xef: {  	v3 =	vmul.f32 v3, v5;
	_ =	sdelay $0x1  }
0xf0: {  	[tilespmem:v2+s11+$0x0] =	vst.idx.msk $0xffff, v3  }
0xf1: {  	v2 =	vld.idx.msk [tilespmem:v4+s22+$0x0], $0xffff  }
0xf2: {  	v3 =	vld.idx.msk [tilespmem:v6+s20+$0x0], $0xffff;
	_ =	sdelay $0x4  }
0xf3: {  	v2 =	vmul.f32 v2, v3;
	_ =	sdelay $0x1  }
.Ltmp6:
0xf4: {  	[tilespmem:v4+s11+$0x0] =	vst.idx.msk $0xffff, v2;
	(pc) =	sbr.rel .LBB2_9-.Ltmp6, $4  }
0xf5: {  	[spmem:s3] =	stream.indirect.scatter.add.f32 [tilespmem:s11], [sflag:$0x2], $0x8, s19, s21, $0xb8;
	[tilespmem:$0xF280] =	vst v63  }
0xf6: {  	_ =	swait.ge [sflag:s17], $0x400  }
0xf7: {  	[sflag:s17] =	ssyncset.done $0x0  }
0xf8: {  	s25 =	rddreg [dreg:$0x4];
	[sflag:s17] =	ssyncadd.s32 $0xFFFFFC00  }
.LBB2_10:
0xf9: {  	_ =	sfence.sel $0x180000  }
0xfa: {  	[bflag:$0x0] =	sbarrier.arrive $0xFFFF  }
0xfb: {  	_ =	strace $0x9000004A  }
0xfc: {  	s0 =	stileid.u32;
	[bflag:$0x2] =	sbarrier.arrive $0xFFFF  }
0xfd: {  	p0 =	sne.s32 s0, $0x0;
	s0 =	rddreg [dreg:$0x3]  }
0xfe: {  	s0 =	sadd.s32 @!p0 $0x100000, s0  }
0xff: {  	[sflag:s0] =	ssyncadd.tile.s32 @!p0 $0x1;
	_ =	shalt  }
.Lfunc_end2:
_tile_overlayer_lowered:
.L_overlay_start_2:
0x100: {  	(tag) =	ssettag $0x2  }
0x101: {  	s0 =	rddreg [dreg:$0x0];
	s2 =	stileid.u32  }
0x102: {  	s1 =	rddreg [dreg:$0x1];
	p0 =	sne.s32 s2, $0x0  }
0x103: {  	s3 =	rddreg [dreg:$0x2];
	[bflag:$0x3] =	sbarrier.arrive $0xFFFF;
	s2 =	simm.s32 @!p0 $0x1C02  }
0x104: {  	[timem:s3], [sflag:s2] =	dma.local @!p0 [hbm:s0], s1  }
0x105: {  	s0 =	simm.s32 @!p0 $0x2  }
0x106: {  	_ =	swait.ge @!p0 [sflag:s0], s1  }
0x107: {  	s1 =	ssub.s32 @!p0 $0x0, s1;
	[sflag:s0] =	ssyncset.done @!p0 $0x0  }
0x108: {  	[sflag:s0] =	ssyncadd.s32 @!p0 s1  }
0x109: {  	[bflag:$0x3] =	sbarrier.arrive $0xFFFF  }
0x10a: {  	_ =	shalt  }

</sc_bundles>
